<compile_context>
chip_gen: v7x
topology: tpu7x:2x2x1
jax: 0.10.2.dev20260603
libtpu: 0.0.44.dev20260713+nightly
codegen_flags: <defaults>
</compile_context>

<pallas_src>
import jax
import jax.numpy as jnp
from jax import lax
from jax.experimental import pallas as pl
from jax.experimental.pallas import tpu as pltpu
from jax.experimental.pallas import tpu_sc as plsc

_VOCAB = 100000
_REPLACE_ID = _VOCAB + 1
_B = 128
_L = 2048
_NW = 16
_RPW = _B // _NW
_HALF = _RPW // 2
_LANES = 16
_NCHUNK = _L // _LANES


def _sc_body(seq_hbm, logit_hbm, u_hbm, seqout_hbm, logits_hbm, mask_hbm,
             seq_v, u_v, l_v, seqout_v, mask_v, logits_v, f_v,
             sem_in0, sem_in1, sem_out):
    wid = lax.axis_index("s")
    base = wid * _RPW

    pltpu.sync_copy(logit_hbm, l_v)
    cp_seq0 = pltpu.async_copy(
        seq_hbm.at[pl.ds(base, _HALF)], seq_v.at[pl.ds(0, _HALF)], sem_in0)
    cp_u0 = pltpu.async_copy(
        u_hbm.at[pl.ds(base, _HALF)], u_v.at[pl.ds(0, _HALF)], sem_in0)
    cp_seq1 = pltpu.async_copy(
        seq_hbm.at[pl.ds(base + _HALF, _HALF)], seq_v.at[pl.ds(_HALF, _HALF)],
        sem_in1)
    cp_u1 = pltpu.async_copy(
        u_hbm.at[pl.ds(base + _HALF, _HALF)], u_v.at[pl.ds(_HALF, _HALF)],
        sem_in1)

    def fbody(j, spacc):
        for t in range(4):
            off = (4 * j + t) * _LANES
            lv = l_v[pl.ds(off, _LANES)]
            f_v[pl.ds(off, _LANES)] = 1.0 + jnp.exp(0.0 - lv)
            z = jnp.exp(jnp.minimum(lv, 0.0 - lv))
            t0 = z * (1.0 + z * (-0.5 + z * (0.33333333 + z * (-0.25))))
            s = 1.0 + z
            t1 = t0 - 1.0 + s * jnp.exp(0.0 - t0)
            t2 = t1 - 1.0 + s * jnp.exp(0.0 - t1)
            spacc = spacc + jnp.maximum(lv, 0.0) + t2
        return spacc

    zero = jnp.zeros((_LANES,), jnp.float32)
    spacc = lax.fori_loop(0, _NCHUNK // 4, fbody, zero)
    spsum = spacc[0]
    for i in range(1, _LANES):
        spsum = spsum + spacc[i]

    def make_body(r0, nrows):
        def body(j, accs):
            accs = list(accs)
            for t in range(4):
                off = (4 * j + t) * _LANES
                lv = l_v[pl.ds(off, _LANES)]
                fv = f_v[pl.ds(off, _LANES)]
                for r in range(nrows):
                    row = r0 + r
                    uv = u_v[row, pl.ds(off, _LANES)]
                    sv = seq_v[row, pl.ds(off, _LANES)]
                    m = uv * fv < 1.0
                    mask_v[row, pl.ds(off, _LANES)] = (
                        jnp.where(m, 1.0, 0.0).astype(jnp.float32))
                    seqout_v[row, pl.ds(off, _LANES)] = (
                        jnp.where(m, _REPLACE_ID, sv).astype(jnp.int32))
                    accs[r] = accs[r] + jnp.where(m, lv, 0.0)
            return tuple(accs)
        return body

    cp_seq0.wait()
    cp_u0.wait()
    accs0 = lax.fori_loop(0, _NCHUNK // 4, make_body(0, _HALF),
                          (zero,) * _HALF)
    cp_o_seq0 = pltpu.async_copy(
        seqout_v.at[pl.ds(0, _HALF)], seqout_hbm.at[pl.ds(base, _HALF)],
        sem_out)
    cp_o_mask0 = pltpu.async_copy(
        mask_v.at[pl.ds(0, _HALF)], mask_hbm.at[pl.ds(base, _HALF)], sem_out)

    cp_seq1.wait()
    cp_u1.wait()
    accs1 = lax.fori_loop(0, _NCHUNK // 4, make_body(_HALF, _HALF),
                          (zero,) * _HALF)
    cp_o_seq1 = pltpu.async_copy(
        seqout_v.at[pl.ds(_HALF, _HALF)],
        seqout_hbm.at[pl.ds(base + _HALF, _HALF)], sem_out)
    cp_o_mask1 = pltpu.async_copy(
        mask_v.at[pl.ds(_HALF, _HALF)],
        mask_hbm.at[pl.ds(base + _HALF, _HALF)], sem_out)

    ids = lax.broadcasted_iota(jnp.int32, (_LANES,), 0)
    logvec = jnp.zeros((_LANES,), jnp.float32)
    for r in range(_RPW):
        acc = (accs0 + accs1)[r]
        acc = acc + lax.rev(acc, (0,))
        tot = acc[0]
        for i in range(1, _LANES // 2):
            tot = tot + acc[i]
        logvec = jnp.where(ids == r, tot - spsum, logvec)
    logits_v[...] = logvec
    cp_o_log = pltpu.async_copy(
        logits_v.at[pl.ds(0, _RPW)], logits_hbm.at[pl.ds(base, _RPW)], sem_out)

    cp_o_seq0.wait()
    cp_o_mask0.wait()
    cp_o_seq1.wait()
    cp_o_mask1.wait()
    cp_o_log.wait()


_sc_call = pl.kernel(
    _sc_body,
    out_type=[
        jax.ShapeDtypeStruct((_B, _L), jnp.int32),
        jax.ShapeDtypeStruct((_B,), jnp.float32),
        jax.ShapeDtypeStruct((_B, _L), jnp.float32),
    ],
    mesh=plsc.VectorSubcoreMesh(core_axis_name="c", subcore_axis_name="s",
                                num_cores=1),
    scratch_types=[
        pltpu.VMEM((_RPW, _L), jnp.int32),
        pltpu.VMEM((_RPW, _L), jnp.float32),
        pltpu.VMEM((_L,), jnp.float32),
        pltpu.VMEM((_RPW, _L), jnp.int32),
        pltpu.VMEM((_RPW, _L), jnp.float32),
        pltpu.VMEM((_LANES,), jnp.float32),
        pltpu.VMEM((_L,), jnp.float32),
        pltpu.SemaphoreType.DMA,
        pltpu.SemaphoreType.DMA,
        pltpu.SemaphoreType.DMA,
    ],
)


def kernel(sequence, prob_mask_logits, u):
    seq_out, logits, hard_mask = _sc_call(sequence, prob_mask_logits, u)
    return (seq_out, logits, hard_mask)

# --- scband reference (transcript-rebuilt; emitter-appended) ---
"""Pipeline reference for scband-masker-9225589751841 (READ-ONLY COPY).

The authoritative reference and input builder live on the scoring server;
editing this copy changes nothing except your own understanding.
"""

import jax, jax.numpy as jnp
import numpy as np

VOCAB_SIZE = 100000
MAX_LEN = 2048
BATCH = 128
REPLACE_ID = VOCAB_SIZE + 1


def setup_inputs(seed: int = 0) -> dict:
    key = jax.random.key(seed)
    k1, k2 = jax.random.split(key)
    sequence = jax.random.randint(k1, (BATCH, MAX_LEN), 0, VOCAB_SIZE, dtype=jnp.int32)
    # learned parameter: prob_mask_logits = zeros(max_len) + prior (prior=0.0)
    prob_mask_logits = jnp.zeros((MAX_LEN,), dtype=jnp.float32)
    # uniform noise to make Bernoulli sampling deterministic/reproducible
    u = jax.random.uniform(k2, (BATCH, MAX_LEN), dtype=jnp.float32)
    return {"sequence": sequence, "prob_mask_logits": prob_mask_logits, "u": u}


def reference(sequence, prob_mask_logits, u):
    B, L = sequence.shape
    extended_logits = jnp.broadcast_to(prob_mask_logits[None, :], (B, L))
    # Bernoulli(logits=l) sample via inverse-CDF with uniform noise
    p = jax.nn.sigmoid(extended_logits)
    hard_mask = (u < p).astype(jnp.float32)
    # Bernoulli log_prob(x) = x * logits - softplus(logits)
    log_prob = hard_mask * extended_logits - jax.nn.softplus(extended_logits)
    logits = log_prob.sum(axis=-1)
    hard_mask_byte = hard_mask > 0.5
    seq_out = jnp.where(hard_mask_byte, jnp.asarray(REPLACE_ID, dtype=sequence.dtype), sequence)
    return (seq_out, logits, hard_mask)

if __name__ == "__main__":
    import jax
    _d = setup_inputs()
    print(jax.jit(kernel)(*tuple(_d.values())))

</pallas_src>

<mosaic_0001>
#map = affine_map<(d0, d1) -> (0, 0)>
#map1 = affine_map<(d0, d1) -> (0)>
module attributes {stable_mosaic.version = 14 : i64} {
  func.func @_sc_body(%arg0: i32, %arg1: i32, %arg2: memref<128x2048xi32, #tpu.memory_space<hbm>>, %arg3: memref<2048xf32, #tpu.memory_space<hbm>>, %arg4: memref<128x2048xf32, #tpu.memory_space<hbm>>, %arg5: memref<128x2048xi32, #tpu.memory_space<hbm>>, %arg6: memref<128xf32, #tpu.memory_space<hbm>>, %arg7: memref<128x2048xf32, #tpu.memory_space<hbm>>, %arg8: memref<8x2048xi32, #tpu.memory_space<vmem>>, %arg9: memref<8x2048xf32, #tpu.memory_space<vmem>>, %arg10: memref<2048xf32, #tpu.memory_space<vmem>>, %arg11: memref<8x2048xi32, #tpu.memory_space<vmem>>, %arg12: memref<8x2048xf32, #tpu.memory_space<vmem>>, %arg13: memref<16xf32, #tpu.memory_space<vmem>>, %arg14: memref<2048xf32, #tpu.memory_space<vmem>>, %arg15: memref<!tpu.dma_semaphore, #tpu.memory_space<semaphore_mem>>, %arg16: memref<!tpu.dma_semaphore, #tpu.memory_space<semaphore_mem>>, %arg17: memref<!tpu.dma_semaphore, #tpu.memory_space<semaphore_mem>>) attributes {dimension_semantics = [#tpu.dimension_semantics<core_parallel>, #tpu.dimension_semantics<subcore_parallel>], iteration_bounds = array<i64: 1, 16>, scalar_prefetch = 0 : i64, scratch_operands = 10 : i64, tpu.core_type = #tpu.core_type<sc_vector_subcore>, window_params = [{transform_indices = #map}, {transform_indices = #map1}, {transform_indices = #map}, {transform_indices = #map}, {transform_indices = #map1}, {transform_indices = #map}]} {
    %mul3A = arith.constant 8 : i32
    %mul3A_0 = arith.muli %arg1, %mul3A : i32
    "tpu.region"() ({
      %run_scoped3A = tpu.sem_alloc : memref<!tpu.dma_semaphore, #tpu.memory_space<semaphore_mem>>
      tpu.enqueue_dma source(%arg3 : memref<2048xf32, #tpu.memory_space<hbm>>) target(%arg10 : memref<2048xf32, #tpu.memory_space<vmem>>) target_semaphore(%run_scoped3A : memref<!tpu.dma_semaphore, #tpu.memory_space<semaphore_mem>>)
      tpu.wait_dma2 semaphore(%run_scoped3A : memref<!tpu.dma_semaphore, #tpu.memory_space<semaphore_mem>>) src(%arg3 : memref<2048xf32, #tpu.memory_space<hbm>>) dst(%arg10 : memref<2048xf32, #tpu.memory_space<vmem>>)
      tpu.yield
    }) : () -> ()
    %dma_start3A = arith.constant 0 : i32
    %dma_start3A_1 = arith.constant 0 : i32
    %dma_start3A_2 = tpu.memref_slice %arg8[%dma_start3A, %dma_start3A_1] : memref<8x2048xi32, #tpu.memory_space<vmem>> -> memref<4x2048xi32, #tpu.memory_space<vmem>>
    %dma_start3A_3 = arith.constant 0 : i32
    %dma_start3A_4 = tpu.memref_slice %arg2[%mul3A_0, %dma_start3A_3] : memref<128x2048xi32, #tpu.memory_space<hbm>> -> memref<4x2048xi32, #tpu.memory_space<hbm>>
    %dma_start3A_5 = arith.constant 0 : i32
    %dma_start3A_6 = arith.constant 0 : i32
    %dma_start3A_7 = tpu.memref_slice %arg8[%dma_start3A_5, %dma_start3A_6] : memref<8x2048xi32, #tpu.memory_space<vmem>> -> memref<4x2048xi32, #tpu.memory_space<vmem>>
    %dma_start3A_8 = arith.constant 0 : i32
    %dma_start3A_9 = tpu.memref_slice %arg2[%mul3A_0, %dma_start3A_8] : memref<128x2048xi32, #tpu.memory_space<hbm>> -> memref<4x2048xi32, #tpu.memory_space<hbm>>
    tpu.enqueue_dma source(%dma_start3A_9 : memref<4x2048xi32, #tpu.memory_space<hbm>>) target(%dma_start3A_7 : memref<4x2048xi32, #tpu.memory_space<vmem>>) target_semaphore(%arg15 : memref<!tpu.dma_semaphore, #tpu.memory_space<semaphore_mem>>)
    %dma_start3A_10 = arith.constant 0 : i32
    %dma_start3A_11 = arith.constant 0 : i32
    %dma_start3A_12 = tpu.memref_slice %arg9[%dma_start3A_10, %dma_start3A_11] : memref<8x2048xf32, #tpu.memory_space<vmem>> -> memref<4x2048xf32, #tpu.memory_space<vmem>>
    %dma_start3A_13 = arith.constant 0 : i32
    %dma_start3A_14 = tpu.memref_slice %arg4[%mul3A_0, %dma_start3A_13] : memref<128x2048xf32, #tpu.memory_space<hbm>> -> memref<4x2048xf32, #tpu.memory_space<hbm>>
    %dma_start3A_15 = arith.constant 0 : i32
    %dma_start3A_16 = arith.constant 0 : i32
    %dma_start3A_17 = tpu.memref_slice %arg9[%dma_start3A_15, %dma_start3A_16] : memref<8x2048xf32, #tpu.memory_space<vmem>> -> memref<4x2048xf32, #tpu.memory_space<vmem>>
    %dma_start3A_18 = arith.constant 0 : i32
    %dma_start3A_19 = tpu.memref_slice %arg4[%mul3A_0, %dma_start3A_18] : memref<128x2048xf32, #tpu.memory_space<hbm>> -> memref<4x2048xf32, #tpu.memory_space<hbm>>
    tpu.enqueue_dma source(%dma_start3A_19 : memref<4x2048xf32, #tpu.memory_space<hbm>>) target(%dma_start3A_17 : memref<4x2048xf32, #tpu.memory_space<vmem>>) target_semaphore(%arg15 : memref<!tpu.dma_semaphore, #tpu.memory_space<semaphore_mem>>)
    %add3A = arith.constant 4 : i32
    %add3A_20 = arith.addi %mul3A_0, %add3A : i32
    %dma_start3A_21 = arith.constant 4 : i32
    %dma_start3A_22 = arith.constant 0 : i32
    %dma_start3A_23 = tpu.memref_slice %arg8[%dma_start3A_21, %dma_start3A_22] : memref<8x2048xi32, #tpu.memory_space<vmem>> -> memref<4x2048xi32, #tpu.memory_space<vmem>>
    %dma_start3A_24 = arith.constant 0 : i32
    %dma_start3A_25 = tpu.memref_slice %arg2[%add3A_20, %dma_start3A_24] : memref<128x2048xi32, #tpu.memory_space<hbm>> -> memref<4x2048xi32, #tpu.memory_space<hbm>>
    %dma_start3A_26 = arith.constant 4 : i32
    %dma_start3A_27 = arith.constant 0 : i32
    %dma_start3A_28 = tpu.memref_slice %arg8[%dma_start3A_26, %dma_start3A_27] : memref<8x2048xi32, #tpu.memory_space<vmem>> -> memref<4x2048xi32, #tpu.memory_space<vmem>>
    %dma_start3A_29 = arith.constant 0 : i32
    %dma_start3A_30 = tpu.memref_slice %arg2[%add3A_20, %dma_start3A_29] : memref<128x2048xi32, #tpu.memory_space<hbm>> -> memref<4x2048xi32, #tpu.memory_space<hbm>>
    tpu.enqueue_dma source(%dma_start3A_30 : memref<4x2048xi32, #tpu.memory_space<hbm>>) target(%dma_start3A_28 : memref<4x2048xi32, #tpu.memory_space<vmem>>) target_semaphore(%arg16 : memref<!tpu.dma_semaphore, #tpu.memory_space<semaphore_mem>>)
    %add3A_31 = arith.constant 4 : i32
    %add3A_32 = arith.addi %mul3A_0, %add3A_31 : i32
    %dma_start3A_33 = arith.constant 4 : i32
    %dma_start3A_34 = arith.constant 0 : i32
    %dma_start3A_35 = tpu.memref_slice %arg9[%dma_start3A_33, %dma_start3A_34] : memref<8x2048xf32, #tpu.memory_space<vmem>> -> memref<4x2048xf32, #tpu.memory_space<vmem>>
    %dma_start3A_36 = arith.constant 0 : i32
    %dma_start3A_37 = tpu.memref_slice %arg4[%add3A_32, %dma_start3A_36] : memref<128x2048xf32, #tpu.memory_space<hbm>> -> memref<4x2048xf32, #tpu.memory_space<hbm>>
    %dma_start3A_38 = arith.constant 4 : i32
    %dma_start3A_39 = arith.constant 0 : i32
    %dma_start3A_40 = tpu.memref_slice %arg9[%dma_start3A_38, %dma_start3A_39] : memref<8x2048xf32, #tpu.memory_space<vmem>> -> memref<4x2048xf32, #tpu.memory_space<vmem>>
    %dma_start3A_41 = arith.constant 0 : i32
    %dma_start3A_42 = tpu.memref_slice %arg4[%add3A_32, %dma_start3A_41] : memref<128x2048xf32, #tpu.memory_space<hbm>> -> memref<4x2048xf32, #tpu.memory_space<hbm>>
    tpu.enqueue_dma source(%dma_start3A_42 : memref<4x2048xf32, #tpu.memory_space<hbm>>) target(%dma_start3A_40 : memref<4x2048xf32, #tpu.memory_space<vmem>>) target_semaphore(%arg16 : memref<!tpu.dma_semaphore, #tpu.memory_space<semaphore_mem>>)
    %broadcast_in_dim3A = arith.constant 0.000000e+00 : f32
    %broadcast_in_dim3A_43 = vector.broadcast %broadcast_in_dim3A : f32 to vector<16xf32>
    %scan3A = arith.constant 0 : i32
    %scan3A_44 = arith.constant 32 : i32
    %scan3A_45 = arith.addi %scan3A, %scan3A_44 : i32
    %scan3A_46 = arith.constant 1 : i32
    %scan3A_47 = scf.for %scan3A_522 = %scan3A to %scan3A_45 step %scan3A_46 iter_args(%scan3A_523 = %broadcast_in_dim3A_43) -> (vector<16xf32>)  : i32 {
      %mul3A_524 = arith.constant 4 : i32
      %mul3A_525 = arith.muli %mul3A_524, %scan3A_522 : i32
      %add3A_526 = arith.constant 0 : i32
      %add3A_527 = arith.addi %mul3A_525, %add3A_526 : i32
      %mul3A_528 = arith.constant 16 : i32
      %mul3A_529 = arith.muli %add3A_527, %mul3A_528 : i32
      %get3A = arith.index_cast %mul3A_529 : i32 to index
      %get3A_530 = tpu.vector_load %arg10[%get3A] {strides = array<i32>} : memref<2048xf32, #tpu.memory_space<vmem>>, vector<16xf32>,
      %get3A_531 = vector.shape_cast %get3A_530 : vector<16xf32> to vector<16xf32>
      %sub3A_532 = arith.constant 0.000000e+00 : f32
      %sub3A_533 = vector.broadcast %sub3A_532 : f32 to vector<16xf32>
      %sub3A_534 = arith.subf %sub3A_533, %get3A_531 : vector<16xf32>
      %exp3A = math.exp %sub3A_534 : vector<16xf32>
      %add3A_535 = arith.constant 1.000000e+00 : f32
      %add3A_536 = vector.broadcast %add3A_535 : f32 to vector<16xf32>
      %add3A_537 = arith.addf %add3A_536, %exp3A : vector<16xf32>
      %swap3A_538 = arith.index_cast %mul3A_529 : i32 to index
      %swap3A_539 = tpu.vector_load %arg14[%swap3A_538] {strides = array<i32>} : memref<2048xf32, #tpu.memory_space<vmem>>, vector<16xf32>,
      %swap3A_540 = vector.shape_cast %swap3A_539 : vector<16xf32> to vector<16xf32>
      %swap3A_541 = vector.shape_cast %add3A_537 : vector<16xf32> to vector<16xf32>
      tpu.vector_store %arg14[%swap3A_538], %swap3A_541 {strides = array<i32>} : memref<2048xf32, #tpu.memory_space<vmem>>, vector<16xf32>,
      %sub3A_542 = arith.constant 0.000000e+00 : f32
      %sub3A_543 = vector.broadcast %sub3A_542 : f32 to vector<16xf32>
      %sub3A_544 = arith.subf %sub3A_543, %get3A_531 : vector<16xf32>
      %min3A = arith.minimumf %get3A_531, %sub3A_544 : vector<16xf32>
      %exp3A_545 = math.exp %min3A : vector<16xf32>
      %mul3A_546 = arith.constant -2.500000e-01 : f32
      %mul3A_547 = vector.broadcast %mul3A_546 : f32 to vector<16xf32>
      %mul3A_548 = arith.mulf %exp3A_545, %mul3A_547 : vector<16xf32>
      %add3A_549 = arith.constant 0.333333343 : f32
      %add3A_550 = vector.broadcast %add3A_549 : f32 to vector<16xf32>
      %add3A_551 = arith.addf %add3A_550, %mul3A_548 : vector<16xf32>
      %mul3A_552 = arith.mulf %exp3A_545, %add3A_551 : vector<16xf32>
      %add3A_553 = arith.constant -5.000000e-01 : f32
      %add3A_554 = vector.broadcast %add3A_553 : f32 to vector<16xf32>
      %add3A_555 = arith.addf %add3A_554, %mul3A_552 : vector<16xf32>
      %mul3A_556 = arith.mulf %exp3A_545, %add3A_555 : vector<16xf32>
      %add3A_557 = arith.constant 1.000000e+00 : f32
      %add3A_558 = vector.broadcast %add3A_557 : f32 to vector<16xf32>
      %add3A_559 = arith.addf %add3A_558, %mul3A_556 : vector<16xf32>
      %mul3A_560 = arith.mulf %exp3A_545, %add3A_559 : vector<16xf32>
      %add3A_561 = arith.constant 1.000000e+00 : f32
      %add3A_562 = vector.broadcast %add3A_561 : f32 to vector<16xf32>
      %add3A_563 = arith.addf %add3A_562, %exp3A_545 : vector<16xf32>
      %sub3A_564 = arith.constant 1.000000e+00 : f32
      %sub3A_565 = vector.broadcast %sub3A_564 : f32 to vector<16xf32>
      %sub3A_566 = arith.subf %mul3A_560, %sub3A_565 : vector<16xf32>
      %sub3A_567 = arith.constant 0.000000e+00 : f32
      %sub3A_568 = vector.broadcast %sub3A_567 : f32 to vector<16xf32>
      %sub3A_569 = arith.subf %sub3A_568, %mul3A_560 : vector<16xf32>
      %exp3A_570 = math.exp %sub3A_569 : vector<16xf32>
      %mul3A_571 = arith.mulf %add3A_563, %exp3A_570 : vector<16xf32>
      %add3A_572 = arith.addf %sub3A_566, %mul3A_571 : vector<16xf32>
      %sub3A_573 = arith.constant 1.000000e+00 : f32
      %sub3A_574 = vector.broadcast %sub3A_573 : f32 to vector<16xf32>
      %sub3A_575 = arith.subf %add3A_572, %sub3A_574 : vector<16xf32>
      %sub3A_576 = arith.constant 0.000000e+00 : f32
      %sub3A_577 = vector.broadcast %sub3A_576 : f32 to vector<16xf32>
      %sub3A_578 = arith.subf %sub3A_577, %add3A_572 : vector<16xf32>
      %exp3A_579 = math.exp %sub3A_578 : vector<16xf32>
      %mul3A_580 = arith.mulf %add3A_563, %exp3A_579 : vector<16xf32>
      %add3A_581 = arith.addf %sub3A_575, %mul3A_580 : vector<16xf32>
      %max3A = arith.constant 0.000000e+00 : f32
      %max3A_582 = vector.broadcast %max3A : f32 to vector<16xf32>
      %max3A_583 = arith.maximumf %get3A_531, %max3A_582 : vector<16xf32>
      %add3A_584 = arith.addf %scan3A_523, %max3A_583 : vector<16xf32>
      %add3A_585 = arith.addf %add3A_584, %add3A_581 : vector<16xf32>
      %mul3A_586 = arith.constant 4 : i32
      %mul3A_587 = arith.muli %mul3A_586, %scan3A_522 : i32
      %add3A_588 = arith.constant 1 : i32
      %add3A_589 = arith.addi %mul3A_587, %add3A_588 : i32
      %mul3A_590 = arith.constant 16 : i32
      %mul3A_591 = arith.muli %add3A_589, %mul3A_590 : i32
      %get3A_592 = arith.index_cast %mul3A_591 : i32 to index
      %get3A_593 = tpu.vector_load %arg10[%get3A_592] {strides = array<i32>} : memref<2048xf32, #tpu.memory_space<vmem>>, vector<16xf32>,
      %get3A_594 = vector.shape_cast %get3A_593 : vector<16xf32> to vector<16xf32>
      %sub3A_595 = arith.constant 0.000000e+00 : f32
      %sub3A_596 = vector.broadcast %sub3A_595 : f32 to vector<16xf32>
      %sub3A_597 = arith.subf %sub3A_596, %get3A_594 : vector<16xf32>
      %exp3A_598 = math.exp %sub3A_597 : vector<16xf32>
      %add3A_599 = arith.constant 1.000000e+00 : f32
      %add3A_600 = vector.broadcast %add3A_599 : f32 to vector<16xf32>
      %add3A_601 = arith.addf %add3A_600, %exp3A_598 : vector<16xf32>
      %swap3A_602 = arith.index_cast %mul3A_591 : i32 to index
      %swap3A_603 = tpu.vector_load %arg14[%swap3A_602] {strides = array<i32>} : memref<2048xf32, #tpu.memory_space<vmem>>, vector<16xf32>,
      %swap3A_604 = vector.shape_cast %swap3A_603 : vector<16xf32> to vector<16xf32>
      %swap3A_605 = vector.shape_cast %add3A_601 : vector<16xf32> to vector<16xf32>
      tpu.vector_store %arg14[%swap3A_602], %swap3A_605 {strides = array<i32>} : memref<2048xf32, #tpu.memory_space<vmem>>, vector<16xf32>,
      %sub3A_606 = arith.constant 0.000000e+00 : f32
      %sub3A_607 = vector.broadcast %sub3A_606 : f32 to vector<16xf32>
      %sub3A_608 = arith.subf %sub3A_607, %get3A_594 : vector<16xf32>
      %min3A_609 = arith.minimumf %get3A_594, %sub3A_608 : vector<16xf32>
      %exp3A_610 = math.exp %min3A_609 : vector<16xf32>
      %mul3A_611 = arith.constant -2.500000e-01 : f32
      %mul3A_612 = vector.broadcast %mul3A_611 : f32 to vector<16xf32>
      %mul3A_613 = arith.mulf %exp3A_610, %mul3A_612 : vector<16xf32>
      %add3A_614 = arith.constant 0.333333343 : f32
      %add3A_615 = vector.broadcast %add3A_614 : f32 to vector<16xf32>
      %add3A_616 = arith.addf %add3A_615, %mul3A_613 : vector<16xf32>
      %mul3A_617 = arith.mulf %exp3A_610, %add3A_616 : vector<16xf32>
      %add3A_618 = arith.constant -5.000000e-01 : f32
      %add3A_619 = vector.broadcast %add3A_618 : f32 to vector<16xf32>
      %add3A_620 = arith.addf %add3A_619, %mul3A_617 : vector<16xf32>
      %mul3A_621 = arith.mulf %exp3A_610, %add3A_620 : vector<16xf32>
      %add3A_622 = arith.constant 1.000000e+00 : f32
      %add3A_623 = vector.broadcast %add3A_622 : f32 to vector<16xf32>
      %add3A_624 = arith.addf %add3A_623, %mul3A_621 : vector<16xf32>
      %mul3A_625 = arith.mulf %exp3A_610, %add3A_624 : vector<16xf32>
      %add3A_626 = arith.constant 1.000000e+00 : f32
      %add3A_627 = vector.broadcast %add3A_626 : f32 to vector<16xf32>
      %add3A_628 = arith.addf %add3A_627, %exp3A_610 : vector<16xf32>
      %sub3A_629 = arith.constant 1.000000e+00 : f32
      %sub3A_630 = vector.broadcast %sub3A_629 : f32 to vector<16xf32>
      %sub3A_631 = arith.subf %mul3A_625, %sub3A_630 : vector<16xf32>
      %sub3A_632 = arith.constant 0.000000e+00 : f32
      %sub3A_633 = vector.broadcast %sub3A_632 : f32 to vector<16xf32>
      %sub3A_634 = arith.subf %sub3A_633, %mul3A_625 : vector<16xf32>
      %exp3A_635 = math.exp %sub3A_634 : vector<16xf32>
      %mul3A_636 = arith.mulf %add3A_628, %exp3A_635 : vector<16xf32>
      %add3A_637 = arith.addf %sub3A_631, %mul3A_636 : vector<16xf32>
      %sub3A_638 = arith.constant 1.000000e+00 : f32
      %sub3A_639 = vector.broadcast %sub3A_638 : f32 to vector<16xf32>
      %sub3A_640 = arith.subf %add3A_637, %sub3A_639 : vector<16xf32>
      %sub3A_641 = arith.constant 0.000000e+00 : f32
      %sub3A_642 = vector.broadcast %sub3A_641 : f32 to vector<16xf32>
      %sub3A_643 = arith.subf %sub3A_642, %add3A_637 : vector<16xf32>
      %exp3A_644 = math.exp %sub3A_643 : vector<16xf32>
      %mul3A_645 = arith.mulf %add3A_628, %exp3A_644 : vector<16xf32>
      %add3A_646 = arith.addf %sub3A_640, %mul3A_645 : vector<16xf32>
      %max3A_647 = arith.constant 0.000000e+00 : f32
      %max3A_648 = vector.broadcast %max3A_647 : f32 to vector<16xf32>
      %max3A_649 = arith.maximumf %get3A_594, %max3A_648 : vector<16xf32>
      %add3A_650 = arith.addf %add3A_585, %max3A_649 : vector<16xf32>
      %add3A_651 = arith.addf %add3A_650, %add3A_646 : vector<16xf32>
      %mul3A_652 = arith.constant 4 : i32
      %mul3A_653 = arith.muli %mul3A_652, %scan3A_522 : i32
      %add3A_654 = arith.constant 2 : i32
      %add3A_655 = arith.addi %mul3A_653, %add3A_654 : i32
      %mul3A_656 = arith.constant 16 : i32
      %mul3A_657 = arith.muli %add3A_655, %mul3A_656 : i32
      %get3A_658 = arith.index_cast %mul3A_657 : i32 to index
      %get3A_659 = tpu.vector_load %arg10[%get3A_658] {strides = array<i32>} : memref<2048xf32, #tpu.memory_space<vmem>>, vector<16xf32>,
      %get3A_660 = vector.shape_cast %get3A_659 : vector<16xf32> to vector<16xf32>
      %sub3A_661 = arith.constant 0.000000e+00 : f32
      %sub3A_662 = vector.broadcast %sub3A_661 : f32 to vector<16xf32>
      %sub3A_663 = arith.subf %sub3A_662, %get3A_660 : vector<16xf32>
      %exp3A_664 = math.exp %sub3A_663 : vector<16xf32>
      %add3A_665 = arith.constant 1.000000e+00 : f32
      %add3A_666 = vector.broadcast %add3A_665 : f32 to vector<16xf32>
      %add3A_667 = arith.addf %add3A_666, %exp3A_664 : vector<16xf32>
      %swap3A_668 = arith.index_cast %mul3A_657 : i32 to index
      %swap3A_669 = tpu.vector_load %arg14[%swap3A_668] {strides = array<i32>} : memref<2048xf32, #tpu.memory_space<vmem>>, vector<16xf32>,
      %swap3A_670 = vector.shape_cast %swap3A_669 : vector<16xf32> to vector<16xf32>
      %swap3A_671 = vector.shape_cast %add3A_667 : vector<16xf32> to vector<16xf32>
      tpu.vector_store %arg14[%swap3A_668], %swap3A_671 {strides = array<i32>} : memref<2048xf32, #tpu.memory_space<vmem>>, vector<16xf32>,
      %sub3A_672 = arith.constant 0.000000e+00 : f32
      %sub3A_673 = vector.broadcast %sub3A_672 : f32 to vector<16xf32>
      %sub3A_674 = arith.subf %sub3A_673, %get3A_660 : vector<16xf32>
      %min3A_675 = arith.minimumf %get3A_660, %sub3A_674 : vector<16xf32>
      %exp3A_676 = math.exp %min3A_675 : vector<16xf32>
      %mul3A_677 = arith.constant -2.500000e-01 : f32
      %mul3A_678 = vector.broadcast %mul3A_677 : f32 to vector<16xf32>
      %mul3A_679 = arith.mulf %exp3A_676, %mul3A_678 : vector<16xf32>
      %add3A_680 = arith.constant 0.333333343 : f32
      %add3A_681 = vector.broadcast %add3A_680 : f32 to vector<16xf32>
      %add3A_682 = arith.addf %add3A_681, %mul3A_679 : vector<16xf32>
      %mul3A_683 = arith.mulf %exp3A_676, %add3A_682 : vector<16xf32>
      %add3A_684 = arith.constant -5.000000e-01 : f32
      %add3A_685 = vector.broadcast %add3A_684 : f32 to vector<16xf32>
      %add3A_686 = arith.addf %add3A_685, %mul3A_683 : vector<16xf32>
      %mul3A_687 = arith.mulf %exp3A_676, %add3A_686 : vector<16xf32>
      %add3A_688 = arith.constant 1.000000e+00 : f32
      %add3A_689 = vector.broadcast %add3A_688 : f32 to vector<16xf32>
      %add3A_690 = arith.addf %add3A_689, %mul3A_687 : vector<16xf32>
      %mul3A_691 = arith.mulf %exp3A_676, %add3A_690 : vector<16xf32>
      %add3A_692 = arith.constant 1.000000e+00 : f32
      %add3A_693 = vector.broadcast %add3A_692 : f32 to vector<16xf32>
      %add3A_694 = arith.addf %add3A_693, %exp3A_676 : vector<16xf32>
      %sub3A_695 = arith.constant 1.000000e+00 : f32
      %sub3A_696 = vector.broadcast %sub3A_695 : f32 to vector<16xf32>
      %sub3A_697 = arith.subf %mul3A_691, %sub3A_696 : vector<16xf32>
      %sub3A_698 = arith.constant 0.000000e+00 : f32
      %sub3A_699 = vector.broadcast %sub3A_698 : f32 to vector<16xf32>
      %sub3A_700 = arith.subf %sub3A_699, %mul3A_691 : vector<16xf32>
      %exp3A_701 = math.exp %sub3A_700 : vector<16xf32>
      %mul3A_702 = arith.mulf %add3A_694, %exp3A_701 : vector<16xf32>
      %add3A_703 = arith.addf %sub3A_697, %mul3A_702 : vector<16xf32>
      %sub3A_704 = arith.constant 1.000000e+00 : f32
      %sub3A_705 = vector.broadcast %sub3A_704 : f32 to vector<16xf32>
      %sub3A_706 = arith.subf %add3A_703, %sub3A_705 : vector<16xf32>
      %sub3A_707 = arith.constant 0.000000e+00 : f32
      %sub3A_708 = vector.broadcast %sub3A_707 : f32 to vector<16xf32>
      %sub3A_709 = arith.subf %sub3A_708, %add3A_703 : vector<16xf32>
      %exp3A_710 = math.exp %sub3A_709 : vector<16xf32>
      %mul3A_711 = arith.mulf %add3A_694, %exp3A_710 : vector<16xf32>
      %add3A_712 = arith.addf %sub3A_706, %mul3A_711 : vector<16xf32>
      %max3A_713 = arith.constant 0.000000e+00 : f32
      %max3A_714 = vector.broadcast %max3A_713 : f32 to vector<16xf32>
      %max3A_715 = arith.maximumf %get3A_660, %max3A_714 : vector<16xf32>
      %add3A_716 = arith.addf %add3A_651, %max3A_715 : vector<16xf32>
      %add3A_717 = arith.addf %add3A_716, %add3A_712 : vector<16xf32>
      %mul3A_718 = arith.constant 4 : i32
      %mul3A_719 = arith.muli %mul3A_718, %scan3A_522 : i32
      %add3A_720 = arith.constant 3 : i32
      %add3A_721 = arith.addi %mul3A_719, %add3A_720 : i32
      %mul3A_722 = arith.constant 16 : i32
      %mul3A_723 = arith.muli %add3A_721, %mul3A_722 : i32
      %get3A_724 = arith.index_cast %mul3A_723 : i32 to index
      %get3A_725 = tpu.vector_load %arg10[%get3A_724] {strides = array<i32>} : memref<2048xf32, #tpu.memory_space<vmem>>, vector<16xf32>,
      %get3A_726 = vector.shape_cast %get3A_725 : vector<16xf32> to vector<16xf32>
      %sub3A_727 = arith.constant 0.000000e+00 : f32
      %sub3A_728 = vector.broadcast %sub3A_727 : f32 to vector<16xf32>
      %sub3A_729 = arith.subf %sub3A_728, %get3A_726 : vector<16xf32>
      %exp3A_730 = math.exp %sub3A_729 : vector<16xf32>
      %add3A_731 = arith.constant 1.000000e+00 : f32
      %add3A_732 = vector.broadcast %add3A_731 : f32 to vector<16xf32>
      %add3A_733 = arith.addf %add3A_732, %exp3A_730 : vector<16xf32>
      %swap3A_734 = arith.index_cast %mul3A_723 : i32 to index
      %swap3A_735 = tpu.vector_load %arg14[%swap3A_734] {strides = array<i32>} : memref<2048xf32, #tpu.memory_space<vmem>>, vector<16xf32>,
      %swap3A_736 = vector.shape_cast %swap3A_735 : vector<16xf32> to vector<16xf32>
      %swap3A_737 = vector.shape_cast %add3A_733 : vector<16xf32> to vector<16xf32>
      tpu.vector_store %arg14[%swap3A_734], %swap3A_737 {strides = array<i32>} : memref<2048xf32, #tpu.memory_space<vmem>>, vector<16xf32>,
      %sub3A_738 = arith.constant 0.000000e+00 : f32
      %sub3A_739 = vector.broadcast %sub3A_738 : f32 to vector<16xf32>
      %sub3A_740 = arith.subf %sub3A_739, %get3A_726 : vector<16xf32>
      %min3A_741 = arith.minimumf %get3A_726, %sub3A_740 : vector<16xf32>
      %exp3A_742 = math.exp %min3A_741 : vector<16xf32>
      %mul3A_743 = arith.constant -2.500000e-01 : f32
      %mul3A_744 = vector.broadcast %mul3A_743 : f32 to vector<16xf32>
      %mul3A_745 = arith.mulf %exp3A_742, %mul3A_744 : vector<16xf32>
      %add3A_746 = arith.constant 0.333333343 : f32
      %add3A_747 = vector.broadcast %add3A_746 : f32 to vector<16xf32>
      %add3A_748 = arith.addf %add3A_747, %mul3A_745 : vector<16xf32>
      %mul3A_749 = arith.mulf %exp3A_742, %add3A_748 : vector<16xf32>
      %add3A_750 = arith.constant -5.000000e-01 : f32
      %add3A_751 = vector.broadcast %add3A_750 : f32 to vector<16xf32>
      %add3A_752 = arith.addf %add3A_751, %mul3A_749 : vector<16xf32>
      %mul3A_753 = arith.mulf %exp3A_742, %add3A_752 : vector<16xf32>
      %add3A_754 = arith.constant 1.000000e+00 : f32
      %add3A_755 = vector.broadcast %add3A_754 : f32 to vector<16xf32>
      %add3A_756 = arith.addf %add3A_755, %mul3A_753 : vector<16xf32>
      %mul3A_757 = arith.mulf %exp3A_742, %add3A_756 : vector<16xf32>
      %add3A_758 = arith.constant 1.000000e+00 : f32
      %add3A_759 = vector.broadcast %add3A_758 : f32 to vector<16xf32>
      %add3A_760 = arith.addf %add3A_759, %exp3A_742 : vector<16xf32>
      %sub3A_761 = arith.constant 1.000000e+00 : f32
      %sub3A_762 = vector.broadcast %sub3A_761 : f32 to vector<16xf32>
      %sub3A_763 = arith.subf %mul3A_757, %sub3A_762 : vector<16xf32>
      %sub3A_764 = arith.constant 0.000000e+00 : f32
      %sub3A_765 = vector.broadcast %sub3A_764 : f32 to vector<16xf32>
      %sub3A_766 = arith.subf %sub3A_765, %mul3A_757 : vector<16xf32>
      %exp3A_767 = math.exp %sub3A_766 : vector<16xf32>
      %mul3A_768 = arith.mulf %add3A_760, %exp3A_767 : vector<16xf32>
      %add3A_769 = arith.addf %sub3A_763, %mul3A_768 : vector<16xf32>
      %sub3A_770 = arith.constant 1.000000e+00 : f32
      %sub3A_771 = vector.broadcast %sub3A_770 : f32 to vector<16xf32>
      %sub3A_772 = arith.subf %add3A_769, %sub3A_771 : vector<16xf32>
      %sub3A_773 = arith.constant 0.000000e+00 : f32
      %sub3A_774 = vector.broadcast %sub3A_773 : f32 to vector<16xf32>
      %sub3A_775 = arith.subf %sub3A_774, %add3A_769 : vector<16xf32>
      %exp3A_776 = math.exp %sub3A_775 : vector<16xf32>
      %mul3A_777 = arith.mulf %add3A_760, %exp3A_776 : vector<16xf32>
      %add3A_778 = arith.addf %sub3A_772, %mul3A_777 : vector<16xf32>
      %max3A_779 = arith.constant 0.000000e+00 : f32
      %max3A_780 = vector.broadcast %max3A_779 : f32 to vector<16xf32>
      %max3A_781 = arith.maximumf %get3A_726, %max3A_780 : vector<16xf32>
      %add3A_782 = arith.addf %add3A_717, %max3A_781 : vector<16xf32>
      %add3A_783 = arith.addf %add3A_782, %add3A_778 : vector<16xf32>
      scf.yield %add3A_783 : vector<16xf32>
    }
    %scan3A_48 = arith.constant 32 : i32
    %slice3A = vector.extract_strided_slice %scan3A_47 {offsets = [0], sizes = [1], strides = [1]} : vector<16xf32> to vector<1xf32>
    %squeeze3A = vector.extract %slice3A[0] : f32 from vector<1xf32>
    %slice3A_49 = vector.extract_strided_slice %scan3A_47 {offsets = [1], sizes = [1], strides = [1]} : vector<16xf32> to vector<1xf32>
    %squeeze3A_50 = vector.extract %slice3A_49[0] : f32 from vector<1xf32>
    %add3A_51 = arith.addf %squeeze3A, %squeeze3A_50 : f32
    %slice3A_52 = vector.extract_strided_slice %scan3A_47 {offsets = [2], sizes = [1], strides = [1]} : vector<16xf32> to vector<1xf32>
    %squeeze3A_53 = vector.extract %slice3A_52[0] : f32 from vector<1xf32>
    %add3A_54 = arith.addf %add3A_51, %squeeze3A_53 : f32
    %slice3A_55 = vector.extract_strided_slice %scan3A_47 {offsets = [3], sizes = [1], strides = [1]} : vector<16xf32> to vector<1xf32>
    %squeeze3A_56 = vector.extract %slice3A_55[0] : f32 from vector<1xf32>
    %add3A_57 = arith.addf %add3A_54, %squeeze3A_56 : f32
    %slice3A_58 = vector.extract_strided_slice %scan3A_47 {offsets = [4], sizes = [1], strides = [1]} : vector<16xf32> to vector<1xf32>
    %squeeze3A_59 = vector.extract %slice3A_58[0] : f32 from vector<1xf32>
    %add3A_60 = arith.addf %add3A_57, %squeeze3A_59 : f32
    %slice3A_61 = vector.extract_strided_slice %scan3A_47 {offsets = [5], sizes = [1], strides = [1]} : vector<16xf32> to vector<1xf32>
    %squeeze3A_62 = vector.extract %slice3A_61[0] : f32 from vector<1xf32>
    %add3A_63 = arith.addf %add3A_60, %squeeze3A_62 : f32
    %slice3A_64 = vector.extract_strided_slice %scan3A_47 {offsets = [6], sizes = [1], strides = [1]} : vector<16xf32> to vector<1xf32>
    %squeeze3A_65 = vector.extract %slice3A_64[0] : f32 from vector<1xf32>
    %add3A_66 = arith.addf %add3A_63, %squeeze3A_65 : f32
    %slice3A_67 = vector.extract_strided_slice %scan3A_47 {offsets = [7], sizes = [1], strides = [1]} : vector<16xf32> to vector<1xf32>
    %squeeze3A_68 = vector.extract %slice3A_67[0] : f32 from vector<1xf32>
    %add3A_69 = arith.addf %add3A_66, %squeeze3A_68 : f32
    %slice3A_70 = vector.extract_strided_slice %scan3A_47 {offsets = [8], sizes = [1], strides = [1]} : vector<16xf32> to vector<1xf32>
    %squeeze3A_71 = vector.extract %slice3A_70[0] : f32 from vector<1xf32>
    %add3A_72 = arith.addf %add3A_69, %squeeze3A_71 : f32
    %slice3A_73 = vector.extract_strided_slice %scan3A_47 {offsets = [9], sizes = [1], strides = [1]} : vector<16xf32> to vector<1xf32>
    %squeeze3A_74 = vector.extract %slice3A_73[0] : f32 from vector<1xf32>
    %add3A_75 = arith.addf %add3A_72, %squeeze3A_74 : f32
    %slice3A_76 = vector.extract_strided_slice %scan3A_47 {offsets = [10], sizes = [1], strides = [1]} : vector<16xf32> to vector<1xf32>
    %squeeze3A_77 = vector.extract %slice3A_76[0] : f32 from vector<1xf32>
    %add3A_78 = arith.addf %add3A_75, %squeeze3A_77 : f32
    %slice3A_79 = vector.extract_strided_slice %scan3A_47 {offsets = [11], sizes = [1], strides = [1]} : vector<16xf32> to vector<1xf32>
    %squeeze3A_80 = vector.extract %slice3A_79[0] : f32 from vector<1xf32>
    %add3A_81 = arith.addf %add3A_78, %squeeze3A_80 : f32
    %slice3A_82 = vector.extract_strided_slice %scan3A_47 {offsets = [12], sizes = [1], strides = [1]} : vector<16xf32> to vector<1xf32>
    %squeeze3A_83 = vector.extract %slice3A_82[0] : f32 from vector<1xf32>
    %add3A_84 = arith.addf %add3A_81, %squeeze3A_83 : f32
    %slice3A_85 = vector.extract_strided_slice %scan3A_47 {offsets = [13], sizes = [1], strides = [1]} : vector<16xf32> to vector<1xf32>
    %squeeze3A_86 = vector.extract %slice3A_85[0] : f32 from vector<1xf32>
    %add3A_87 = arith.addf %add3A_84, %squeeze3A_86 : f32
    %slice3A_88 = vector.extract_strided_slice %scan3A_47 {offsets = [14], sizes = [1], strides = [1]} : vector<16xf32> to vector<1xf32>
    %squeeze3A_89 = vector.extract %slice3A_88[0] : f32 from vector<1xf32>
    %add3A_90 = arith.addf %add3A_87, %squeeze3A_89 : f32
    %slice3A_91 = vector.extract_strided_slice %scan3A_47 {offsets = [15], sizes = [1], strides = [1]} : vector<16xf32> to vector<1xf32>
    %squeeze3A_92 = vector.extract %slice3A_91[0] : f32 from vector<1xf32>
    %add3A_93 = arith.addf %add3A_90, %squeeze3A_92 : f32
    %dma_wait3A = arith.constant 0 : i32
    %dma_wait3A_94 = arith.constant 0 : i32
    %dma_wait3A_95 = tpu.memref_slice %arg8[%dma_wait3A, %dma_wait3A_94] : memref<8x2048xi32, #tpu.memory_space<vmem>> -> memref<4x2048xi32, #tpu.memory_space<vmem>>
    %dma_wait3A_96 = arith.constant 0 : i32
    %dma_wait3A_97 = tpu.memref_slice %arg2[%mul3A_0, %dma_wait3A_96] : memref<128x2048xi32, #tpu.memory_space<hbm>> -> memref<4x2048xi32, #tpu.memory_space<hbm>>
    %dma_wait3A_98 = arith.constant 0 : i32
    %dma_wait3A_99 = arith.constant 0 : i32
    %dma_wait3A_100 = tpu.memref_slice %arg8[%dma_wait3A_98, %dma_wait3A_99] : memref<8x2048xi32, #tpu.memory_space<vmem>> -> memref<4x2048xi32, #tpu.memory_space<vmem>>
    %dma_wait3A_101 = arith.constant 0 : i32
    %dma_wait3A_102 = tpu.memref_slice %arg2[%mul3A_0, %dma_wait3A_101] : memref<128x2048xi32, #tpu.memory_space<hbm>> -> memref<4x2048xi32, #tpu.memory_space<hbm>>
    tpu.wait_dma2 semaphore(%arg15 : memref<!tpu.dma_semaphore, #tpu.memory_space<semaphore_mem>>) src(%dma_wait3A_102 : memref<4x2048xi32, #tpu.memory_space<hbm>>) dst(%dma_wait3A_100 : memref<4x2048xi32, #tpu.memory_space<vmem>>)
    %dma_wait3A_103 = arith.constant 0 : i32
    %dma_wait3A_104 = arith.constant 0 : i32
    %dma_wait3A_105 = tpu.memref_slice %arg9[%dma_wait3A_103, %dma_wait3A_104] : memref<8x2048xf32, #tpu.memory_space<vmem>> -> memref<4x2048xf32, #tpu.memory_space<vmem>>
    %dma_wait3A_106 = arith.constant 0 : i32
    %dma_wait3A_107 = tpu.memref_slice %arg4[%mul3A_0, %dma_wait3A_106] : memref<128x2048xf32, #tpu.memory_space<hbm>> -> memref<4x2048xf32, #tpu.memory_space<hbm>>
    %dma_wait3A_108 = arith.constant 0 : i32
    %dma_wait3A_109 = arith.constant 0 : i32
    %dma_wait3A_110 = tpu.memref_slice %arg9[%dma_wait3A_108, %dma_wait3A_109] : memref<8x2048xf32, #tpu.memory_space<vmem>> -> memref<4x2048xf32, #tpu.memory_space<vmem>>
    %dma_wait3A_111 = arith.constant 0 : i32
    %dma_wait3A_112 = tpu.memref_slice %arg4[%mul3A_0, %dma_wait3A_111] : memref<128x2048xf32, #tpu.memory_space<hbm>> -> memref<4x2048xf32, #tpu.memory_space<hbm>>
    tpu.wait_dma2 semaphore(%arg15 : memref<!tpu.dma_semaphore, #tpu.memory_space<semaphore_mem>>) src(%dma_wait3A_112 : memref<4x2048xf32, #tpu.memory_space<hbm>>) dst(%dma_wait3A_110 : memref<4x2048xf32, #tpu.memory_space<vmem>>)
    %scan3A_113 = arith.constant 0 : i32
    %scan3A_114 = arith.constant 32 : i32
    %scan3A_115 = arith.addi %scan3A_113, %scan3A_114 : i32
    %scan3A_116 = arith.constant 1 : i32
    %scan3A_117:4 = scf.for %scan3A_522 = %scan3A_113 to %scan3A_115 step %scan3A_116 iter_args(%scan3A_523 = %broadcast_in_dim3A_43, %scan3A_524 = %broadcast_in_dim3A_43, %scan3A_525 = %broadcast_in_dim3A_43, %scan3A_526 = %broadcast_in_dim3A_43) -> (vector<16xf32>, vector<16xf32>, vector<16xf32>, vector<16xf32>)  : i32 {
      %mul3A_527 = arith.constant 4 : i32
      %mul3A_528 = arith.muli %mul3A_527, %scan3A_522 : i32
      %add3A_529 = arith.constant 0 : i32
      %add3A_530 = arith.addi %mul3A_528, %add3A_529 : i32
      %mul3A_531 = arith.constant 16 : i32
      %mul3A_532 = arith.muli %add3A_530, %mul3A_531 : i32
      %get3A = arith.index_cast %mul3A_532 : i32 to index
      %get3A_533 = tpu.vector_load %arg10[%get3A] {strides = array<i32>} : memref<2048xf32, #tpu.memory_space<vmem>>, vector<16xf32>,
      %get3A_534 = vector.shape_cast %get3A_533 : vector<16xf32> to vector<16xf32>
      %get3A_535 = arith.index_cast %mul3A_532 : i32 to index
      %get3A_536 = tpu.vector_load %arg14[%get3A_535] {strides = array<i32>} : memref<2048xf32, #tpu.memory_space<vmem>>, vector<16xf32>,
      %get3A_537 = vector.shape_cast %get3A_536 : vector<16xf32> to vector<16xf32>
      %get3A_538 = arith.constant 0 : i32
      %get3A_539 = arith.index_cast %get3A_538 : i32 to index
      %get3A_540 = arith.index_cast %mul3A_532 : i32 to index
      %get3A_541 = tpu.vector_load %arg9[%get3A_539, %get3A_540] {strides = array<i32>} : memref<8x2048xf32, #tpu.memory_space<vmem>>, vector<1x16xf32>,
      %get3A_542 = vector.shape_cast %get3A_541 : vector<1x16xf32> to vector<16xf32>
      %get3A_543 = arith.constant 0 : i32
      %get3A_544 = arith.index_cast %get3A_543 : i32 to index
      %get3A_545 = arith.index_cast %mul3A_532 : i32 to index
      %get3A_546 = tpu.vector_load %arg8[%get3A_544, %get3A_545] {strides = array<i32>} : memref<8x2048xi32, #tpu.memory_space<vmem>>, vector<1x16xi32>,
      %get3A_547 = vector.shape_cast %get3A_546 : vector<1x16xi32> to vector<16xi32>
      %mul3A_548 = arith.mulf %get3A_542, %get3A_537 : vector<16xf32>
      %lt3A = arith.constant 1.000000e+00 : f32
      %lt3A_549 = vector.broadcast %lt3A : f32 to vector<16xf32>
      %lt3A_550 = arith.cmpf olt, %mul3A_548, %lt3A_549 : vector<16xf32>
      %jit3A = arith.constant 1.000000e+00 : f32
      %jit3A_551 = arith.constant 0.000000e+00 : f32
      %broadcast_in_dim3A_552 = vector.broadcast %jit3A : f32 to vector<16xf32>
      %broadcast_in_dim3A_553 = vector.broadcast %jit3A_551 : f32 to vector<16xf32>
      %select_n3A_554 = arith.select %lt3A_550, %broadcast_in_dim3A_552, %broadcast_in_dim3A_553 : vector<16xi1>, vector<16xf32>
      %swap3A_555 = arith.constant 0 : i32
      %swap3A_556 = arith.index_cast %swap3A_555 : i32 to index
      %swap3A_557 = arith.index_cast %mul3A_532 : i32 to index
      %swap3A_558 = tpu.vector_load %arg12[%swap3A_556, %swap3A_557] {strides = array<i32>} : memref<8x2048xf32, #tpu.memory_space<vmem>>, vector<1x16xf32>,
      %swap3A_559 = vector.shape_cast %swap3A_558 : vector<1x16xf32> to vector<16xf32>
      %swap3A_560 = vector.shape_cast %select_n3A_554 : vector<16xf32> to vector<1x16xf32>
      tpu.vector_store %arg12[%swap3A_556, %swap3A_557], %swap3A_560 {strides = array<i32>} : memref<8x2048xf32, #tpu.memory_space<vmem>>, vector<1x16xf32>,
      %jit3A_561 = arith.constant 100001 : i32
      %broadcast_in_dim3A_562 = vector.broadcast %jit3A_561 : i32 to vector<16xi32>
      %select_n3A_563 = arith.select %lt3A_550, %broadcast_in_dim3A_562, %get3A_547 : vector<16xi1>, vector<16xi32>
      %swap3A_564 = arith.constant 0 : i32
      %swap3A_565 = arith.index_cast %swap3A_564 : i32 to index
      %swap3A_566 = arith.index_cast %mul3A_532 : i32 to index
      %swap3A_567 = tpu.vector_load %arg11[%swap3A_565, %swap3A_566] {strides = array<i32>} : memref<8x2048xi32, #tpu.memory_space<vmem>>, vector<1x16xi32>,
      %swap3A_568 = vector.shape_cast %swap3A_567 : vector<1x16xi32> to vector<16xi32>
      %swap3A_569 = vector.shape_cast %select_n3A_563 : vector<16xi32> to vector<1x16xi32>
      tpu.vector_store %arg11[%swap3A_565, %swap3A_566], %swap3A_569 {strides = array<i32>} : memref<8x2048xi32, #tpu.memory_space<vmem>>, vector<1x16xi32>,
      %jit3A_570 = arith.constant 0.000000e+00 : f32
      %broadcast_in_dim3A_571 = vector.broadcast %jit3A_570 : f32 to vector<16xf32>
      %select_n3A_572 = arith.select %lt3A_550, %get3A_534, %broadcast_in_dim3A_571 : vector<16xi1>, vector<16xf32>
      %add3A_573 = arith.addf %scan3A_523, %select_n3A_572 : vector<16xf32>
      %get3A_574 = arith.constant 1 : i32
      %get3A_575 = arith.index_cast %get3A_574 : i32 to index
      %get3A_576 = arith.index_cast %mul3A_532 : i32 to index
      %get3A_577 = tpu.vector_load %arg9[%get3A_575, %get3A_576] {strides = array<i32>} : memref<8x2048xf32, #tpu.memory_space<vmem>>, vector<1x16xf32>,
      %get3A_578 = vector.shape_cast %get3A_577 : vector<1x16xf32> to vector<16xf32>
      %get3A_579 = arith.constant 1 : i32
      %get3A_580 = arith.index_cast %get3A_579 : i32 to index
      %get3A_581 = arith.index_cast %mul3A_532 : i32 to index
      %get3A_582 = tpu.vector_load %arg8[%get3A_580, %get3A_581] {strides = array<i32>} : memref<8x2048xi32, #tpu.memory_space<vmem>>, vector<1x16xi32>,
      %get3A_583 = vector.shape_cast %get3A_582 : vector<1x16xi32> to vector<16xi32>
      %mul3A_584 = arith.mulf %get3A_578, %get3A_537 : vector<16xf32>
      %lt3A_585 = arith.constant 1.000000e+00 : f32
      %lt3A_586 = vector.broadcast %lt3A_585 : f32 to vector<16xf32>
      %lt3A_587 = arith.cmpf olt, %mul3A_584, %lt3A_586 : vector<16xf32>
      %jit3A_588 = arith.constant 1.000000e+00 : f32
      %jit3A_589 = arith.constant 0.000000e+00 : f32
      %broadcast_in_dim3A_590 = vector.broadcast %jit3A_588 : f32 to vector<16xf32>
      %broadcast_in_dim3A_591 = vector.broadcast %jit3A_589 : f32 to vector<16xf32>
      %select_n3A_592 = arith.select %lt3A_587, %broadcast_in_dim3A_590, %broadcast_in_dim3A_591 : vector<16xi1>, vector<16xf32>
      %swap3A_593 = arith.constant 1 : i32
      %swap3A_594 = arith.index_cast %swap3A_593 : i32 to index
      %swap3A_595 = arith.index_cast %mul3A_532 : i32 to index
      %swap3A_596 = tpu.vector_load %arg12[%swap3A_594, %swap3A_595] {strides = array<i32>} : memref<8x2048xf32, #tpu.memory_space<vmem>>, vector<1x16xf32>,
      %swap3A_597 = vector.shape_cast %swap3A_596 : vector<1x16xf32> to vector<16xf32>
      %swap3A_598 = vector.shape_cast %select_n3A_592 : vector<16xf32> to vector<1x16xf32>
      tpu.vector_store %arg12[%swap3A_594, %swap3A_595], %swap3A_598 {strides = array<i32>} : memref<8x2048xf32, #tpu.memory_space<vmem>>, vector<1x16xf32>,
      %jit3A_599 = arith.constant 100001 : i32
      %broadcast_in_dim3A_600 = vector.broadcast %jit3A_599 : i32 to vector<16xi32>
      %select_n3A_601 = arith.select %lt3A_587, %broadcast_in_dim3A_600, %get3A_583 : vector<16xi1>, vector<16xi32>
      %swap3A_602 = arith.constant 1 : i32
      %swap3A_603 = arith.index_cast %swap3A_602 : i32 to index
      %swap3A_604 = arith.index_cast %mul3A_532 : i32 to index
      %swap3A_605 = tpu.vector_load %arg11[%swap3A_603, %swap3A_604] {strides = array<i32>} : memref<8x2048xi32, #tpu.memory_space<vmem>>, vector<1x16xi32>,
      %swap3A_606 = vector.shape_cast %swap3A_605 : vector<1x16xi32> to vector<16xi32>
      %swap3A_607 = vector.shape_cast %select_n3A_601 : vector<16xi32> to vector<1x16xi32>
      tpu.vector_store %arg11[%swap3A_603, %swap3A_604], %swap3A_607 {strides = array<i32>} : memref<8x2048xi32, #tpu.memory_space<vmem>>, vector<1x16xi32>,
      %jit3A_608 = arith.constant 0.000000e+00 : f32
      %broadcast_in_dim3A_609 = vector.broadcast %jit3A_608 : f32 to vector<16xf32>
      %select_n3A_610 = arith.select %lt3A_587, %get3A_534, %broadcast_in_dim3A_609 : vector<16xi1>, vector<16xf32>
      %add3A_611 = arith.addf %scan3A_524, %select_n3A_610 : vector<16xf32>
      %get3A_612 = arith.constant 2 : i32
      %get3A_613 = arith.index_cast %get3A_612 : i32 to index
      %get3A_614 = arith.index_cast %mul3A_532 : i32 to index
      %get3A_615 = tpu.vector_load %arg9[%get3A_613, %get3A_614] {strides = array<i32>} : memref<8x2048xf32, #tpu.memory_space<vmem>>, vector<1x16xf32>,
      %get3A_616 = vector.shape_cast %get3A_615 : vector<1x16xf32> to vector<16xf32>
      %get3A_617 = arith.constant 2 : i32
      %get3A_618 = arith.index_cast %get3A_617 : i32 to index
      %get3A_619 = arith.index_cast %mul3A_532 : i32 to index
      %get3A_620 = tpu.vector_load %arg8[%get3A_618, %get3A_619] {strides = array<i32>} : memref<8x2048xi32, #tpu.memory_space<vmem>>, vector<1x16xi32>,
      %get3A_621 = vector.shape_cast %get3A_620 : vector<1x16xi32> to vector<16xi32>
      %mul3A_622 = arith.mulf %get3A_616, %get3A_537 : vector<16xf32>
      %lt3A_623 = arith.constant 1.000000e+00 : f32
      %lt3A_624 = vector.broadcast %lt3A_623 : f32 to vector<16xf32>
      %lt3A_625 = arith.cmpf olt, %mul3A_622, %lt3A_624 : vector<16xf32>
      %jit3A_626 = arith.constant 1.000000e+00 : f32
      %jit3A_627 = arith.constant 0.000000e+00 : f32
      %broadcast_in_dim3A_628 = vector.broadcast %jit3A_626 : f32 to vector<16xf32>
      %broadcast_in_dim3A_629 = vector.broadcast %jit3A_627 : f32 to vector<16xf32>
      %select_n3A_630 = arith.select %lt3A_625, %broadcast_in_dim3A_628, %broadcast_in_dim3A_629 : vector<16xi1>, vector<16xf32>
      %swap3A_631 = arith.constant 2 : i32
      %swap3A_632 = arith.index_cast %swap3A_631 : i32 to index
      %swap3A_633 = arith.index_cast %mul3A_532 : i32 to index
      %swap3A_634 = tpu.vector_load %arg12[%swap3A_632, %swap3A_633] {strides = array<i32>} : memref<8x2048xf32, #tpu.memory_space<vmem>>, vector<1x16xf32>,
      %swap3A_635 = vector.shape_cast %swap3A_634 : vector<1x16xf32> to vector<16xf32>
      %swap3A_636 = vector.shape_cast %select_n3A_630 : vector<16xf32> to vector<1x16xf32>
      tpu.vector_store %arg12[%swap3A_632, %swap3A_633], %swap3A_636 {strides = array<i32>} : memref<8x2048xf32, #tpu.memory_space<vmem>>, vector<1x16xf32>,
      %jit3A_637 = arith.constant 100001 : i32
      %broadcast_in_dim3A_638 = vector.broadcast %jit3A_637 : i32 to vector<16xi32>
      %select_n3A_639 = arith.select %lt3A_625, %broadcast_in_dim3A_638, %get3A_621 : vector<16xi1>, vector<16xi32>
      %swap3A_640 = arith.constant 2 : i32
      %swap3A_641 = arith.index_cast %swap3A_640 : i32 to index
      %swap3A_642 = arith.index_cast %mul3A_532 : i32 to index
      %swap3A_643 = tpu.vector_load %arg11[%swap3A_641, %swap3A_642] {strides = array<i32>} : memref<8x2048xi32, #tpu.memory_space<vmem>>, vector<1x16xi32>,
      %swap3A_644 = vector.shape_cast %swap3A_643 : vector<1x16xi32> to vector<16xi32>
      %swap3A_645 = vector.shape_cast %select_n3A_639 : vector<16xi32> to vector<1x16xi32>
      tpu.vector_store %arg11[%swap3A_641, %swap3A_642], %swap3A_645 {strides = array<i32>} : memref<8x2048xi32, #tpu.memory_space<vmem>>, vector<1x16xi32>,
      %jit3A_646 = arith.constant 0.000000e+00 : f32
      %broadcast_in_dim3A_647 = vector.broadcast %jit3A_646 : f32 to vector<16xf32>
      %select_n3A_648 = arith.select %lt3A_625, %get3A_534, %broadcast_in_dim3A_647 : vector<16xi1>, vector<16xf32>
      %add3A_649 = arith.addf %scan3A_525, %select_n3A_648 : vector<16xf32>
      %get3A_650 = arith.constant 3 : i32
      %get3A_651 = arith.index_cast %get3A_650 : i32 to index
      %get3A_652 = arith.index_cast %mul3A_532 : i32 to index
      %get3A_653 = tpu.vector_load %arg9[%get3A_651, %get3A_652] {strides = array<i32>} : memref<8x2048xf32, #tpu.memory_space<vmem>>, vector<1x16xf32>,
      %get3A_654 = vector.shape_cast %get3A_653 : vector<1x16xf32> to vector<16xf32>
      %get3A_655 = arith.constant 3 : i32
      %get3A_656 = arith.index_cast %get3A_655 : i32 to index
      %get3A_657 = arith.index_cast %mul3A_532 : i32 to index
      %get3A_658 = tpu.vector_load %arg8[%get3A_656, %get3A_657] {strides = array<i32>} : memref<8x2048xi32, #tpu.memory_space<vmem>>, vector<1x16xi32>,
      %get3A_659 = vector.shape_cast %get3A_658 : vector<1x16xi32> to vector<16xi32>
      %mul3A_660 = arith.mulf %get3A_654, %get3A_537 : vector<16xf32>
      %lt3A_661 = arith.constant 1.000000e+00 : f32
      %lt3A_662 = vector.broadcast %lt3A_661 : f32 to vector<16xf32>
      %lt3A_663 = arith.cmpf olt, %mul3A_660, %lt3A_662 : vector<16xf32>
      %jit3A_664 = arith.constant 1.000000e+00 : f32
      %jit3A_665 = arith.constant 0.000000e+00 : f32
      %broadcast_in_dim3A_666 = vector.broadcast %jit3A_664 : f32 to vector<16xf32>
      %broadcast_in_dim3A_667 = vector.broadcast %jit3A_665 : f32 to vector<16xf32>
      %select_n3A_668 = arith.select %lt3A_663, %broadcast_in_dim3A_666, %broadcast_in_dim3A_667 : vector<16xi1>, vector<16xf32>
      %swap3A_669 = arith.constant 3 : i32
      %swap3A_670 = arith.index_cast %swap3A_669 : i32 to index
      %swap3A_671 = arith.index_cast %mul3A_532 : i32 to index
      %swap3A_672 = tpu.vector_load %arg12[%swap3A_670, %swap3A_671] {strides = array<i32>} : memref<8x2048xf32, #tpu.memory_space<vmem>>, vector<1x16xf32>,
      %swap3A_673 = vector.shape_cast %swap3A_672 : vector<1x16xf32> to vector<16xf32>
      %swap3A_674 = vector.shape_cast %select_n3A_668 : vector<16xf32> to vector<1x16xf32>
      tpu.vector_store %arg12[%swap3A_670, %swap3A_671], %swap3A_674 {strides = array<i32>} : memref<8x2048xf32, #tpu.memory_space<vmem>>, vector<1x16xf32>,
      %jit3A_675 = arith.constant 100001 : i32
      %broadcast_in_dim3A_676 = vector.broadcast %jit3A_675 : i32 to vector<16xi32>
      %select_n3A_677 = arith.select %lt3A_663, %broadcast_in_dim3A_676, %get3A_659 : vector<16xi1>, vector<16xi32>
      %swap3A_678 = arith.constant 3 : i32
      %swap3A_679 = arith.index_cast %swap3A_678 : i32 to index
      %swap3A_680 = arith.index_cast %mul3A_532 : i32 to index
      %swap3A_681 = tpu.vector_load %arg11[%swap3A_679, %swap3A_680] {strides = array<i32>} : memref<8x2048xi32, #tpu.memory_space<vmem>>, vector<1x16xi32>,
      %swap3A_682 = vector.shape_cast %swap3A_681 : vector<1x16xi32> to vector<16xi32>
      %swap3A_683 = vector.shape_cast %select_n3A_677 : vector<16xi32> to vector<1x16xi32>
      tpu.vector_store %arg11[%swap3A_679, %swap3A_680], %swap3A_683 {strides = array<i32>} : memref<8x2048xi32, #tpu.memory_space<vmem>>, vector<1x16xi32>,
      %jit3A_684 = arith.constant 0.000000e+00 : f32
      %broadcast_in_dim3A_685 = vector.broadcast %jit3A_684 : f32 to vector<16xf32>
      %select_n3A_686 = arith.select %lt3A_663, %get3A_534, %broadcast_in_dim3A_685 : vector<16xi1>, vector<16xf32>
      %add3A_687 = arith.addf %scan3A_526, %select_n3A_686 : vector<16xf32>
      %mul3A_688 = arith.constant 4 : i32
      %mul3A_689 = arith.muli %mul3A_688, %scan3A_522 : i32
      %add3A_690 = arith.constant 1 : i32
      %add3A_691 = arith.addi %mul3A_689, %add3A_690 : i32
      %mul3A_692 = arith.constant 16 : i32
      %mul3A_693 = arith.muli %add3A_691, %mul3A_692 : i32
      %get3A_694 = arith.index_cast %mul3A_693 : i32 to index
      %get3A_695 = tpu.vector_load %arg10[%get3A_694] {strides = array<i32>} : memref<2048xf32, #tpu.memory_space<vmem>>, vector<16xf32>,
      %get3A_696 = vector.shape_cast %get3A_695 : vector<16xf32> to vector<16xf32>
      %get3A_697 = arith.index_cast %mul3A_693 : i32 to index
      %get3A_698 = tpu.vector_load %arg14[%get3A_697] {strides = array<i32>} : memref<2048xf32, #tpu.memory_space<vmem>>, vector<16xf32>,
      %get3A_699 = vector.shape_cast %get3A_698 : vector<16xf32> to vector<16xf32>
      %get3A_700 = arith.constant 0 : i32
      %get3A_701 = arith.index_cast %get3A_700 : i32 to index
      %get3A_702 = arith.index_cast %mul3A_693 : i32 to index
      %get3A_703 = tpu.vector_load %arg9[%get3A_701, %get3A_702] {strides = array<i32>} : memref<8x2048xf32, #tpu.memory_space<vmem>>, vector<1x16xf32>,
      %get3A_704 = vector.shape_cast %get3A_703 : vector<1x16xf32> to vector<16xf32>
      %get3A_705 = arith.constant 0 : i32
      %get3A_706 = arith.index_cast %get3A_705 : i32 to index
      %get3A_707 = arith.index_cast %mul3A_693 : i32 to index
      %get3A_708 = tpu.vector_load %arg8[%get3A_706, %get3A_707] {strides = array<i32>} : memref<8x2048xi32, #tpu.memory_space<vmem>>, vector<1x16xi32>,
      %get3A_709 = vector.shape_cast %get3A_708 : vector<1x16xi32> to vector<16xi32>
      %mul3A_710 = arith.mulf %get3A_704, %get3A_699 : vector<16xf32>
      %lt3A_711 = arith.constant 1.000000e+00 : f32
      %lt3A_712 = vector.broadcast %lt3A_711 : f32 to vector<16xf32>
      %lt3A_713 = arith.cmpf olt, %mul3A_710, %lt3A_712 : vector<16xf32>
      %jit3A_714 = arith.constant 1.000000e+00 : f32
      %jit3A_715 = arith.constant 0.000000e+00 : f32
      %broadcast_in_dim3A_716 = vector.broadcast %jit3A_714 : f32 to vector<16xf32>
      %broadcast_in_dim3A_717 = vector.broadcast %jit3A_715 : f32 to vector<16xf32>
      %select_n3A_718 = arith.select %lt3A_713, %broadcast_in_dim3A_716, %broadcast_in_dim3A_717 : vector<16xi1>, vector<16xf32>
      %swap3A_719 = arith.constant 0 : i32
      %swap3A_720 = arith.index_cast %swap3A_719 : i32 to index
      %swap3A_721 = arith.index_cast %mul3A_693 : i32 to index
      %swap3A_722 = tpu.vector_load %arg12[%swap3A_720, %swap3A_721] {strides = array<i32>} : memref<8x2048xf32, #tpu.memory_space<vmem>>, vector<1x16xf32>,
      %swap3A_723 = vector.shape_cast %swap3A_722 : vector<1x16xf32> to vector<16xf32>
      %swap3A_724 = vector.shape_cast %select_n3A_718 : vector<16xf32> to vector<1x16xf32>
      tpu.vector_store %arg12[%swap3A_720, %swap3A_721], %swap3A_724 {strides = array<i32>} : memref<8x2048xf32, #tpu.memory_space<vmem>>, vector<1x16xf32>,
      %jit3A_725 = arith.constant 100001 : i32
      %broadcast_in_dim3A_726 = vector.broadcast %jit3A_725 : i32 to vector<16xi32>
      %select_n3A_727 = arith.select %lt3A_713, %broadcast_in_dim3A_726, %get3A_709 : vector<16xi1>, vector<16xi32>
      %swap3A_728 = arith.constant 0 : i32
      %swap3A_729 = arith.index_cast %swap3A_728 : i32 to index
      %swap3A_730 = arith.index_cast %mul3A_693 : i32 to index
      %swap3A_731 = tpu.vector_load %arg11[%swap3A_729, %swap3A_730] {strides = array<i32>} : memref<8x2048xi32, #tpu.memory_space<vmem>>, vector<1x16xi32>,
      %swap3A_732 = vector.shape_cast %swap3A_731 : vector<1x16xi32> to vector<16xi32>
      %swap3A_733 = vector.shape_cast %select_n3A_727 : vector<16xi32> to vector<1x16xi32>
      tpu.vector_store %arg11[%swap3A_729, %swap3A_730], %swap3A_733 {strides = array<i32>} : memref<8x2048xi32, #tpu.memory_space<vmem>>, vector<1x16xi32>,
      %jit3A_734 = arith.constant 0.000000e+00 : f32
      %broadcast_in_dim3A_735 = vector.broadcast %jit3A_734 : f32 to vector<16xf32>
      %select_n3A_736 = arith.select %lt3A_713, %get3A_696, %broadcast_in_dim3A_735 : vector<16xi1>, vector<16xf32>
      %add3A_737 = arith.addf %add3A_573, %select_n3A_736 : vector<16xf32>
      %get3A_738 = arith.constant 1 : i32
      %get3A_739 = arith.index_cast %get3A_738 : i32 to index
      %get3A_740 = arith.index_cast %mul3A_693 : i32 to index
      %get3A_741 = tpu.vector_load %arg9[%get3A_739, %get3A_740] {strides = array<i32>} : memref<8x2048xf32, #tpu.memory_space<vmem>>, vector<1x16xf32>,
      %get3A_742 = vector.shape_cast %get3A_741 : vector<1x16xf32> to vector<16xf32>
      %get3A_743 = arith.constant 1 : i32
      %get3A_744 = arith.index_cast %get3A_743 : i32 to index
      %get3A_745 = arith.index_cast %mul3A_693 : i32 to index
      %get3A_746 = tpu.vector_load %arg8[%get3A_744, %get3A_745] {strides = array<i32>} : memref<8x2048xi32, #tpu.memory_space<vmem>>, vector<1x16xi32>,
      %get3A_747 = vector.shape_cast %get3A_746 : vector<1x16xi32> to vector<16xi32>
      %mul3A_748 = arith.mulf %get3A_742, %get3A_699 : vector<16xf32>
      %lt3A_749 = arith.constant 1.000000e+00 : f32
      %lt3A_750 = vector.broadcast %lt3A_749 : f32 to vector<16xf32>
      %lt3A_751 = arith.cmpf olt, %mul3A_748, %lt3A_750 : vector<16xf32>
      %jit3A_752 = arith.constant 1.000000e+00 : f32
      %jit3A_753 = arith.constant 0.000000e+00 : f32
      %broadcast_in_dim3A_754 = vector.broadcast %jit3A_752 : f32 to vector<16xf32>
      %broadcast_in_dim3A_755 = vector.broadcast %jit3A_753 : f32 to vector<16xf32>
      %select_n3A_756 = arith.select %lt3A_751, %broadcast_in_dim3A_754, %broadcast_in_dim3A_755 : vector<16xi1>, vector<16xf32>
      %swap3A_757 = arith.constant 1 : i32
      %swap3A_758 = arith.index_cast %swap3A_757 : i32 to index
      %swap3A_759 = arith.index_cast %mul3A_693 : i32 to index
      %swap3A_760 = tpu.vector_load %arg12[%swap3A_758, %swap3A_759] {strides = array<i32>} : memref<8x2048xf32, #tpu.memory_space<vmem>>, vector<1x16xf32>,
      %swap3A_761 = vector.shape_cast %swap3A_760 : vector<1x16xf32> to vector<16xf32>
      %swap3A_762 = vector.shape_cast %select_n3A_756 : vector<16xf32> to vector<1x16xf32>
      tpu.vector_store %arg12[%swap3A_758, %swap3A_759], %swap3A_762 {strides = array<i32>} : memref<8x2048xf32, #tpu.memory_space<vmem>>, vector<1x16xf32>,
      %jit3A_763 = arith.constant 100001 : i32
      %broadcast_in_dim3A_764 = vector.broadcast %jit3A_763 : i32 to vector<16xi32>
      %select_n3A_765 = arith.select %lt3A_751, %broadcast_in_dim3A_764, %get3A_747 : vector<16xi1>, vector<16xi32>
      %swap3A_766 = arith.constant 1 : i32
      %swap3A_767 = arith.index_cast %swap3A_766 : i32 to index
      %swap3A_768 = arith.index_cast %mul3A_693 : i32 to index
      %swap3A_769 = tpu.vector_load %arg11[%swap3A_767, %swap3A_768] {strides = array<i32>} : memref<8x2048xi32, #tpu.memory_space<vmem>>, vector<1x16xi32>,
      %swap3A_770 = vector.shape_cast %swap3A_769 : vector<1x16xi32> to vector<16xi32>
      %swap3A_771 = vector.shape_cast %select_n3A_765 : vector<16xi32> to vector<1x16xi32>
      tpu.vector_store %arg11[%swap3A_767, %swap3A_768], %swap3A_771 {strides = array<i32>} : memref<8x2048xi32, #tpu.memory_space<vmem>>, vector<1x16xi32>,
      %jit3A_772 = arith.constant 0.000000e+00 : f32
      %broadcast_in_dim3A_773 = vector.broadcast %jit3A_772 : f32 to vector<16xf32>
      %select_n3A_774 = arith.select %lt3A_751, %get3A_696, %broadcast_in_dim3A_773 : vector<16xi1>, vector<16xf32>
      %add3A_775 = arith.addf %add3A_611, %select_n3A_774 : vector<16xf32>
      %get3A_776 = arith.constant 2 : i32
      %get3A_777 = arith.index_cast %get3A_776 : i32 to index
      %get3A_778 = arith.index_cast %mul3A_693 : i32 to index
      %get3A_779 = tpu.vector_load %arg9[%get3A_777, %get3A_778] {strides = array<i32>} : memref<8x2048xf32, #tpu.memory_space<vmem>>, vector<1x16xf32>,
      %get3A_780 = vector.shape_cast %get3A_779 : vector<1x16xf32> to vector<16xf32>
      %get3A_781 = arith.constant 2 : i32
      %get3A_782 = arith.index_cast %get3A_781 : i32 to index
      %get3A_783 = arith.index_cast %mul3A_693 : i32 to index
      %get3A_784 = tpu.vector_load %arg8[%get3A_782, %get3A_783] {strides = array<i32>} : memref<8x2048xi32, #tpu.memory_space<vmem>>, vector<1x16xi32>,
      %get3A_785 = vector.shape_cast %get3A_784 : vector<1x16xi32> to vector<16xi32>
      %mul3A_786 = arith.mulf %get3A_780, %get3A_699 : vector<16xf32>
      %lt3A_787 = arith.constant 1.000000e+00 : f32
      %lt3A_788 = vector.broadcast %lt3A_787 : f32 to vector<16xf32>
      %lt3A_789 = arith.cmpf olt, %mul3A_786, %lt3A_788 : vector<16xf32>
      %jit3A_790 = arith.constant 1.000000e+00 : f32
      %jit3A_791 = arith.constant 0.000000e+00 : f32
      %broadcast_in_dim3A_792 = vector.broadcast %jit3A_790 : f32 to vector<16xf32>
      %broadcast_in_dim3A_793 = vector.broadcast %jit3A_791 : f32 to vector<16xf32>
      %select_n3A_794 = arith.select %lt3A_789, %broadcast_in_dim3A_792, %broadcast_in_dim3A_793 : vector<16xi1>, vector<16xf32>
      %swap3A_795 = arith.constant 2 : i32
      %swap3A_796 = arith.index_cast %swap3A_795 : i32 to index
      %swap3A_797 = arith.index_cast %mul3A_693 : i32 to index
      %swap3A_798 = tpu.vector_load %arg12[%swap3A_796, %swap3A_797] {strides = array<i32>} : memref<8x2048xf32, #tpu.memory_space<vmem>>, vector<1x16xf32>,
      %swap3A_799 = vector.shape_cast %swap3A_798 : vector<1x16xf32> to vector<16xf32>
      %swap3A_800 = vector.shape_cast %select_n3A_794 : vector<16xf32> to vector<1x16xf32>
      tpu.vector_store %arg12[%swap3A_796, %swap3A_797], %swap3A_800 {strides = array<i32>} : memref<8x2048xf32, #tpu.memory_space<vmem>>, vector<1x16xf32>,
      %jit3A_801 = arith.constant 100001 : i32
      %broadcast_in_dim3A_802 = vector.broadcast %jit3A_801 : i32 to vector<16xi32>
      %select_n3A_803 = arith.select %lt3A_789, %broadcast_in_dim3A_802, %get3A_785 : vector<16xi1>, vector<16xi32>
      %swap3A_804 = arith.constant 2 : i32
      %swap3A_805 = arith.index_cast %swap3A_804 : i32 to index
      %swap3A_806 = arith.index_cast %mul3A_693 : i32 to index
      %swap3A_807 = tpu.vector_load %arg11[%swap3A_805, %swap3A_806] {strides = array<i32>} : memref<8x2048xi32, #tpu.memory_space<vmem>>, vector<1x16xi32>,
      %swap3A_808 = vector.shape_cast %swap3A_807 : vector<1x16xi32> to vector<16xi32>
      %swap3A_809 = vector.shape_cast %select_n3A_803 : vector<16xi32> to vector<1x16xi32>
      tpu.vector_store %arg11[%swap3A_805, %swap3A_806], %swap3A_809 {strides = array<i32>} : memref<8x2048xi32, #tpu.memory_space<vmem>>, vector<1x16xi32>,
      %jit3A_810 = arith.constant 0.000000e+00 : f32
      %broadcast_in_dim3A_811 = vector.broadcast %jit3A_810 : f32 to vector<16xf32>
      %select_n3A_812 = arith.select %lt3A_789, %get3A_696, %broadcast_in_dim3A_811 : vector<16xi1>, vector<16xf32>
      %add3A_813 = arith.addf %add3A_649, %select_n3A_812 : vector<16xf32>
      %get3A_814 = arith.constant 3 : i32
      %get3A_815 = arith.index_cast %get3A_814 : i32 to index
      %get3A_816 = arith.index_cast %mul3A_693 : i32 to index
      %get3A_817 = tpu.vector_load %arg9[%get3A_815, %get3A_816] {strides = array<i32>} : memref<8x2048xf32, #tpu.memory_space<vmem>>, vector<1x16xf32>,
      %get3A_818 = vector.shape_cast %get3A_817 : vector<1x16xf32> to vector<16xf32>
      %get3A_819 = arith.constant 3 : i32
      %get3A_820 = arith.index_cast %get3A_819 : i32 to index
      %get3A_821 = arith.index_cast %mul3A_693 : i32 to index
      %get3A_822 = tpu.vector_load %arg8[%get3A_820, %get3A_821] {strides = array<i32>} : memref<8x2048xi32, #tpu.memory_space<vmem>>, vector<1x16xi32>,
      %get3A_823 = vector.shape_cast %get3A_822 : vector<1x16xi32> to vector<16xi32>
      %mul3A_824 = arith.mulf %get3A_818, %get3A_699 : vector<16xf32>
      %lt3A_825 = arith.constant 1.000000e+00 : f32
      %lt3A_826 = vector.broadcast %lt3A_825 : f32 to vector<16xf32>
      %lt3A_827 = arith.cmpf olt, %mul3A_824, %lt3A_826 : vector<16xf32>
      %jit3A_828 = arith.constant 1.000000e+00 : f32
      %jit3A_829 = arith.constant 0.000000e+00 : f32
      %broadcast_in_dim3A_830 = vector.broadcast %jit3A_828 : f32 to vector<16xf32>
      %broadcast_in_dim3A_831 = vector.broadcast %jit3A_829 : f32 to vector<16xf32>
      %select_n3A_832 = arith.select %lt3A_827, %broadcast_in_dim3A_830, %broadcast_in_dim3A_831 : vector<16xi1>, vector<16xf32>
      %swap3A_833 = arith.constant 3 : i32
      %swap3A_834 = arith.index_cast %swap3A_833 : i32 to index
      %swap3A_835 = arith.index_cast %mul3A_693 : i32 to index
      %swap3A_836 = tpu.vector_load %arg12[%swap3A_834, %swap3A_835] {strides = array<i32>} : memref<8x2048xf32, #tpu.memory_space<vmem>>, vector<1x16xf32>,
      %swap3A_837 = vector.shape_cast %swap3A_836 : vector<1x16xf32> to vector<16xf32>
      %swap3A_838 = vector.shape_cast %select_n3A_832 : vector<16xf32> to vector<1x16xf32>
      tpu.vector_store %arg12[%swap3A_834, %swap3A_835], %swap3A_838 {strides = array<i32>} : memref<8x2048xf32, #tpu.memory_space<vmem>>, vector<1x16xf32>,
      %jit3A_839 = arith.constant 100001 : i32
      %broadcast_in_dim3A_840 = vector.broadcast %jit3A_839 : i32 to vector<16xi32>
      %select_n3A_841 = arith.select %lt3A_827, %broadcast_in_dim3A_840, %get3A_823 : vector<16xi1>, vector<16xi32>
      %swap3A_842 = arith.constant 3 : i32
      %swap3A_843 = arith.index_cast %swap3A_842 : i32 to index
      %swap3A_844 = arith.index_cast %mul3A_693 : i32 to index
      %swap3A_845 = tpu.vector_load %arg11[%swap3A_843, %swap3A_844] {strides = array<i32>} : memref<8x2048xi32, #tpu.memory_space<vmem>>, vector<1x16xi32>,
      %swap3A_846 = vector.shape_cast %swap3A_845 : vector<1x16xi32> to vector<16xi32>
      %swap3A_847 = vector.shape_cast %select_n3A_841 : vector<16xi32> to vector<1x16xi32>
      tpu.vector_store %arg11[%swap3A_843, %swap3A_844], %swap3A_847 {strides = array<i32>} : memref<8x2048xi32, #tpu.memory_space<vmem>>, vector<1x16xi32>,
      %jit3A_848 = arith.constant 0.000000e+00 : f32
      %broadcast_in_dim3A_849 = vector.broadcast %jit3A_848 : f32 to vector<16xf32>
      %select_n3A_850 = arith.select %lt3A_827, %get3A_696, %broadcast_in_dim3A_849 : vector<16xi1>, vector<16xf32>
      %add3A_851 = arith.addf %add3A_687, %select_n3A_850 : vector<16xf32>
      %mul3A_852 = arith.constant 4 : i32
      %mul3A_853 = arith.muli %mul3A_852, %scan3A_522 : i32
      %add3A_854 = arith.constant 2 : i32
      %add3A_855 = arith.addi %mul3A_853, %add3A_854 : i32
      %mul3A_856 = arith.constant 16 : i32
      %mul3A_857 = arith.muli %add3A_855, %mul3A_856 : i32
      %get3A_858 = arith.index_cast %mul3A_857 : i32 to index
      %get3A_859 = tpu.vector_load %arg10[%get3A_858] {strides = array<i32>} : memref<2048xf32, #tpu.memory_space<vmem>>, vector<16xf32>,
      %get3A_860 = vector.shape_cast %get3A_859 : vector<16xf32> to vector<16xf32>
      %get3A_861 = arith.index_cast %mul3A_857 : i32 to index
      %get3A_862 = tpu.vector_load %arg14[%get3A_861] {strides = array<i32>} : memref<2048xf32, #tpu.memory_space<vmem>>, vector<16xf32>,
      %get3A_863 = vector.shape_cast %get3A_862 : vector<16xf32> to vector<16xf32>
      %get3A_864 = arith.constant 0 : i32
      %get3A_865 = arith.index_cast %get3A_864 : i32 to index
      %get3A_866 = arith.index_cast %mul3A_857 : i32 to index
      %get3A_867 = tpu.vector_load %arg9[%get3A_865, %get3A_866] {strides = array<i32>} : memref<8x2048xf32, #tpu.memory_space<vmem>>, vector<1x16xf32>,
      %get3A_868 = vector.shape_cast %get3A_867 : vector<1x16xf32> to vector<16xf32>
      %get3A_869 = arith.constant 0 : i32
      %get3A_870 = arith.index_cast %get3A_869 : i32 to index
      %get3A_871 = arith.index_cast %mul3A_857 : i32 to index
      %get3A_872 = tpu.vector_load %arg8[%get3A_870, %get3A_871] {strides = array<i32>} : memref<8x2048xi32, #tpu.memory_space<vmem>>, vector<1x16xi32>,
      %get3A_873 = vector.shape_cast %get3A_872 : vector<1x16xi32> to vector<16xi32>
      %mul3A_874 = arith.mulf %get3A_868, %get3A_863 : vector<16xf32>
      %lt3A_875 = arith.constant 1.000000e+00 : f32
      %lt3A_876 = vector.broadcast %lt3A_875 : f32 to vector<16xf32>
      %lt3A_877 = arith.cmpf olt, %mul3A_874, %lt3A_876 : vector<16xf32>
      %jit3A_878 = arith.constant 1.000000e+00 : f32
      %jit3A_879 = arith.constant 0.000000e+00 : f32
      %broadcast_in_dim3A_880 = vector.broadcast %jit3A_878 : f32 to vector<16xf32>
      %broadcast_in_dim3A_881 = vector.broadcast %jit3A_879 : f32 to vector<16xf32>
      %select_n3A_882 = arith.select %lt3A_877, %broadcast_in_dim3A_880, %broadcast_in_dim3A_881 : vector<16xi1>, vector<16xf32>
      %swap3A_883 = arith.constant 0 : i32
      %swap3A_884 = arith.index_cast %swap3A_883 : i32 to index
      %swap3A_885 = arith.index_cast %mul3A_857 : i32 to index
      %swap3A_886 = tpu.vector_load %arg12[%swap3A_884, %swap3A_885] {strides = array<i32>} : memref<8x2048xf32, #tpu.memory_space<vmem>>, vector<1x16xf32>,
      %swap3A_887 = vector.shape_cast %swap3A_886 : vector<1x16xf32> to vector<16xf32>
      %swap3A_888 = vector.shape_cast %select_n3A_882 : vector<16xf32> to vector<1x16xf32>
      tpu.vector_store %arg12[%swap3A_884, %swap3A_885], %swap3A_888 {strides = array<i32>} : memref<8x2048xf32, #tpu.memory_space<vmem>>, vector<1x16xf32>,
      %jit3A_889 = arith.constant 100001 : i32
      %broadcast_in_dim3A_890 = vector.broadcast %jit3A_889 : i32 to vector<16xi32>
      %select_n3A_891 = arith.select %lt3A_877, %broadcast_in_dim3A_890, %get3A_873 : vector<16xi1>, vector<16xi32>
      %swap3A_892 = arith.constant 0 : i32
      %swap3A_893 = arith.index_cast %swap3A_892 : i32 to index
      %swap3A_894 = arith.index_cast %mul3A_857 : i32 to index
      %swap3A_895 = tpu.vector_load %arg11[%swap3A_893, %swap3A_894] {strides = array<i32>} : memref<8x2048xi32, #tpu.memory_space<vmem>>, vector<1x16xi32>,
      %swap3A_896 = vector.shape_cast %swap3A_895 : vector<1x16xi32> to vector<16xi32>
      %swap3A_897 = vector.shape_cast %select_n3A_891 : vector<16xi32> to vector<1x16xi32>
      tpu.vector_store %arg11[%swap3A_893, %swap3A_894], %swap3A_897 {strides = array<i32>} : memref<8x2048xi32, #tpu.memory_space<vmem>>, vector<1x16xi32>,
      %jit3A_898 = arith.constant 0.000000e+00 : f32
      %broadcast_in_dim3A_899 = vector.broadcast %jit3A_898 : f32 to vector<16xf32>
      %select_n3A_900 = arith.select %lt3A_877, %get3A_860, %broadcast_in_dim3A_899 : vector<16xi1>, vector<16xf32>
      %add3A_901 = arith.addf %add3A_737, %select_n3A_900 : vector<16xf32>
      %get3A_902 = arith.constant 1 : i32
      %get3A_903 = arith.index_cast %get3A_902 : i32 to index
      %get3A_904 = arith.index_cast %mul3A_857 : i32 to index
      %get3A_905 = tpu.vector_load %arg9[%get3A_903, %get3A_904] {strides = array<i32>} : memref<8x2048xf32, #tpu.memory_space<vmem>>, vector<1x16xf32>,
      %get3A_906 = vector.shape_cast %get3A_905 : vector<1x16xf32> to vector<16xf32>
      %get3A_907 = arith.constant 1 : i32
      %get3A_908 = arith.index_cast %get3A_907 : i32 to index
      %get3A_909 = arith.index_cast %mul3A_857 : i32 to index
      %get3A_910 = tpu.vector_load %arg8[%get3A_908, %get3A_909] {strides = array<i32>} : memref<8x2048xi32, #tpu.memory_space<vmem>>, vector<1x16xi32>,
      %get3A_911 = vector.shape_cast %get3A_910 : vector<1x16xi32> to vector<16xi32>
      %mul3A_912 = arith.mulf %get3A_906, %get3A_863 : vector<16xf32>
      %lt3A_913 = arith.constant 1.000000e+00 : f32
      %lt3A_914 = vector.broadcast %lt3A_913 : f32 to vector<16xf32>
      %lt3A_915 = arith.cmpf olt, %mul3A_912, %lt3A_914 : vector<16xf32>
      %jit3A_916 = arith.constant 1.000000e+00 : f32
      %jit3A_917 = arith.constant 0.000000e+00 : f32
      %broadcast_in_dim3A_918 = vector.broadcast %jit3A_916 : f32 to vector<16xf32>
      %broadcast_in_dim3A_919 = vector.broadcast %jit3A_917 : f32 to vector<16xf32>
      %select_n3A_920 = arith.select %lt3A_915, %broadcast_in_dim3A_918, %broadcast_in_dim3A_919 : vector<16xi1>, vector<16xf32>
      %swap3A_921 = arith.constant 1 : i32
      %swap3A_922 = arith.index_cast %swap3A_921 : i32 to index
      %swap3A_923 = arith.index_cast %mul3A_857 : i32 to index
      %swap3A_924 = tpu.vector_load %arg12[%swap3A_922, %swap3A_923] {strides = array<i32>} : memref<8x2048xf32, #tpu.memory_space<vmem>>, vector<1x16xf32>,
      %swap3A_925 = vector.shape_cast %swap3A_924 : vector<1x16xf32> to vector<16xf32>
      %swap3A_926 = vector.shape_cast %select_n3A_920 : vector<16xf32> to vector<1x16xf32>
      tpu.vector_store %arg12[%swap3A_922, %swap3A_923], %swap3A_926 {strides = array<i32>} : memref<8x2048xf32, #tpu.memory_space<vmem>>, vector<1x16xf32>,
      %jit3A_927 = arith.constant 100001 : i32
      %broadcast_in_dim3A_928 = vector.broadcast %jit3A_927 : i32 to vector<16xi32>
      %select_n3A_929 = arith.select %lt3A_915, %broadcast_in_dim3A_928, %get3A_911 : vector<16xi1>, vector<16xi32>
      %swap3A_930 = arith.constant 1 : i32
      %swap3A_931 = arith.index_cast %swap3A_930 : i32 to index
      %swap3A_932 = arith.index_cast %mul3A_857 : i32 to index
      %swap3A_933 = tpu.vector_load %arg11[%swap3A_931, %swap3A_932] {strides = array<i32>} : memref<8x2048xi32, #tpu.memory_space<vmem>>, vector<1x16xi32>,
      %swap3A_934 = vector.shape_cast %swap3A_933 : vector<1x16xi32> to vector<16xi32>
      %swap3A_935 = vector.shape_cast %select_n3A_929 : vector<16xi32> to vector<1x16xi32>
      tpu.vector_store %arg11[%swap3A_931, %swap3A_932], %swap3A_935 {strides = array<i32>} : memref<8x2048xi32, #tpu.memory_space<vmem>>, vector<1x16xi32>,
      %jit3A_936 = arith.constant 0.000000e+00 : f32
      %broadcast_in_dim3A_937 = vector.broadcast %jit3A_936 : f32 to vector<16xf32>
      %select_n3A_938 = arith.select %lt3A_915, %get3A_860, %broadcast_in_dim3A_937 : vector<16xi1>, vector<16xf32>
      %add3A_939 = arith.addf %add3A_775, %select_n3A_938 : vector<16xf32>
      %get3A_940 = arith.constant 2 : i32
      %get3A_941 = arith.index_cast %get3A_940 : i32 to index
      %get3A_942 = arith.index_cast %mul3A_857 : i32 to index
      %get3A_943 = tpu.vector_load %arg9[%get3A_941, %get3A_942] {strides = array<i32>} : memref<8x2048xf32, #tpu.memory_space<vmem>>, vector<1x16xf32>,
      %get3A_944 = vector.shape_cast %get3A_943 : vector<1x16xf32> to vector<16xf32>
      %get3A_945 = arith.constant 2 : i32
      %get3A_946 = arith.index_cast %get3A_945 : i32 to index
      %get3A_947 = arith.index_cast %mul3A_857 : i32 to index
      %get3A_948 = tpu.vector_load %arg8[%get3A_946, %get3A_947] {strides = array<i32>} : memref<8x2048xi32, #tpu.memory_space<vmem>>, vector<1x16xi32>,
      %get3A_949 = vector.shape_cast %get3A_948 : vector<1x16xi32> to vector<16xi32>
      %mul3A_950 = arith.mulf %get3A_944, %get3A_863 : vector<16xf32>
      %lt3A_951 = arith.constant 1.000000e+00 : f32
      %lt3A_952 = vector.broadcast %lt3A_951 : f32 to vector<16xf32>
      %lt3A_953 = arith.cmpf olt, %mul3A_950, %lt3A_952 : vector<16xf32>
      %jit3A_954 = arith.constant 1.000000e+00 : f32
      %jit3A_955 = arith.constant 0.000000e+00 : f32
      %broadcast_in_dim3A_956 = vector.broadcast %jit3A_954 : f32 to vector<16xf32>
      %broadcast_in_dim3A_957 = vector.broadcast %jit3A_955 : f32 to vector<16xf32>
      %select_n3A_958 = arith.select %lt3A_953, %broadcast_in_dim3A_956, %broadcast_in_dim3A_957 : vector<16xi1>, vector<16xf32>
      %swap3A_959 = arith.constant 2 : i32
      %swap3A_960 = arith.index_cast %swap3A_959 : i32 to index
      %swap3A_961 = arith.index_cast %mul3A_857 : i32 to index
      %swap3A_962 = tpu.vector_load %arg12[%swap3A_960, %swap3A_961] {strides = array<i32>} : memref<8x2048xf32, #tpu.memory_space<vmem>>, vector<1x16xf32>,
      %swap3A_963 = vector.shape_cast %swap3A_962 : vector<1x16xf32> to vector<16xf32>
      %swap3A_964 = vector.shape_cast %select_n3A_958 : vector<16xf32> to vector<1x16xf32>
      tpu.vector_store %arg12[%swap3A_960, %swap3A_961], %swap3A_964 {strides = array<i32>} : memref<8x2048xf32, #tpu.memory_space<vmem>>, vector<1x16xf32>,
      %jit3A_965 = arith.constant 100001 : i32
      %broadcast_in_dim3A_966 = vector.broadcast %jit3A_965 : i32 to vector<16xi32>
      %select_n3A_967 = arith.select %lt3A_953, %broadcast_in_dim3A_966, %get3A_949 : vector<16xi1>, vector<16xi32>
      %swap3A_968 = arith.constant 2 : i32
      %swap3A_969 = arith.index_cast %swap3A_968 : i32 to index
      %swap3A_970 = arith.index_cast %mul3A_857 : i32 to index
      %swap3A_971 = tpu.vector_load %arg11[%swap3A_969, %swap3A_970] {strides = array<i32>} : memref<8x2048xi32, #tpu.memory_space<vmem>>, vector<1x16xi32>,
      %swap3A_972 = vector.shape_cast %swap3A_971 : vector<1x16xi32> to vector<16xi32>
      %swap3A_973 = vector.shape_cast %select_n3A_967 : vector<16xi32> to vector<1x16xi32>
      tpu.vector_store %arg11[%swap3A_969, %swap3A_970], %swap3A_973 {strides = array<i32>} : memref<8x2048xi32, #tpu.memory_space<vmem>>, vector<1x16xi32>,
      %jit3A_974 = arith.constant 0.000000e+00 : f32
      %broadcast_in_dim3A_975 = vector.broadcast %jit3A_974 : f32 to vector<16xf32>
      %select_n3A_976 = arith.select %lt3A_953, %get3A_860, %broadcast_in_dim3A_975 : vector<16xi1>, vector<16xf32>
      %add3A_977 = arith.addf %add3A_813, %select_n3A_976 : vector<16xf32>
      %get3A_978 = arith.constant 3 : i32
      %get3A_979 = arith.index_cast %get3A_978 : i32 to index
      %get3A_980 = arith.index_cast %mul3A_857 : i32 to index
      %get3A_981 = tpu.vector_load %arg9[%get3A_979, %get3A_980] {strides = array<i32>} : memref<8x2048xf32, #tpu.memory_space<vmem>>, vector<1x16xf32>,
      %get3A_982 = vector.shape_cast %get3A_981 : vector<1x16xf32> to vector<16xf32>
      %get3A_983 = arith.constant 3 : i32
      %get3A_984 = arith.index_cast %get3A_983 : i32 to index
      %get3A_985 = arith.index_cast %mul3A_857 : i32 to index
      %get3A_986 = tpu.vector_load %arg8[%get3A_984, %get3A_985] {strides = array<i32>} : memref<8x2048xi32, #tpu.memory_space<vmem>>, vector<1x16xi32>,
      %get3A_987 = vector.shape_cast %get3A_986 : vector<1x16xi32> to vector<16xi32>
      %mul3A_988 = arith.mulf %get3A_982, %get3A_863 : vector<16xf32>
      %lt3A_989 = arith.constant 1.000000e+00 : f32
      %lt3A_990 = vector.broadcast %lt3A_989 : f32 to vector<16xf32>
      %lt3A_991 = arith.cmpf olt, %mul3A_988, %lt3A_990 : vector<16xf32>
      %jit3A_992 = arith.constant 1.000000e+00 : f32
      %jit3A_993 = arith.constant 0.000000e+00 : f32
      %broadcast_in_dim3A_994 = vector.broadcast %jit3A_992 : f32 to vector<16xf32>
      %broadcast_in_dim3A_995 = vector.broadcast %jit3A_993 : f32 to vector<16xf32>
      %select_n3A_996 = arith.select %lt3A_991, %broadcast_in_dim3A_994, %broadcast_in_dim3A_995 : vector<16xi1>, vector<16xf32>
      %swap3A_997 = arith.constant 3 : i32
      %swap3A_998 = arith.index_cast %swap3A_997 : i32 to index
      %swap3A_999 = arith.index_cast %mul3A_857 : i32 to index
      %swap3A_1000 = tpu.vector_load %arg12[%swap3A_998, %swap3A_999] {strides = array<i32>} : memref<8x2048xf32, #tpu.memory_space<vmem>>, vector<1x16xf32>,
      %swap3A_1001 = vector.shape_cast %swap3A_1000 : vector<1x16xf32> to vector<16xf32>
      %swap3A_1002 = vector.shape_cast %select_n3A_996 : vector<16xf32> to vector<1x16xf32>
      tpu.vector_store %arg12[%swap3A_998, %swap3A_999], %swap3A_1002 {strides = array<i32>} : memref<8x2048xf32, #tpu.memory_space<vmem>>, vector<1x16xf32>,
      %jit3A_1003 = arith.constant 100001 : i32
      %broadcast_in_dim3A_1004 = vector.broadcast %jit3A_1003 : i32 to vector<16xi32>
      %select_n3A_1005 = arith.select %lt3A_991, %broadcast_in_dim3A_1004, %get3A_987 : vector<16xi1>, vector<16xi32>
      %swap3A_1006 = arith.constant 3 : i32
      %swap3A_1007 = arith.index_cast %swap3A_1006 : i32 to index
      %swap3A_1008 = arith.index_cast %mul3A_857 : i32 to index
      %swap3A_1009 = tpu.vector_load %arg11[%swap3A_1007, %swap3A_1008] {strides = array<i32>} : memref<8x2048xi32, #tpu.memory_space<vmem>>, vector<1x16xi32>,
      %swap3A_1010 = vector.shape_cast %swap3A_1009 : vector<1x16xi32> to vector<16xi32>
      %swap3A_1011 = vector.shape_cast %select_n3A_1005 : vector<16xi32> to vector<1x16xi32>
      tpu.vector_store %arg11[%swap3A_1007, %swap3A_1008], %swap3A_1011 {strides = array<i32>} : memref<8x2048xi32, #tpu.memory_space<vmem>>, vector<1x16xi32>,
      %jit3A_1012 = arith.constant 0.000000e+00 : f32
      %broadcast_in_dim3A_1013 = vector.broadcast %jit3A_1012 : f32 to vector<16xf32>
      %select_n3A_1014 = arith.select %lt3A_991, %get3A_860, %broadcast_in_dim3A_1013 : vector<16xi1>, vector<16xf32>
      %add3A_1015 = arith.addf %add3A_851, %select_n3A_1014 : vector<16xf32>
      %mul3A_1016 = arith.constant 4 : i32
      %mul3A_1017 = arith.muli %mul3A_1016, %scan3A_522 : i32
      %add3A_1018 = arith.constant 3 : i32
      %add3A_1019 = arith.addi %mul3A_1017, %add3A_1018 : i32
      %mul3A_1020 = arith.constant 16 : i32
      %mul3A_1021 = arith.muli %add3A_1019, %mul3A_1020 : i32
      %get3A_1022 = arith.index_cast %mul3A_1021 : i32 to index
      %get3A_1023 = tpu.vector_load %arg10[%get3A_1022] {strides = array<i32>} : memref<2048xf32, #tpu.memory_space<vmem>>, vector<16xf32>,
      %get3A_1024 = vector.shape_cast %get3A_1023 : vector<16xf32> to vector<16xf32>
      %get3A_1025 = arith.index_cast %mul3A_1021 : i32 to index
      %get3A_1026 = tpu.vector_load %arg14[%get3A_1025] {strides = array<i32>} : memref<2048xf32, #tpu.memory_space<vmem>>, vector<16xf32>,
      %get3A_1027 = vector.shape_cast %get3A_1026 : vector<16xf32> to vector<16xf32>
      %get3A_1028 = arith.constant 0 : i32
      %get3A_1029 = arith.index_cast %get3A_1028 : i32 to index
      %get3A_1030 = arith.index_cast %mul3A_1021 : i32 to index
      %get3A_1031 = tpu.vector_load %arg9[%get3A_1029, %get3A_1030] {strides = array<i32>} : memref<8x2048xf32, #tpu.memory_space<vmem>>, vector<1x16xf32>,
      %get3A_1032 = vector.shape_cast %get3A_1031 : vector<1x16xf32> to vector<16xf32>
      %get3A_1033 = arith.constant 0 : i32
      %get3A_1034 = arith.index_cast %get3A_1033 : i32 to index
      %get3A_1035 = arith.index_cast %mul3A_1021 : i32 to index
      %get3A_1036 = tpu.vector_load %arg8[%get3A_1034, %get3A_1035] {strides = array<i32>} : memref<8x2048xi32, #tpu.memory_space<vmem>>, vector<1x16xi32>,
      %get3A_1037 = vector.shape_cast %get3A_1036 : vector<1x16xi32> to vector<16xi32>
      %mul3A_1038 = arith.mulf %get3A_1032, %get3A_1027 : vector<16xf32>
      %lt3A_1039 = arith.constant 1.000000e+00 : f32
      %lt3A_1040 = vector.broadcast %lt3A_1039 : f32 to vector<16xf32>
      %lt3A_1041 = arith.cmpf olt, %mul3A_1038, %lt3A_1040 : vector<16xf32>
      %jit3A_1042 = arith.constant 1.000000e+00 : f32
      %jit3A_1043 = arith.constant 0.000000e+00 : f32
      %broadcast_in_dim3A_1044 = vector.broadcast %jit3A_1042 : f32 to vector<16xf32>
      %broadcast_in_dim3A_1045 = vector.broadcast %jit3A_1043 : f32 to vector<16xf32>
      %select_n3A_1046 = arith.select %lt3A_1041, %broadcast_in_dim3A_1044, %broadcast_in_dim3A_1045 : vector<16xi1>, vector<16xf32>
      %swap3A_1047 = arith.constant 0 : i32
      %swap3A_1048 = arith.index_cast %swap3A_1047 : i32 to index
      %swap3A_1049 = arith.index_cast %mul3A_1021 : i32 to index
      %swap3A_1050 = tpu.vector_load %arg12[%swap3A_1048, %swap3A_1049] {strides = array<i32>} : memref<8x2048xf32, #tpu.memory_space<vmem>>, vector<1x16xf32>,
      %swap3A_1051 = vector.shape_cast %swap3A_1050 : vector<1x16xf32> to vector<16xf32>
      %swap3A_1052 = vector.shape_cast %select_n3A_1046 : vector<16xf32> to vector<1x16xf32>
      tpu.vector_store %arg12[%swap3A_1048, %swap3A_1049], %swap3A_1052 {strides = array<i32>} : memref<8x2048xf32, #tpu.memory_space<vmem>>, vector<1x16xf32>,
      %jit3A_1053 = arith.constant 100001 : i32
      %broadcast_in_dim3A_1054 = vector.broadcast %jit3A_1053 : i32 to vector<16xi32>
      %select_n3A_1055 = arith.select %lt3A_1041, %broadcast_in_dim3A_1054, %get3A_1037 : vector<16xi1>, vector<16xi32>
      %swap3A_1056 = arith.constant 0 : i32
      %swap3A_1057 = arith.index_cast %swap3A_1056 : i32 to index
      %swap3A_1058 = arith.index_cast %mul3A_1021 : i32 to index
      %swap3A_1059 = tpu.vector_load %arg11[%swap3A_1057, %swap3A_1058] {strides = array<i32>} : memref<8x2048xi32, #tpu.memory_space<vmem>>, vector<1x16xi32>,
      %swap3A_1060 = vector.shape_cast %swap3A_1059 : vector<1x16xi32> to vector<16xi32>
      %swap3A_1061 = vector.shape_cast %select_n3A_1055 : vector<16xi32> to vector<1x16xi32>
      tpu.vector_store %arg11[%swap3A_1057, %swap3A_1058], %swap3A_1061 {strides = array<i32>} : memref<8x2048xi32, #tpu.memory_space<vmem>>, vector<1x16xi32>,
      %jit3A_1062 = arith.constant 0.000000e+00 : f32
      %broadcast_in_dim3A_1063 = vector.broadcast %jit3A_1062 : f32 to vector<16xf32>
      %select_n3A_1064 = arith.select %lt3A_1041, %get3A_1024, %broadcast_in_dim3A_1063 : vector<16xi1>, vector<16xf32>
      %add3A_1065 = arith.addf %add3A_901, %select_n3A_1064 : vector<16xf32>
      %get3A_1066 = arith.constant 1 : i32
      %get3A_1067 = arith.index_cast %get3A_1066 : i32 to index
      %get3A_1068 = arith.index_cast %mul3A_1021 : i32 to index
      %get3A_1069 = tpu.vector_load %arg9[%get3A_1067, %get3A_1068] {strides = array<i32>} : memref<8x2048xf32, #tpu.memory_space<vmem>>, vector<1x16xf32>,
      %get3A_1070 = vector.shape_cast %get3A_1069 : vector<1x16xf32> to vector<16xf32>
      %get3A_1071 = arith.constant 1 : i32
      %get3A_1072 = arith.index_cast %get3A_1071 : i32 to index
      %get3A_1073 = arith.index_cast %mul3A_1021 : i32 to index
      %get3A_1074 = tpu.vector_load %arg8[%get3A_1072, %get3A_1073] {strides = array<i32>} : memref<8x2048xi32, #tpu.memory_space<vmem>>, vector<1x16xi32>,
      %get3A_1075 = vector.shape_cast %get3A_1074 : vector<1x16xi32> to vector<16xi32>
      %mul3A_1076 = arith.mulf %get3A_1070, %get3A_1027 : vector<16xf32>
      %lt3A_1077 = arith.constant 1.000000e+00 : f32
      %lt3A_1078 = vector.broadcast %lt3A_1077 : f32 to vector<16xf32>
      %lt3A_1079 = arith.cmpf olt, %mul3A_1076, %lt3A_1078 : vector<16xf32>
      %jit3A_1080 = arith.constant 1.000000e+00 : f32
      %jit3A_1081 = arith.constant 0.000000e+00 : f32
      %broadcast_in_dim3A_1082 = vector.broadcast %jit3A_1080 : f32 to vector<16xf32>
      %broadcast_in_dim3A_1083 = vector.broadcast %jit3A_1081 : f32 to vector<16xf32>
      %select_n3A_1084 = arith.select %lt3A_1079, %broadcast_in_dim3A_1082, %broadcast_in_dim3A_1083 : vector<16xi1>, vector<16xf32>
      %swap3A_1085 = arith.constant 1 : i32
      %swap3A_1086 = arith.index_cast %swap3A_1085 : i32 to index
      %swap3A_1087 = arith.index_cast %mul3A_1021 : i32 to index
      %swap3A_1088 = tpu.vector_load %arg12[%swap3A_1086, %swap3A_1087] {strides = array<i32>} : memref<8x2048xf32, #tpu.memory_space<vmem>>, vector<1x16xf32>,
      %swap3A_1089 = vector.shape_cast %swap3A_1088 : vector<1x16xf32> to vector<16xf32>
      %swap3A_1090 = vector.shape_cast %select_n3A_1084 : vector<16xf32> to vector<1x16xf32>
      tpu.vector_store %arg12[%swap3A_1086, %swap3A_1087], %swap3A_1090 {strides = array<i32>} : memref<8x2048xf32, #tpu.memory_space<vmem>>, vector<1x16xf32>,
      %jit3A_1091 = arith.constant 100001 : i32
      %broadcast_in_dim3A_1092 = vector.broadcast %jit3A_1091 : i32 to vector<16xi32>
      %select_n3A_1093 = arith.select %lt3A_1079, %broadcast_in_dim3A_1092, %get3A_1075 : vector<16xi1>, vector<16xi32>
      %swap3A_1094 = arith.constant 1 : i32
      %swap3A_1095 = arith.index_cast %swap3A_1094 : i32 to index
      %swap3A_1096 = arith.index_cast %mul3A_1021 : i32 to index
      %swap3A_1097 = tpu.vector_load %arg11[%swap3A_1095, %swap3A_1096] {strides = array<i32>} : memref<8x2048xi32, #tpu.memory_space<vmem>>, vector<1x16xi32>,
      %swap3A_1098 = vector.shape_cast %swap3A_1097 : vector<1x16xi32> to vector<16xi32>
      %swap3A_1099 = vector.shape_cast %select_n3A_1093 : vector<16xi32> to vector<1x16xi32>
      tpu.vector_store %arg11[%swap3A_1095, %swap3A_1096], %swap3A_1099 {strides = array<i32>} : memref<8x2048xi32, #tpu.memory_space<vmem>>, vector<1x16xi32>,
      %jit3A_1100 = arith.constant 0.000000e+00 : f32
      %broadcast_in_dim3A_1101 = vector.broadcast %jit3A_1100 : f32 to vector<16xf32>
      %select_n3A_1102 = arith.select %lt3A_1079, %get3A_1024, %broadcast_in_dim3A_1101 : vector<16xi1>, vector<16xf32>
      %add3A_1103 = arith.addf %add3A_939, %select_n3A_1102 : vector<16xf32>
      %get3A_1104 = arith.constant 2 : i32
      %get3A_1105 = arith.index_cast %get3A_1104 : i32 to index
      %get3A_1106 = arith.index_cast %mul3A_1021 : i32 to index
      %get3A_1107 = tpu.vector_load %arg9[%get3A_1105, %get3A_1106] {strides = array<i32>} : memref<8x2048xf32, #tpu.memory_space<vmem>>, vector<1x16xf32>,
      %get3A_1108 = vector.shape_cast %get3A_1107 : vector<1x16xf32> to vector<16xf32>
      %get3A_1109 = arith.constant 2 : i32
      %get3A_1110 = arith.index_cast %get3A_1109 : i32 to index
      %get3A_1111 = arith.index_cast %mul3A_1021 : i32 to index
      %get3A_1112 = tpu.vector_load %arg8[%get3A_1110, %get3A_1111] {strides = array<i32>} : memref<8x2048xi32, #tpu.memory_space<vmem>>, vector<1x16xi32>,
      %get3A_1113 = vector.shape_cast %get3A_1112 : vector<1x16xi32> to vector<16xi32>
      %mul3A_1114 = arith.mulf %get3A_1108, %get3A_1027 : vector<16xf32>
      %lt3A_1115 = arith.constant 1.000000e+00 : f32
      %lt3A_1116 = vector.broadcast %lt3A_1115 : f32 to vector<16xf32>
      %lt3A_1117 = arith.cmpf olt, %mul3A_1114, %lt3A_1116 : vector<16xf32>
      %jit3A_1118 = arith.constant 1.000000e+00 : f32
      %jit3A_1119 = arith.constant 0.000000e+00 : f32
      %broadcast_in_dim3A_1120 = vector.broadcast %jit3A_1118 : f32 to vector<16xf32>
      %broadcast_in_dim3A_1121 = vector.broadcast %jit3A_1119 : f32 to vector<16xf32>
      %select_n3A_1122 = arith.select %lt3A_1117, %broadcast_in_dim3A_1120, %broadcast_in_dim3A_1121 : vector<16xi1>, vector<16xf32>
      %swap3A_1123 = arith.constant 2 : i32
      %swap3A_1124 = arith.index_cast %swap3A_1123 : i32 to index
      %swap3A_1125 = arith.index_cast %mul3A_1021 : i32 to index
      %swap3A_1126 = tpu.vector_load %arg12[%swap3A_1124, %swap3A_1125] {strides = array<i32>} : memref<8x2048xf32, #tpu.memory_space<vmem>>, vector<1x16xf32>,
      %swap3A_1127 = vector.shape_cast %swap3A_1126 : vector<1x16xf32> to vector<16xf32>
      %swap3A_1128 = vector.shape_cast %select_n3A_1122 : vector<16xf32> to vector<1x16xf32>
      tpu.vector_store %arg12[%swap3A_1124, %swap3A_1125], %swap3A_1128 {strides = array<i32>} : memref<8x2048xf32, #tpu.memory_space<vmem>>, vector<1x16xf32>,
      %jit3A_1129 = arith.constant 100001 : i32
      %broadcast_in_dim3A_1130 = vector.broadcast %jit3A_1129 : i32 to vector<16xi32>
      %select_n3A_1131 = arith.select %lt3A_1117, %broadcast_in_dim3A_1130, %get3A_1113 : vector<16xi1>, vector<16xi32>
      %swap3A_1132 = arith.constant 2 : i32
      %swap3A_1133 = arith.index_cast %swap3A_1132 : i32 to index
      %swap3A_1134 = arith.index_cast %mul3A_1021 : i32 to index
      %swap3A_1135 = tpu.vector_load %arg11[%swap3A_1133, %swap3A_1134] {strides = array<i32>} : memref<8x2048xi32, #tpu.memory_space<vmem>>, vector<1x16xi32>,
      %swap3A_1136 = vector.shape_cast %swap3A_1135 : vector<1x16xi32> to vector<16xi32>
      %swap3A_1137 = vector.shape_cast %select_n3A_1131 : vector<16xi32> to vector<1x16xi32>
      tpu.vector_store %arg11[%swap3A_1133, %swap3A_1134], %swap3A_1137 {strides = array<i32>} : memref<8x2048xi32, #tpu.memory_space<vmem>>, vector<1x16xi32>,
      %jit3A_1138 = arith.constant 0.000000e+00 : f32
      %broadcast_in_dim3A_1139 = vector.broadcast %jit3A_1138 : f32 to vector<16xf32>
      %select_n3A_1140 = arith.select %lt3A_1117, %get3A_1024, %broadcast_in_dim3A_1139 : vector<16xi1>, vector<16xf32>
      %add3A_1141 = arith.addf %add3A_977, %select_n3A_1140 : vector<16xf32>
      %get3A_1142 = arith.constant 3 : i32
      %get3A_1143 = arith.index_cast %get3A_1142 : i32 to index
      %get3A_1144 = arith.index_cast %mul3A_1021 : i32 to index
      %get3A_1145 = tpu.vector_load %arg9[%get3A_1143, %get3A_1144] {strides = array<i32>} : memref<8x2048xf32, #tpu.memory_space<vmem>>, vector<1x16xf32>,
      %get3A_1146 = vector.shape_cast %get3A_1145 : vector<1x16xf32> to vector<16xf32>
      %get3A_1147 = arith.constant 3 : i32
      %get3A_1148 = arith.index_cast %get3A_1147 : i32 to index
      %get3A_1149 = arith.index_cast %mul3A_1021 : i32 to index
      %get3A_1150 = tpu.vector_load %arg8[%get3A_1148, %get3A_1149] {strides = array<i32>} : memref<8x2048xi32, #tpu.memory_space<vmem>>, vector<1x16xi32>,
      %get3A_1151 = vector.shape_cast %get3A_1150 : vector<1x16xi32> to vector<16xi32>
      %mul3A_1152 = arith.mulf %get3A_1146, %get3A_1027 : vector<16xf32>
      %lt3A_1153 = arith.constant 1.000000e+00 : f32
      %lt3A_1154 = vector.broadcast %lt3A_1153 : f32 to vector<16xf32>
      %lt3A_1155 = arith.cmpf olt, %mul3A_1152, %lt3A_1154 : vector<16xf32>
      %jit3A_1156 = arith.constant 1.000000e+00 : f32
      %jit3A_1157 = arith.constant 0.000000e+00 : f32
      %broadcast_in_dim3A_1158 = vector.broadcast %jit3A_1156 : f32 to vector<16xf32>
      %broadcast_in_dim3A_1159 = vector.broadcast %jit3A_1157 : f32 to vector<16xf32>
      %select_n3A_1160 = arith.select %lt3A_1155, %broadcast_in_dim3A_1158, %broadcast_in_dim3A_1159 : vector<16xi1>, vector<16xf32>
      %swap3A_1161 = arith.constant 3 : i32
      %swap3A_1162 = arith.index_cast %swap3A_1161 : i32 to index
      %swap3A_1163 = arith.index_cast %mul3A_1021 : i32 to index
      %swap3A_1164 = tpu.vector_load %arg12[%swap3A_1162, %swap3A_1163] {strides = array<i32>} : memref<8x2048xf32, #tpu.memory_space<vmem>>, vector<1x16xf32>,
      %swap3A_1165 = vector.shape_cast %swap3A_1164 : vector<1x16xf32> to vector<16xf32>
      %swap3A_1166 = vector.shape_cast %select_n3A_1160 : vector<16xf32> to vector<1x16xf32>
      tpu.vector_store %arg12[%swap3A_1162, %swap3A_1163], %swap3A_1166 {strides = array<i32>} : memref<8x2048xf32, #tpu.memory_space<vmem>>, vector<1x16xf32>,
      %jit3A_1167 = arith.constant 100001 : i32
      %broadcast_in_dim3A_1168 = vector.broadcast %jit3A_1167 : i32 to vector<16xi32>
      %select_n3A_1169 = arith.select %lt3A_1155, %broadcast_in_dim3A_1168, %get3A_1151 : vector<16xi1>, vector<16xi32>
      %swap3A_1170 = arith.constant 3 : i32
      %swap3A_1171 = arith.index_cast %swap3A_1170 : i32 to index
      %swap3A_1172 = arith.index_cast %mul3A_1021 : i32 to index
      %swap3A_1173 = tpu.vector_load %arg11[%swap3A_1171, %swap3A_1172] {strides = array<i32>} : memref<8x2048xi32, #tpu.memory_space<vmem>>, vector<1x16xi32>,
      %swap3A_1174 = vector.shape_cast %swap3A_1173 : vector<1x16xi32> to vector<16xi32>
      %swap3A_1175 = vector.shape_cast %select_n3A_1169 : vector<16xi32> to vector<1x16xi32>
      tpu.vector_store %arg11[%swap3A_1171, %swap3A_1172], %swap3A_1175 {strides = array<i32>} : memref<8x2048xi32, #tpu.memory_space<vmem>>, vector<1x16xi32>,
      %jit3A_1176 = arith.constant 0.000000e+00 : f32
      %broadcast_in_dim3A_1177 = vector.broadcast %jit3A_1176 : f32 to vector<16xf32>
      %select_n3A_1178 = arith.select %lt3A_1155, %get3A_1024, %broadcast_in_dim3A_1177 : vector<16xi1>, vector<16xf32>
      %add3A_1179 = arith.addf %add3A_1015, %select_n3A_1178 : vector<16xf32>
      scf.yield %add3A_1065, %add3A_1103, %add3A_1141, %add3A_1179 : vector<16xf32>, vector<16xf32>, vector<16xf32>, vector<16xf32>
    }
    %scan3A_118 = arith.constant 32 : i32
    %dma_start3A_119 = arith.constant 0 : i32
    %dma_start3A_120 = arith.constant 0 : i32
    %dma_start3A_121 = tpu.memref_slice %arg11[%dma_start3A_119, %dma_start3A_120] : memref<8x2048xi32, #tpu.memory_space<vmem>> -> memref<4x2048xi32, #tpu.memory_space<vmem>>
    %dma_start3A_122 = arith.constant 0 : i32
    %dma_start3A_123 = tpu.memref_slice %arg5[%mul3A_0, %dma_start3A_122] : memref<128x2048xi32, #tpu.memory_space<hbm>> -> memref<4x2048xi32, #tpu.memory_space<hbm>>
    %dma_start3A_124 = arith.constant 0 : i32
    %dma_start3A_125 = tpu.memref_slice %arg5[%mul3A_0, %dma_start3A_124] : memref<128x2048xi32, #tpu.memory_space<hbm>> -> memref<4x2048xi32, #tpu.memory_space<hbm>>
    %dma_start3A_126 = arith.constant 0 : i32
    %dma_start3A_127 = arith.constant 0 : i32
    %dma_start3A_128 = tpu.memref_slice %arg11[%dma_start3A_126, %dma_start3A_127] : memref<8x2048xi32, #tpu.memory_space<vmem>> -> memref<4x2048xi32, #tpu.memory_space<vmem>>
    tpu.enqueue_dma source(%dma_start3A_128 : memref<4x2048xi32, #tpu.memory_space<vmem>>) target(%dma_start3A_125 : memref<4x2048xi32, #tpu.memory_space<hbm>>) target_semaphore(%arg17 : memref<!tpu.dma_semaphore, #tpu.memory_space<semaphore_mem>>)
    %dma_start3A_129 = arith.constant 0 : i32
    %dma_start3A_130 = arith.constant 0 : i32
    %dma_start3A_131 = tpu.memref_slice %arg12[%dma_start3A_129, %dma_start3A_130] : memref<8x2048xf32, #tpu.memory_space<vmem>> -> memref<4x2048xf32, #tpu.memory_space<vmem>>
    %dma_start3A_132 = arith.constant 0 : i32
    %dma_start3A_133 = tpu.memref_slice %arg7[%mul3A_0, %dma_start3A_132] : memref<128x2048xf32, #tpu.memory_space<hbm>> -> memref<4x2048xf32, #tpu.memory_space<hbm>>
    %dma_start3A_134 = arith.constant 0 : i32
    %dma_start3A_135 = tpu.memref_slice %arg7[%mul3A_0, %dma_start3A_134] : memref<128x2048xf32, #tpu.memory_space<hbm>> -> memref<4x2048xf32, #tpu.memory_space<hbm>>
    %dma_start3A_136 = arith.constant 0 : i32
    %dma_start3A_137 = arith.constant 0 : i32
    %dma_start3A_138 = tpu.memref_slice %arg12[%dma_start3A_136, %dma_start3A_137] : memref<8x2048xf32, #tpu.memory_space<vmem>> -> memref<4x2048xf32, #tpu.memory_space<vmem>>
    tpu.enqueue_dma source(%dma_start3A_138 : memref<4x2048xf32, #tpu.memory_space<vmem>>) target(%dma_start3A_135 : memref<4x2048xf32, #tpu.memory_space<hbm>>) target_semaphore(%arg17 : memref<!tpu.dma_semaphore, #tpu.memory_space<semaphore_mem>>)
    %dma_wait3A_139 = arith.constant 4 : i32
    %dma_wait3A_140 = arith.constant 0 : i32
    %dma_wait3A_141 = tpu.memref_slice %arg8[%dma_wait3A_139, %dma_wait3A_140] : memref<8x2048xi32, #tpu.memory_space<vmem>> -> memref<4x2048xi32, #tpu.memory_space<vmem>>
    %dma_wait3A_142 = arith.constant 0 : i32
    %dma_wait3A_143 = tpu.memref_slice %arg2[%add3A_20, %dma_wait3A_142] : memref<128x2048xi32, #tpu.memory_space<hbm>> -> memref<4x2048xi32, #tpu.memory_space<hbm>>
    %dma_wait3A_144 = arith.constant 4 : i32
    %dma_wait3A_145 = arith.constant 0 : i32
    %dma_wait3A_146 = tpu.memref_slice %arg8[%dma_wait3A_144, %dma_wait3A_145] : memref<8x2048xi32, #tpu.memory_space<vmem>> -> memref<4x2048xi32, #tpu.memory_space<vmem>>
    %dma_wait3A_147 = arith.constant 0 : i32
    %dma_wait3A_148 = tpu.memref_slice %arg2[%add3A_20, %dma_wait3A_147] : memref<128x2048xi32, #tpu.memory_space<hbm>> -> memref<4x2048xi32, #tpu.memory_space<hbm>>
    tpu.wait_dma2 semaphore(%arg16 : memref<!tpu.dma_semaphore, #tpu.memory_space<semaphore_mem>>) src(%dma_wait3A_148 : memref<4x2048xi32, #tpu.memory_space<hbm>>) dst(%dma_wait3A_146 : memref<4x2048xi32, #tpu.memory_space<vmem>>)
    %dma_wait3A_149 = arith.constant 4 : i32
    %dma_wait3A_150 = arith.constant 0 : i32
    %dma_wait3A_151 = tpu.memref_slice %arg9[%dma_wait3A_149, %dma_wait3A_150] : memref<8x2048xf32, #tpu.memory_space<vmem>> -> memref<4x2048xf32, #tpu.memory_space<vmem>>
    %dma_wait3A_152 = arith.constant 0 : i32
    %dma_wait3A_153 = tpu.memref_slice %arg4[%add3A_32, %dma_wait3A_152] : memref<128x2048xf32, #tpu.memory_space<hbm>> -> memref<4x2048xf32, #tpu.memory_space<hbm>>
    %dma_wait3A_154 = arith.constant 4 : i32
    %dma_wait3A_155 = arith.constant 0 : i32
    %dma_wait3A_156 = tpu.memref_slice %arg9[%dma_wait3A_154, %dma_wait3A_155] : memref<8x2048xf32, #tpu.memory_space<vmem>> -> memref<4x2048xf32, #tpu.memory_space<vmem>>
    %dma_wait3A_157 = arith.constant 0 : i32
    %dma_wait3A_158 = tpu.memref_slice %arg4[%add3A_32, %dma_wait3A_157] : memref<128x2048xf32, #tpu.memory_space<hbm>> -> memref<4x2048xf32, #tpu.memory_space<hbm>>
    tpu.wait_dma2 semaphore(%arg16 : memref<!tpu.dma_semaphore, #tpu.memory_space<semaphore_mem>>) src(%dma_wait3A_158 : memref<4x2048xf32, #tpu.memory_space<hbm>>) dst(%dma_wait3A_156 : memref<4x2048xf32, #tpu.memory_space<vmem>>)
    %scan3A_159 = arith.constant 0 : i32
    %scan3A_160 = arith.constant 32 : i32
    %scan3A_161 = arith.addi %scan3A_159, %scan3A_160 : i32
    %scan3A_162 = arith.constant 1 : i32
    %scan3A_163:4 = scf.for %scan3A_522 = %scan3A_159 to %scan3A_161 step %scan3A_162 iter_args(%scan3A_523 = %broadcast_in_dim3A_43, %scan3A_524 = %broadcast_in_dim3A_43, %scan3A_525 = %broadcast_in_dim3A_43, %scan3A_526 = %broadcast_in_dim3A_43) -> (vector<16xf32>, vector<16xf32>, vector<16xf32>, vector<16xf32>)  : i32 {
      %mul3A_527 = arith.constant 4 : i32
      %mul3A_528 = arith.muli %mul3A_527, %scan3A_522 : i32
      %add3A_529 = arith.constant 0 : i32
      %add3A_530 = arith.addi %mul3A_528, %add3A_529 : i32
      %mul3A_531 = arith.constant 16 : i32
      %mul3A_532 = arith.muli %add3A_530, %mul3A_531 : i32
      %get3A = arith.index_cast %mul3A_532 : i32 to index
      %get3A_533 = tpu.vector_load %arg10[%get3A] {strides = array<i32>} : memref<2048xf32, #tpu.memory_space<vmem>>, vector<16xf32>,
      %get3A_534 = vector.shape_cast %get3A_533 : vector<16xf32> to vector<16xf32>
      %get3A_535 = arith.index_cast %mul3A_532 : i32 to index
      %get3A_536 = tpu.vector_load %arg14[%get3A_535] {strides = array<i32>} : memref<2048xf32, #tpu.memory_space<vmem>>, vector<16xf32>,
      %get3A_537 = vector.shape_cast %get3A_536 : vector<16xf32> to vector<16xf32>
      %get3A_538 = arith.constant 4 : i32
      %get3A_539 = arith.index_cast %get3A_538 : i32 to index
      %get3A_540 = arith.index_cast %mul3A_532 : i32 to index
      %get3A_541 = tpu.vector_load %arg9[%get3A_539, %get3A_540] {strides = array<i32>} : memref<8x2048xf32, #tpu.memory_space<vmem>>, vector<1x16xf32>,
      %get3A_542 = vector.shape_cast %get3A_541 : vector<1x16xf32> to vector<16xf32>
      %get3A_543 = arith.constant 4 : i32
      %get3A_544 = arith.index_cast %get3A_543 : i32 to index
      %get3A_545 = arith.index_cast %mul3A_532 : i32 to index
      %get3A_546 = tpu.vector_load %arg8[%get3A_544, %get3A_545] {strides = array<i32>} : memref<8x2048xi32, #tpu.memory_space<vmem>>, vector<1x16xi32>,
      %get3A_547 = vector.shape_cast %get3A_546 : vector<1x16xi32> to vector<16xi32>
      %mul3A_548 = arith.mulf %get3A_542, %get3A_537 : vector<16xf32>
      %lt3A = arith.constant 1.000000e+00 : f32
      %lt3A_549 = vector.broadcast %lt3A : f32 to vector<16xf32>
      %lt3A_550 = arith.cmpf olt, %mul3A_548, %lt3A_549 : vector<16xf32>
      %jit3A = arith.constant 1.000000e+00 : f32
      %jit3A_551 = arith.constant 0.000000e+00 : f32
      %broadcast_in_dim3A_552 = vector.broadcast %jit3A : f32 to vector<16xf32>
      %broadcast_in_dim3A_553 = vector.broadcast %jit3A_551 : f32 to vector<16xf32>
      %select_n3A_554 = arith.select %lt3A_550, %broadcast_in_dim3A_552, %broadcast_in_dim3A_553 : vector<16xi1>, vector<16xf32>
      %swap3A_555 = arith.constant 4 : i32
      %swap3A_556 = arith.index_cast %swap3A_555 : i32 to index
      %swap3A_557 = arith.index_cast %mul3A_532 : i32 to index
      %swap3A_558 = tpu.vector_load %arg12[%swap3A_556, %swap3A_557] {strides = array<i32>} : memref<8x2048xf32, #tpu.memory_space<vmem>>, vector<1x16xf32>,
      %swap3A_559 = vector.shape_cast %swap3A_558 : vector<1x16xf32> to vector<16xf32>
      %swap3A_560 = vector.shape_cast %select_n3A_554 : vector<16xf32> to vector<1x16xf32>
      tpu.vector_store %arg12[%swap3A_556, %swap3A_557], %swap3A_560 {strides = array<i32>} : memref<8x2048xf32, #tpu.memory_space<vmem>>, vector<1x16xf32>,
      %jit3A_561 = arith.constant 100001 : i32
      %broadcast_in_dim3A_562 = vector.broadcast %jit3A_561 : i32 to vector<16xi32>
      %select_n3A_563 = arith.select %lt3A_550, %broadcast_in_dim3A_562, %get3A_547 : vector<16xi1>, vector<16xi32>
      %swap3A_564 = arith.constant 4 : i32
      %swap3A_565 = arith.index_cast %swap3A_564 : i32 to index
      %swap3A_566 = arith.index_cast %mul3A_532 : i32 to index
      %swap3A_567 = tpu.vector_load %arg11[%swap3A_565, %swap3A_566] {strides = array<i32>} : memref<8x2048xi32, #tpu.memory_space<vmem>>, vector<1x16xi32>,
      %swap3A_568 = vector.shape_cast %swap3A_567 : vector<1x16xi32> to vector<16xi32>
      %swap3A_569 = vector.shape_cast %select_n3A_563 : vector<16xi32> to vector<1x16xi32>
      tpu.vector_store %arg11[%swap3A_565, %swap3A_566], %swap3A_569 {strides = array<i32>} : memref<8x2048xi32, #tpu.memory_space<vmem>>, vector<1x16xi32>,
      %jit3A_570 = arith.constant 0.000000e+00 : f32
      %broadcast_in_dim3A_571 = vector.broadcast %jit3A_570 : f32 to vector<16xf32>
      %select_n3A_572 = arith.select %lt3A_550, %get3A_534, %broadcast_in_dim3A_571 : vector<16xi1>, vector<16xf32>
      %add3A_573 = arith.addf %scan3A_523, %select_n3A_572 : vector<16xf32>
      %get3A_574 = arith.constant 5 : i32
      %get3A_575 = arith.index_cast %get3A_574 : i32 to index
      %get3A_576 = arith.index_cast %mul3A_532 : i32 to index
      %get3A_577 = tpu.vector_load %arg9[%get3A_575, %get3A_576] {strides = array<i32>} : memref<8x2048xf32, #tpu.memory_space<vmem>>, vector<1x16xf32>,
      %get3A_578 = vector.shape_cast %get3A_577 : vector<1x16xf32> to vector<16xf32>
      %get3A_579 = arith.constant 5 : i32
      %get3A_580 = arith.index_cast %get3A_579 : i32 to index
      %get3A_581 = arith.index_cast %mul3A_532 : i32 to index
      %get3A_582 = tpu.vector_load %arg8[%get3A_580, %get3A_581] {strides = array<i32>} : memref<8x2048xi32, #tpu.memory_space<vmem>>, vector<1x16xi32>,
      %get3A_583 = vector.shape_cast %get3A_582 : vector<1x16xi32> to vector<16xi32>
      %mul3A_584 = arith.mulf %get3A_578, %get3A_537 : vector<16xf32>
      %lt3A_585 = arith.constant 1.000000e+00 : f32
      %lt3A_586 = vector.broadcast %lt3A_585 : f32 to vector<16xf32>
      %lt3A_587 = arith.cmpf olt, %mul3A_584, %lt3A_586 : vector<16xf32>
      %jit3A_588 = arith.constant 1.000000e+00 : f32
      %jit3A_589 = arith.constant 0.000000e+00 : f32
      %broadcast_in_dim3A_590 = vector.broadcast %jit3A_588 : f32 to vector<16xf32>
      %broadcast_in_dim3A_591 = vector.broadcast %jit3A_589 : f32 to vector<16xf32>
      %select_n3A_592 = arith.select %lt3A_587, %broadcast_in_dim3A_590, %broadcast_in_dim3A_591 : vector<16xi1>, vector<16xf32>
      %swap3A_593 = arith.constant 5 : i32
      %swap3A_594 = arith.index_cast %swap3A_593 : i32 to index
      %swap3A_595 = arith.index_cast %mul3A_532 : i32 to index
      %swap3A_596 = tpu.vector_load %arg12[%swap3A_594, %swap3A_595] {strides = array<i32>} : memref<8x2048xf32, #tpu.memory_space<vmem>>, vector<1x16xf32>,
      %swap3A_597 = vector.shape_cast %swap3A_596 : vector<1x16xf32> to vector<16xf32>
      %swap3A_598 = vector.shape_cast %select_n3A_592 : vector<16xf32> to vector<1x16xf32>
      tpu.vector_store %arg12[%swap3A_594, %swap3A_595], %swap3A_598 {strides = array<i32>} : memref<8x2048xf32, #tpu.memory_space<vmem>>, vector<1x16xf32>,
      %jit3A_599 = arith.constant 100001 : i32
      %broadcast_in_dim3A_600 = vector.broadcast %jit3A_599 : i32 to vector<16xi32>
      %select_n3A_601 = arith.select %lt3A_587, %broadcast_in_dim3A_600, %get3A_583 : vector<16xi1>, vector<16xi32>
      %swap3A_602 = arith.constant 5 : i32
      %swap3A_603 = arith.index_cast %swap3A_602 : i32 to index
      %swap3A_604 = arith.index_cast %mul3A_532 : i32 to index
      %swap3A_605 = tpu.vector_load %arg11[%swap3A_603, %swap3A_604] {strides = array<i32>} : memref<8x2048xi32, #tpu.memory_space<vmem>>, vector<1x16xi32>,
      %swap3A_606 = vector.shape_cast %swap3A_605 : vector<1x16xi32> to vector<16xi32>
      %swap3A_607 = vector.shape_cast %select_n3A_601 : vector<16xi32> to vector<1x16xi32>
      tpu.vector_store %arg11[%swap3A_603, %swap3A_604], %swap3A_607 {strides = array<i32>} : memref<8x2048xi32, #tpu.memory_space<vmem>>, vector<1x16xi32>,
      %jit3A_608 = arith.constant 0.000000e+00 : f32
      %broadcast_in_dim3A_609 = vector.broadcast %jit3A_608 : f32 to vector<16xf32>
      %select_n3A_610 = arith.select %lt3A_587, %get3A_534, %broadcast_in_dim3A_609 : vector<16xi1>, vector<16xf32>
      %add3A_611 = arith.addf %scan3A_524, %select_n3A_610 : vector<16xf32>
      %get3A_612 = arith.constant 6 : i32
      %get3A_613 = arith.index_cast %get3A_612 : i32 to index
      %get3A_614 = arith.index_cast %mul3A_532 : i32 to index
      %get3A_615 = tpu.vector_load %arg9[%get3A_613, %get3A_614] {strides = array<i32>} : memref<8x2048xf32, #tpu.memory_space<vmem>>, vector<1x16xf32>,
      %get3A_616 = vector.shape_cast %get3A_615 : vector<1x16xf32> to vector<16xf32>
      %get3A_617 = arith.constant 6 : i32
      %get3A_618 = arith.index_cast %get3A_617 : i32 to index
      %get3A_619 = arith.index_cast %mul3A_532 : i32 to index
      %get3A_620 = tpu.vector_load %arg8[%get3A_618, %get3A_619] {strides = array<i32>} : memref<8x2048xi32, #tpu.memory_space<vmem>>, vector<1x16xi32>,
      %get3A_621 = vector.shape_cast %get3A_620 : vector<1x16xi32> to vector<16xi32>
      %mul3A_622 = arith.mulf %get3A_616, %get3A_537 : vector<16xf32>
      %lt3A_623 = arith.constant 1.000000e+00 : f32
      %lt3A_624 = vector.broadcast %lt3A_623 : f32 to vector<16xf32>
      %lt3A_625 = arith.cmpf olt, %mul3A_622, %lt3A_624 : vector<16xf32>
      %jit3A_626 = arith.constant 1.000000e+00 : f32
      %jit3A_627 = arith.constant 0.000000e+00 : f32
      %broadcast_in_dim3A_628 = vector.broadcast %jit3A_626 : f32 to vector<16xf32>
      %broadcast_in_dim3A_629 = vector.broadcast %jit3A_627 : f32 to vector<16xf32>
      %select_n3A_630 = arith.select %lt3A_625, %broadcast_in_dim3A_628, %broadcast_in_dim3A_629 : vector<16xi1>, vector<16xf32>
      %swap3A_631 = arith.constant 6 : i32
      %swap3A_632 = arith.index_cast %swap3A_631 : i32 to index
      %swap3A_633 = arith.index_cast %mul3A_532 : i32 to index
      %swap3A_634 = tpu.vector_load %arg12[%swap3A_632, %swap3A_633] {strides = array<i32>} : memref<8x2048xf32, #tpu.memory_space<vmem>>, vector<1x16xf32>,
      %swap3A_635 = vector.shape_cast %swap3A_634 : vector<1x16xf32> to vector<16xf32>
      %swap3A_636 = vector.shape_cast %select_n3A_630 : vector<16xf32> to vector<1x16xf32>
      tpu.vector_store %arg12[%swap3A_632, %swap3A_633], %swap3A_636 {strides = array<i32>} : memref<8x2048xf32, #tpu.memory_space<vmem>>, vector<1x16xf32>,
      %jit3A_637 = arith.constant 100001 : i32
      %broadcast_in_dim3A_638 = vector.broadcast %jit3A_637 : i32 to vector<16xi32>
      %select_n3A_639 = arith.select %lt3A_625, %broadcast_in_dim3A_638, %get3A_621 : vector<16xi1>, vector<16xi32>
      %swap3A_640 = arith.constant 6 : i32
      %swap3A_641 = arith.index_cast %swap3A_640 : i32 to index
      %swap3A_642 = arith.index_cast %mul3A_532 : i32 to index
      %swap3A_643 = tpu.vector_load %arg11[%swap3A_641, %swap3A_642] {strides = array<i32>} : memref<8x2048xi32, #tpu.memory_space<vmem>>, vector<1x16xi32>,
      %swap3A_644 = vector.shape_cast %swap3A_643 : vector<1x16xi32> to vector<16xi32>
      %swap3A_645 = vector.shape_cast %select_n3A_639 : vector<16xi32> to vector<1x16xi32>
      tpu.vector_store %arg11[%swap3A_641, %swap3A_642], %swap3A_645 {strides = array<i32>} : memref<8x2048xi32, #tpu.memory_space<vmem>>, vector<1x16xi32>,
      %jit3A_646 = arith.constant 0.000000e+00 : f32
      %broadcast_in_dim3A_647 = vector.broadcast %jit3A_646 : f32 to vector<16xf32>
      %select_n3A_648 = arith.select %lt3A_625, %get3A_534, %broadcast_in_dim3A_647 : vector<16xi1>, vector<16xf32>
      %add3A_649 = arith.addf %scan3A_525, %select_n3A_648 : vector<16xf32>
      %get3A_650 = arith.constant 7 : i32
      %get3A_651 = arith.index_cast %get3A_650 : i32 to index
      %get3A_652 = arith.index_cast %mul3A_532 : i32 to index
      %get3A_653 = tpu.vector_load %arg9[%get3A_651, %get3A_652] {strides = array<i32>} : memref<8x2048xf32, #tpu.memory_space<vmem>>, vector<1x16xf32>,
      %get3A_654 = vector.shape_cast %get3A_653 : vector<1x16xf32> to vector<16xf32>
      %get3A_655 = arith.constant 7 : i32
      %get3A_656 = arith.index_cast %get3A_655 : i32 to index
      %get3A_657 = arith.index_cast %mul3A_532 : i32 to index
      %get3A_658 = tpu.vector_load %arg8[%get3A_656, %get3A_657] {strides = array<i32>} : memref<8x2048xi32, #tpu.memory_space<vmem>>, vector<1x16xi32>,
      %get3A_659 = vector.shape_cast %get3A_658 : vector<1x16xi32> to vector<16xi32>
      %mul3A_660 = arith.mulf %get3A_654, %get3A_537 : vector<16xf32>
      %lt3A_661 = arith.constant 1.000000e+00 : f32
      %lt3A_662 = vector.broadcast %lt3A_661 : f32 to vector<16xf32>
      %lt3A_663 = arith.cmpf olt, %mul3A_660, %lt3A_662 : vector<16xf32>
      %jit3A_664 = arith.constant 1.000000e+00 : f32
      %jit3A_665 = arith.constant 0.000000e+00 : f32
      %broadcast_in_dim3A_666 = vector.broadcast %jit3A_664 : f32 to vector<16xf32>
      %broadcast_in_dim3A_667 = vector.broadcast %jit3A_665 : f32 to vector<16xf32>
      %select_n3A_668 = arith.select %lt3A_663, %broadcast_in_dim3A_666, %broadcast_in_dim3A_667 : vector<16xi1>, vector<16xf32>
      %swap3A_669 = arith.constant 7 : i32
      %swap3A_670 = arith.index_cast %swap3A_669 : i32 to index
      %swap3A_671 = arith.index_cast %mul3A_532 : i32 to index
      %swap3A_672 = tpu.vector_load %arg12[%swap3A_670, %swap3A_671] {strides = array<i32>} : memref<8x2048xf32, #tpu.memory_space<vmem>>, vector<1x16xf32>,
      %swap3A_673 = vector.shape_cast %swap3A_672 : vector<1x16xf32> to vector<16xf32>
      %swap3A_674 = vector.shape_cast %select_n3A_668 : vector<16xf32> to vector<1x16xf32>
      tpu.vector_store %arg12[%swap3A_670, %swap3A_671], %swap3A_674 {strides = array<i32>} : memref<8x2048xf32, #tpu.memory_space<vmem>>, vector<1x16xf32>,
      %jit3A_675 = arith.constant 100001 : i32
      %broadcast_in_dim3A_676 = vector.broadcast %jit3A_675 : i32 to vector<16xi32>
      %select_n3A_677 = arith.select %lt3A_663, %broadcast_in_dim3A_676, %get3A_659 : vector<16xi1>, vector<16xi32>
      %swap3A_678 = arith.constant 7 : i32
      %swap3A_679 = arith.index_cast %swap3A_678 : i32 to index
      %swap3A_680 = arith.index_cast %mul3A_532 : i32 to index
      %swap3A_681 = tpu.vector_load %arg11[%swap3A_679, %swap3A_680] {strides = array<i32>} : memref<8x2048xi32, #tpu.memory_space<vmem>>, vector<1x16xi32>,
      %swap3A_682 = vector.shape_cast %swap3A_681 : vector<1x16xi32> to vector<16xi32>
      %swap3A_683 = vector.shape_cast %select_n3A_677 : vector<16xi32> to vector<1x16xi32>
      tpu.vector_store %arg11[%swap3A_679, %swap3A_680], %swap3A_683 {strides = array<i32>} : memref<8x2048xi32, #tpu.memory_space<vmem>>, vector<1x16xi32>,
      %jit3A_684 = arith.constant 0.000000e+00 : f32
      %broadcast_in_dim3A_685 = vector.broadcast %jit3A_684 : f32 to vector<16xf32>
      %select_n3A_686 = arith.select %lt3A_663, %get3A_534, %broadcast_in_dim3A_685 : vector<16xi1>, vector<16xf32>
      %add3A_687 = arith.addf %scan3A_526, %select_n3A_686 : vector<16xf32>
      %mul3A_688 = arith.constant 4 : i32
      %mul3A_689 = arith.muli %mul3A_688, %scan3A_522 : i32
      %add3A_690 = arith.constant 1 : i32
      %add3A_691 = arith.addi %mul3A_689, %add3A_690 : i32
      %mul3A_692 = arith.constant 16 : i32
      %mul3A_693 = arith.muli %add3A_691, %mul3A_692 : i32
      %get3A_694 = arith.index_cast %mul3A_693 : i32 to index
      %get3A_695 = tpu.vector_load %arg10[%get3A_694] {strides = array<i32>} : memref<2048xf32, #tpu.memory_space<vmem>>, vector<16xf32>,
      %get3A_696 = vector.shape_cast %get3A_695 : vector<16xf32> to vector<16xf32>
      %get3A_697 = arith.index_cast %mul3A_693 : i32 to index
      %get3A_698 = tpu.vector_load %arg14[%get3A_697] {strides = array<i32>} : memref<2048xf32, #tpu.memory_space<vmem>>, vector<16xf32>,
      %get3A_699 = vector.shape_cast %get3A_698 : vector<16xf32> to vector<16xf32>
      %get3A_700 = arith.constant 4 : i32
      %get3A_701 = arith.index_cast %get3A_700 : i32 to index
      %get3A_702 = arith.index_cast %mul3A_693 : i32 to index
      %get3A_703 = tpu.vector_load %arg9[%get3A_701, %get3A_702] {strides = array<i32>} : memref<8x2048xf32, #tpu.memory_space<vmem>>, vector<1x16xf32>,
      %get3A_704 = vector.shape_cast %get3A_703 : vector<1x16xf32> to vector<16xf32>
      %get3A_705 = arith.constant 4 : i32
      %get3A_706 = arith.index_cast %get3A_705 : i32 to index
      %get3A_707 = arith.index_cast %mul3A_693 : i32 to index
      %get3A_708 = tpu.vector_load %arg8[%get3A_706, %get3A_707] {strides = array<i32>} : memref<8x2048xi32, #tpu.memory_space<vmem>>, vector<1x16xi32>,
      %get3A_709 = vector.shape_cast %get3A_708 : vector<1x16xi32> to vector<16xi32>
      %mul3A_710 = arith.mulf %get3A_704, %get3A_699 : vector<16xf32>
      %lt3A_711 = arith.constant 1.000000e+00 : f32
      %lt3A_712 = vector.broadcast %lt3A_711 : f32 to vector<16xf32>
      %lt3A_713 = arith.cmpf olt, %mul3A_710, %lt3A_712 : vector<16xf32>
      %jit3A_714 = arith.constant 1.000000e+00 : f32
      %jit3A_715 = arith.constant 0.000000e+00 : f32
      %broadcast_in_dim3A_716 = vector.broadcast %jit3A_714 : f32 to vector<16xf32>
      %broadcast_in_dim3A_717 = vector.broadcast %jit3A_715 : f32 to vector<16xf32>
      %select_n3A_718 = arith.select %lt3A_713, %broadcast_in_dim3A_716, %broadcast_in_dim3A_717 : vector<16xi1>, vector<16xf32>
      %swap3A_719 = arith.constant 4 : i32
      %swap3A_720 = arith.index_cast %swap3A_719 : i32 to index
      %swap3A_721 = arith.index_cast %mul3A_693 : i32 to index
      %swap3A_722 = tpu.vector_load %arg12[%swap3A_720, %swap3A_721] {strides = array<i32>} : memref<8x2048xf32, #tpu.memory_space<vmem>>, vector<1x16xf32>,
      %swap3A_723 = vector.shape_cast %swap3A_722 : vector<1x16xf32> to vector<16xf32>
      %swap3A_724 = vector.shape_cast %select_n3A_718 : vector<16xf32> to vector<1x16xf32>
      tpu.vector_store %arg12[%swap3A_720, %swap3A_721], %swap3A_724 {strides = array<i32>} : memref<8x2048xf32, #tpu.memory_space<vmem>>, vector<1x16xf32>,
      %jit3A_725 = arith.constant 100001 : i32
      %broadcast_in_dim3A_726 = vector.broadcast %jit3A_725 : i32 to vector<16xi32>
      %select_n3A_727 = arith.select %lt3A_713, %broadcast_in_dim3A_726, %get3A_709 : vector<16xi1>, vector<16xi32>
      %swap3A_728 = arith.constant 4 : i32
      %swap3A_729 = arith.index_cast %swap3A_728 : i32 to index
      %swap3A_730 = arith.index_cast %mul3A_693 : i32 to index
      %swap3A_731 = tpu.vector_load %arg11[%swap3A_729, %swap3A_730] {strides = array<i32>} : memref<8x2048xi32, #tpu.memory_space<vmem>>, vector<1x16xi32>,
      %swap3A_732 = vector.shape_cast %swap3A_731 : vector<1x16xi32> to vector<16xi32>
      %swap3A_733 = vector.shape_cast %select_n3A_727 : vector<16xi32> to vector<1x16xi32>
      tpu.vector_store %arg11[%swap3A_729, %swap3A_730], %swap3A_733 {strides = array<i32>} : memref<8x2048xi32, #tpu.memory_space<vmem>>, vector<1x16xi32>,
      %jit3A_734 = arith.constant 0.000000e+00 : f32
      %broadcast_in_dim3A_735 = vector.broadcast %jit3A_734 : f32 to vector<16xf32>
      %select_n3A_736 = arith.select %lt3A_713, %get3A_696, %broadcast_in_dim3A_735 : vector<16xi1>, vector<16xf32>
      %add3A_737 = arith.addf %add3A_573, %select_n3A_736 : vector<16xf32>
      %get3A_738 = arith.constant 5 : i32
      %get3A_739 = arith.index_cast %get3A_738 : i32 to index
      %get3A_740 = arith.index_cast %mul3A_693 : i32 to index
      %get3A_741 = tpu.vector_load %arg9[%get3A_739, %get3A_740] {strides = array<i32>} : memref<8x2048xf32, #tpu.memory_space<vmem>>, vector<1x16xf32>,
      %get3A_742 = vector.shape_cast %get3A_741 : vector<1x16xf32> to vector<16xf32>
      %get3A_743 = arith.constant 5 : i32
      %get3A_744 = arith.index_cast %get3A_743 : i32 to index
      %get3A_745 = arith.index_cast %mul3A_693 : i32 to index
      %get3A_746 = tpu.vector_load %arg8[%get3A_744, %get3A_745] {strides = array<i32>} : memref<8x2048xi32, #tpu.memory_space<vmem>>, vector<1x16xi32>,
      %get3A_747 = vector.shape_cast %get3A_746 : vector<1x16xi32> to vector<16xi32>
      %mul3A_748 = arith.mulf %get3A_742, %get3A_699 : vector<16xf32>
      %lt3A_749 = arith.constant 1.000000e+00 : f32
      %lt3A_750 = vector.broadcast %lt3A_749 : f32 to vector<16xf32>
      %lt3A_751 = arith.cmpf olt, %mul3A_748, %lt3A_750 : vector<16xf32>
      %jit3A_752 = arith.constant 1.000000e+00 : f32
      %jit3A_753 = arith.constant 0.000000e+00 : f32
      %broadcast_in_dim3A_754 = vector.broadcast %jit3A_752 : f32 to vector<16xf32>
      %broadcast_in_dim3A_755 = vector.broadcast %jit3A_753 : f32 to vector<16xf32>
      %select_n3A_756 = arith.select %lt3A_751, %broadcast_in_dim3A_754, %broadcast_in_dim3A_755 : vector<16xi1>, vector<16xf32>
      %swap3A_757 = arith.constant 5 : i32
      %swap3A_758 = arith.index_cast %swap3A_757 : i32 to index
      %swap3A_759 = arith.index_cast %mul3A_693 : i32 to index
      %swap3A_760 = tpu.vector_load %arg12[%swap3A_758, %swap3A_759] {strides = array<i32>} : memref<8x2048xf32, #tpu.memory_space<vmem>>, vector<1x16xf32>,
      %swap3A_761 = vector.shape_cast %swap3A_760 : vector<1x16xf32> to vector<16xf32>
      %swap3A_762 = vector.shape_cast %select_n3A_756 : vector<16xf32> to vector<1x16xf32>
      tpu.vector_store %arg12[%swap3A_758, %swap3A_759], %swap3A_762 {strides = array<i32>} : memref<8x2048xf32, #tpu.memory_space<vmem>>, vector<1x16xf32>,
      %jit3A_763 = arith.constant 100001 : i32
      %broadcast_in_dim3A_764 = vector.broadcast %jit3A_763 : i32 to vector<16xi32>
      %select_n3A_765 = arith.select %lt3A_751, %broadcast_in_dim3A_764, %get3A_747 : vector<16xi1>, vector<16xi32>
      %swap3A_766 = arith.constant 5 : i32
      %swap3A_767 = arith.index_cast %swap3A_766 : i32 to index
      %swap3A_768 = arith.index_cast %mul3A_693 : i32 to index
      %swap3A_769 = tpu.vector_load %arg11[%swap3A_767, %swap3A_768] {strides = array<i32>} : memref<8x2048xi32, #tpu.memory_space<vmem>>, vector<1x16xi32>,
      %swap3A_770 = vector.shape_cast %swap3A_769 : vector<1x16xi32> to vector<16xi32>
      %swap3A_771 = vector.shape_cast %select_n3A_765 : vector<16xi32> to vector<1x16xi32>
      tpu.vector_store %arg11[%swap3A_767, %swap3A_768], %swap3A_771 {strides = array<i32>} : memref<8x2048xi32, #tpu.memory_space<vmem>>, vector<1x16xi32>,
      %jit3A_772 = arith.constant 0.000000e+00 : f32
      %broadcast_in_dim3A_773 = vector.broadcast %jit3A_772 : f32 to vector<16xf32>
      %select_n3A_774 = arith.select %lt3A_751, %get3A_696, %broadcast_in_dim3A_773 : vector<16xi1>, vector<16xf32>
      %add3A_775 = arith.addf %add3A_611, %select_n3A_774 : vector<16xf32>
      %get3A_776 = arith.constant 6 : i32
      %get3A_777 = arith.index_cast %get3A_776 : i32 to index
      %get3A_778 = arith.index_cast %mul3A_693 : i32 to index
      %get3A_779 = tpu.vector_load %arg9[%get3A_777, %get3A_778] {strides = array<i32>} : memref<8x2048xf32, #tpu.memory_space<vmem>>, vector<1x16xf32>,
      %get3A_780 = vector.shape_cast %get3A_779 : vector<1x16xf32> to vector<16xf32>
      %get3A_781 = arith.constant 6 : i32
      %get3A_782 = arith.index_cast %get3A_781 : i32 to index
      %get3A_783 = arith.index_cast %mul3A_693 : i32 to index
      %get3A_784 = tpu.vector_load %arg8[%get3A_782, %get3A_783] {strides = array<i32>} : memref<8x2048xi32, #tpu.memory_space<vmem>>, vector<1x16xi32>,
      %get3A_785 = vector.shape_cast %get3A_784 : vector<1x16xi32> to vector<16xi32>
      %mul3A_786 = arith.mulf %get3A_780, %get3A_699 : vector<16xf32>
      %lt3A_787 = arith.constant 1.000000e+00 : f32
      %lt3A_788 = vector.broadcast %lt3A_787 : f32 to vector<16xf32>
      %lt3A_789 = arith.cmpf olt, %mul3A_786, %lt3A_788 : vector<16xf32>
      %jit3A_790 = arith.constant 1.000000e+00 : f32
      %jit3A_791 = arith.constant 0.000000e+00 : f32
      %broadcast_in_dim3A_792 = vector.broadcast %jit3A_790 : f32 to vector<16xf32>
      %broadcast_in_dim3A_793 = vector.broadcast %jit3A_791 : f32 to vector<16xf32>
      %select_n3A_794 = arith.select %lt3A_789, %broadcast_in_dim3A_792, %broadcast_in_dim3A_793 : vector<16xi1>, vector<16xf32>
      %swap3A_795 = arith.constant 6 : i32
      %swap3A_796 = arith.index_cast %swap3A_795 : i32 to index
      %swap3A_797 = arith.index_cast %mul3A_693 : i32 to index
      %swap3A_798 = tpu.vector_load %arg12[%swap3A_796, %swap3A_797] {strides = array<i32>} : memref<8x2048xf32, #tpu.memory_space<vmem>>, vector<1x16xf32>,
      %swap3A_799 = vector.shape_cast %swap3A_798 : vector<1x16xf32> to vector<16xf32>
      %swap3A_800 = vector.shape_cast %select_n3A_794 : vector<16xf32> to vector<1x16xf32>
      tpu.vector_store %arg12[%swap3A_796, %swap3A_797], %swap3A_800 {strides = array<i32>} : memref<8x2048xf32, #tpu.memory_space<vmem>>, vector<1x16xf32>,
      %jit3A_801 = arith.constant 100001 : i32
      %broadcast_in_dim3A_802 = vector.broadcast %jit3A_801 : i32 to vector<16xi32>
      %select_n3A_803 = arith.select %lt3A_789, %broadcast_in_dim3A_802, %get3A_785 : vector<16xi1>, vector<16xi32>
      %swap3A_804 = arith.constant 6 : i32
      %swap3A_805 = arith.index_cast %swap3A_804 : i32 to index
      %swap3A_806 = arith.index_cast %mul3A_693 : i32 to index
      %swap3A_807 = tpu.vector_load %arg11[%swap3A_805, %swap3A_806] {strides = array<i32>} : memref<8x2048xi32, #tpu.memory_space<vmem>>, vector<1x16xi32>,
      %swap3A_808 = vector.shape_cast %swap3A_807 : vector<1x16xi32> to vector<16xi32>
      %swap3A_809 = vector.shape_cast %select_n3A_803 : vector<16xi32> to vector<1x16xi32>
      tpu.vector_store %arg11[%swap3A_805, %swap3A_806], %swap3A_809 {strides = array<i32>} : memref<8x2048xi32, #tpu.memory_space<vmem>>, vector<1x16xi32>,
      %jit3A_810 = arith.constant 0.000000e+00 : f32
      %broadcast_in_dim3A_811 = vector.broadcast %jit3A_810 : f32 to vector<16xf32>
      %select_n3A_812 = arith.select %lt3A_789, %get3A_696, %broadcast_in_dim3A_811 : vector<16xi1>, vector<16xf32>
      %add3A_813 = arith.addf %add3A_649, %select_n3A_812 : vector<16xf32>
      %get3A_814 = arith.constant 7 : i32
      %get3A_815 = arith.index_cast %get3A_814 : i32 to index
      %get3A_816 = arith.index_cast %mul3A_693 : i32 to index
      %get3A_817 = tpu.vector_load %arg9[%get3A_815, %get3A_816] {strides = array<i32>} : memref<8x2048xf32, #tpu.memory_space<vmem>>, vector<1x16xf32>,
      %get3A_818 = vector.shape_cast %get3A_817 : vector<1x16xf32> to vector<16xf32>
      %get3A_819 = arith.constant 7 : i32
      %get3A_820 = arith.index_cast %get3A_819 : i32 to index
      %get3A_821 = arith.index_cast %mul3A_693 : i32 to index
      %get3A_822 = tpu.vector_load %arg8[%get3A_820, %get3A_821] {strides = array<i32>} : memref<8x2048xi32, #tpu.memory_space<vmem>>, vector<1x16xi32>,
      %get3A_823 = vector.shape_cast %get3A_822 : vector<1x16xi32> to vector<16xi32>
      %mul3A_824 = arith.mulf %get3A_818, %get3A_699 : vector<16xf32>
      %lt3A_825 = arith.constant 1.000000e+00 : f32
      %lt3A_826 = vector.broadcast %lt3A_825 : f32 to vector<16xf32>
      %lt3A_827 = arith.cmpf olt, %mul3A_824, %lt3A_826 : vector<16xf32>
      %jit3A_828 = arith.constant 1.000000e+00 : f32
      %jit3A_829 = arith.constant 0.000000e+00 : f32
      %broadcast_in_dim3A_830 = vector.broadcast %jit3A_828 : f32 to vector<16xf32>
      %broadcast_in_dim3A_831 = vector.broadcast %jit3A_829 : f32 to vector<16xf32>
      %select_n3A_832 = arith.select %lt3A_827, %broadcast_in_dim3A_830, %broadcast_in_dim3A_831 : vector<16xi1>, vector<16xf32>
      %swap3A_833 = arith.constant 7 : i32
      %swap3A_834 = arith.index_cast %swap3A_833 : i32 to index
      %swap3A_835 = arith.index_cast %mul3A_693 : i32 to index
      %swap3A_836 = tpu.vector_load %arg12[%swap3A_834, %swap3A_835] {strides = array<i32>} : memref<8x2048xf32, #tpu.memory_space<vmem>>, vector<1x16xf32>,
      %swap3A_837 = vector.shape_cast %swap3A_836 : vector<1x16xf32> to vector<16xf32>
      %swap3A_838 = vector.shape_cast %select_n3A_832 : vector<16xf32> to vector<1x16xf32>
      tpu.vector_store %arg12[%swap3A_834, %swap3A_835], %swap3A_838 {strides = array<i32>} : memref<8x2048xf32, #tpu.memory_space<vmem>>, vector<1x16xf32>,
      %jit3A_839 = arith.constant 100001 : i32
      %broadcast_in_dim3A_840 = vector.broadcast %jit3A_839 : i32 to vector<16xi32>
      %select_n3A_841 = arith.select %lt3A_827, %broadcast_in_dim3A_840, %get3A_823 : vector<16xi1>, vector<16xi32>
      %swap3A_842 = arith.constant 7 : i32
      %swap3A_843 = arith.index_cast %swap3A_842 : i32 to index
      %swap3A_844 = arith.index_cast %mul3A_693 : i32 to index
      %swap3A_845 = tpu.vector_load %arg11[%swap3A_843, %swap3A_844] {strides = array<i32>} : memref<8x2048xi32, #tpu.memory_space<vmem>>, vector<1x16xi32>,
      %swap3A_846 = vector.shape_cast %swap3A_845 : vector<1x16xi32> to vector<16xi32>
      %swap3A_847 = vector.shape_cast %select_n3A_841 : vector<16xi32> to vector<1x16xi32>
      tpu.vector_store %arg11[%swap3A_843, %swap3A_844], %swap3A_847 {strides = array<i32>} : memref<8x2048xi32, #tpu.memory_space<vmem>>, vector<1x16xi32>,
      %jit3A_848 = arith.constant 0.000000e+00 : f32
      %broadcast_in_dim3A_849 = vector.broadcast %jit3A_848 : f32 to vector<16xf32>
      %select_n3A_850 = arith.select %lt3A_827, %get3A_696, %broadcast_in_dim3A_849 : vector<16xi1>, vector<16xf32>
      %add3A_851 = arith.addf %add3A_687, %select_n3A_850 : vector<16xf32>
      %mul3A_852 = arith.constant 4 : i32
      %mul3A_853 = arith.muli %mul3A_852, %scan3A_522 : i32
      %add3A_854 = arith.constant 2 : i32
      %add3A_855 = arith.addi %mul3A_853, %add3A_854 : i32
      %mul3A_856 = arith.constant 16 : i32
      %mul3A_857 = arith.muli %add3A_855, %mul3A_856 : i32
      %get3A_858 = arith.index_cast %mul3A_857 : i32 to index
      %get3A_859 = tpu.vector_load %arg10[%get3A_858] {strides = array<i32>} : memref<2048xf32, #tpu.memory_space<vmem>>, vector<16xf32>,
      %get3A_860 = vector.shape_cast %get3A_859 : vector<16xf32> to vector<16xf32>
      %get3A_861 = arith.index_cast %mul3A_857 : i32 to index
      %get3A_862 = tpu.vector_load %arg14[%get3A_861] {strides = array<i32>} : memref<2048xf32, #tpu.memory_space<vmem>>, vector<16xf32>,
      %get3A_863 = vector.shape_cast %get3A_862 : vector<16xf32> to vector<16xf32>
      %get3A_864 = arith.constant 4 : i32
      %get3A_865 = arith.index_cast %get3A_864 : i32 to index
      %get3A_866 = arith.index_cast %mul3A_857 : i32 to index
      %get3A_867 = tpu.vector_load %arg9[%get3A_865, %get3A_866] {strides = array<i32>} : memref<8x2048xf32, #tpu.memory_space<vmem>>, vector<1x16xf32>,
      %get3A_868 = vector.shape_cast %get3A_867 : vector<1x16xf32> to vector<16xf32>
      %get3A_869 = arith.constant 4 : i32
      %get3A_870 = arith.index_cast %get3A_869 : i32 to index
      %get3A_871 = arith.index_cast %mul3A_857 : i32 to index
      %get3A_872 = tpu.vector_load %arg8[%get3A_870, %get3A_871] {strides = array<i32>} : memref<8x2048xi32, #tpu.memory_space<vmem>>, vector<1x16xi32>,
      %get3A_873 = vector.shape_cast %get3A_872 : vector<1x16xi32> to vector<16xi32>
      %mul3A_874 = arith.mulf %get3A_868, %get3A_863 : vector<16xf32>
      %lt3A_875 = arith.constant 1.000000e+00 : f32
      %lt3A_876 = vector.broadcast %lt3A_875 : f32 to vector<16xf32>
      %lt3A_877 = arith.cmpf olt, %mul3A_874, %lt3A_876 : vector<16xf32>
      %jit3A_878 = arith.constant 1.000000e+00 : f32
      %jit3A_879 = arith.constant 0.000000e+00 : f32
      %broadcast_in_dim3A_880 = vector.broadcast %jit3A_878 : f32 to vector<16xf32>
      %broadcast_in_dim3A_881 = vector.broadcast %jit3A_879 : f32 to vector<16xf32>
      %select_n3A_882 = arith.select %lt3A_877, %broadcast_in_dim3A_880, %broadcast_in_dim3A_881 : vector<16xi1>, vector<16xf32>
      %swap3A_883 = arith.constant 4 : i32
      %swap3A_884 = arith.index_cast %swap3A_883 : i32 to index
      %swap3A_885 = arith.index_cast %mul3A_857 : i32 to index
      %swap3A_886 = tpu.vector_load %arg12[%swap3A_884, %swap3A_885] {strides = array<i32>} : memref<8x2048xf32, #tpu.memory_space<vmem>>, vector<1x16xf32>,
      %swap3A_887 = vector.shape_cast %swap3A_886 : vector<1x16xf32> to vector<16xf32>
      %swap3A_888 = vector.shape_cast %select_n3A_882 : vector<16xf32> to vector<1x16xf32>
      tpu.vector_store %arg12[%swap3A_884, %swap3A_885], %swap3A_888 {strides = array<i32>} : memref<8x2048xf32, #tpu.memory_space<vmem>>, vector<1x16xf32>,
      %jit3A_889 = arith.constant 100001 : i32
      %broadcast_in_dim3A_890 = vector.broadcast %jit3A_889 : i32 to vector<16xi32>
      %select_n3A_891 = arith.select %lt3A_877, %broadcast_in_dim3A_890, %get3A_873 : vector<16xi1>, vector<16xi32>
      %swap3A_892 = arith.constant 4 : i32
      %swap3A_893 = arith.index_cast %swap3A_892 : i32 to index
      %swap3A_894 = arith.index_cast %mul3A_857 : i32 to index
      %swap3A_895 = tpu.vector_load %arg11[%swap3A_893, %swap3A_894] {strides = array<i32>} : memref<8x2048xi32, #tpu.memory_space<vmem>>, vector<1x16xi32>,
      %swap3A_896 = vector.shape_cast %swap3A_895 : vector<1x16xi32> to vector<16xi32>
      %swap3A_897 = vector.shape_cast %select_n3A_891 : vector<16xi32> to vector<1x16xi32>
      tpu.vector_store %arg11[%swap3A_893, %swap3A_894], %swap3A_897 {strides = array<i32>} : memref<8x2048xi32, #tpu.memory_space<vmem>>, vector<1x16xi32>,
      %jit3A_898 = arith.constant 0.000000e+00 : f32
      %broadcast_in_dim3A_899 = vector.broadcast %jit3A_898 : f32 to vector<16xf32>
      %select_n3A_900 = arith.select %lt3A_877, %get3A_860, %broadcast_in_dim3A_899 : vector<16xi1>, vector<16xf32>
      %add3A_901 = arith.addf %add3A_737, %select_n3A_900 : vector<16xf32>
      %get3A_902 = arith.constant 5 : i32
      %get3A_903 = arith.index_cast %get3A_902 : i32 to index
      %get3A_904 = arith.index_cast %mul3A_857 : i32 to index
      %get3A_905 = tpu.vector_load %arg9[%get3A_903, %get3A_904] {strides = array<i32>} : memref<8x2048xf32, #tpu.memory_space<vmem>>, vector<1x16xf32>,
      %get3A_906 = vector.shape_cast %get3A_905 : vector<1x16xf32> to vector<16xf32>
      %get3A_907 = arith.constant 5 : i32
      %get3A_908 = arith.index_cast %get3A_907 : i32 to index
      %get3A_909 = arith.index_cast %mul3A_857 : i32 to index
      %get3A_910 = tpu.vector_load %arg8[%get3A_908, %get3A_909] {strides = array<i32>} : memref<8x2048xi32, #tpu.memory_space<vmem>>, vector<1x16xi32>,
      %get3A_911 = vector.shape_cast %get3A_910 : vector<1x16xi32> to vector<16xi32>
      %mul3A_912 = arith.mulf %get3A_906, %get3A_863 : vector<16xf32>
      %lt3A_913 = arith.constant 1.000000e+00 : f32
      %lt3A_914 = vector.broadcast %lt3A_913 : f32 to vector<16xf32>
      %lt3A_915 = arith.cmpf olt, %mul3A_912, %lt3A_914 : vector<16xf32>
      %jit3A_916 = arith.constant 1.000000e+00 : f32
      %jit3A_917 = arith.constant 0.000000e+00 : f32
      %broadcast_in_dim3A_918 = vector.broadcast %jit3A_916 : f32 to vector<16xf32>
      %broadcast_in_dim3A_919 = vector.broadcast %jit3A_917 : f32 to vector<16xf32>
      %select_n3A_920 = arith.select %lt3A_915, %broadcast_in_dim3A_918, %broadcast_in_dim3A_919 : vector<16xi1>, vector<16xf32>
      %swap3A_921 = arith.constant 5 : i32
      %swap3A_922 = arith.index_cast %swap3A_921 : i32 to index
      %swap3A_923 = arith.index_cast %mul3A_857 : i32 to index
      %swap3A_924 = tpu.vector_load %arg12[%swap3A_922, %swap3A_923] {strides = array<i32>} : memref<8x2048xf32, #tpu.memory_space<vmem>>, vector<1x16xf32>,
      %swap3A_925 = vector.shape_cast %swap3A_924 : vector<1x16xf32> to vector<16xf32>
      %swap3A_926 = vector.shape_cast %select_n3A_920 : vector<16xf32> to vector<1x16xf32>
      tpu.vector_store %arg12[%swap3A_922, %swap3A_923], %swap3A_926 {strides = array<i32>} : memref<8x2048xf32, #tpu.memory_space<vmem>>, vector<1x16xf32>,
      %jit3A_927 = arith.constant 100001 : i32
      %broadcast_in_dim3A_928 = vector.broadcast %jit3A_927 : i32 to vector<16xi32>
      %select_n3A_929 = arith.select %lt3A_915, %broadcast_in_dim3A_928, %get3A_911 : vector<16xi1>, vector<16xi32>
      %swap3A_930 = arith.constant 5 : i32
      %swap3A_931 = arith.index_cast %swap3A_930 : i32 to index
      %swap3A_932 = arith.index_cast %mul3A_857 : i32 to index
      %swap3A_933 = tpu.vector_load %arg11[%swap3A_931, %swap3A_932] {strides = array<i32>} : memref<8x2048xi32, #tpu.memory_space<vmem>>, vector<1x16xi32>,
      %swap3A_934 = vector.shape_cast %swap3A_933 : vector<1x16xi32> to vector<16xi32>
      %swap3A_935 = vector.shape_cast %select_n3A_929 : vector<16xi32> to vector<1x16xi32>
      tpu.vector_store %arg11[%swap3A_931, %swap3A_932], %swap3A_935 {strides = array<i32>} : memref<8x2048xi32, #tpu.memory_space<vmem>>, vector<1x16xi32>,
      %jit3A_936 = arith.constant 0.000000e+00 : f32
      %broadcast_in_dim3A_937 = vector.broadcast %jit3A_936 : f32 to vector<16xf32>
      %select_n3A_938 = arith.select %lt3A_915, %get3A_860, %broadcast_in_dim3A_937 : vector<16xi1>, vector<16xf32>
      %add3A_939 = arith.addf %add3A_775, %select_n3A_938 : vector<16xf32>
      %get3A_940 = arith.constant 6 : i32
      %get3A_941 = arith.index_cast %get3A_940 : i32 to index
      %get3A_942 = arith.index_cast %mul3A_857 : i32 to index
      %get3A_943 = tpu.vector_load %arg9[%get3A_941, %get3A_942] {strides = array<i32>} : memref<8x2048xf32, #tpu.memory_space<vmem>>, vector<1x16xf32>,
      %get3A_944 = vector.shape_cast %get3A_943 : vector<1x16xf32> to vector<16xf32>
      %get3A_945 = arith.constant 6 : i32
      %get3A_946 = arith.index_cast %get3A_945 : i32 to index
      %get3A_947 = arith.index_cast %mul3A_857 : i32 to index
      %get3A_948 = tpu.vector_load %arg8[%get3A_946, %get3A_947] {strides = array<i32>} : memref<8x2048xi32, #tpu.memory_space<vmem>>, vector<1x16xi32>,
      %get3A_949 = vector.shape_cast %get3A_948 : vector<1x16xi32> to vector<16xi32>
      %mul3A_950 = arith.mulf %get3A_944, %get3A_863 : vector<16xf32>
      %lt3A_951 = arith.constant 1.000000e+00 : f32
      %lt3A_952 = vector.broadcast %lt3A_951 : f32 to vector<16xf32>
      %lt3A_953 = arith.cmpf olt, %mul3A_950, %lt3A_952 : vector<16xf32>
      %jit3A_954 = arith.constant 1.000000e+00 : f32
      %jit3A_955 = arith.constant 0.000000e+00 : f32
      %broadcast_in_dim3A_956 = vector.broadcast %jit3A_954 : f32 to vector<16xf32>
      %broadcast_in_dim3A_957 = vector.broadcast %jit3A_955 : f32 to vector<16xf32>
      %select_n3A_958 = arith.select %lt3A_953, %broadcast_in_dim3A_956, %broadcast_in_dim3A_957 : vector<16xi1>, vector<16xf32>
      %swap3A_959 = arith.constant 6 : i32
      %swap3A_960 = arith.index_cast %swap3A_959 : i32 to index
      %swap3A_961 = arith.index_cast %mul3A_857 : i32 to index
      %swap3A_962 = tpu.vector_load %arg12[%swap3A_960, %swap3A_961] {strides = array<i32>} : memref<8x2048xf32, #tpu.memory_space<vmem>>, vector<1x16xf32>,
      %swap3A_963 = vector.shape_cast %swap3A_962 : vector<1x16xf32> to vector<16xf32>
      %swap3A_964 = vector.shape_cast %select_n3A_958 : vector<16xf32> to vector<1x16xf32>
      tpu.vector_store %arg12[%swap3A_960, %swap3A_961], %swap3A_964 {strides = array<i32>} : memref<8x2048xf32, #tpu.memory_space<vmem>>, vector<1x16xf32>,
      %jit3A_965 = arith.constant 100001 : i32
      %broadcast_in_dim3A_966 = vector.broadcast %jit3A_965 : i32 to vector<16xi32>
      %select_n3A_967 = arith.select %lt3A_953, %broadcast_in_dim3A_966, %get3A_949 : vector<16xi1>, vector<16xi32>
      %swap3A_968 = arith.constant 6 : i32
      %swap3A_969 = arith.index_cast %swap3A_968 : i32 to index
      %swap3A_970 = arith.index_cast %mul3A_857 : i32 to index
      %swap3A_971 = tpu.vector_load %arg11[%swap3A_969, %swap3A_970] {strides = array<i32>} : memref<8x2048xi32, #tpu.memory_space<vmem>>, vector<1x16xi32>,
      %swap3A_972 = vector.shape_cast %swap3A_971 : vector<1x16xi32> to vector<16xi32>
      %swap3A_973 = vector.shape_cast %select_n3A_967 : vector<16xi32> to vector<1x16xi32>
      tpu.vector_store %arg11[%swap3A_969, %swap3A_970], %swap3A_973 {strides = array<i32>} : memref<8x2048xi32, #tpu.memory_space<vmem>>, vector<1x16xi32>,
      %jit3A_974 = arith.constant 0.000000e+00 : f32
      %broadcast_in_dim3A_975 = vector.broadcast %jit3A_974 : f32 to vector<16xf32>
      %select_n3A_976 = arith.select %lt3A_953, %get3A_860, %broadcast_in_dim3A_975 : vector<16xi1>, vector<16xf32>
      %add3A_977 = arith.addf %add3A_813, %select_n3A_976 : vector<16xf32>
      %get3A_978 = arith.constant 7 : i32
      %get3A_979 = arith.index_cast %get3A_978 : i32 to index
      %get3A_980 = arith.index_cast %mul3A_857 : i32 to index
      %get3A_981 = tpu.vector_load %arg9[%get3A_979, %get3A_980] {strides = array<i32>} : memref<8x2048xf32, #tpu.memory_space<vmem>>, vector<1x16xf32>,
      %get3A_982 = vector.shape_cast %get3A_981 : vector<1x16xf32> to vector<16xf32>
      %get3A_983 = arith.constant 7 : i32
      %get3A_984 = arith.index_cast %get3A_983 : i32 to index
      %get3A_985 = arith.index_cast %mul3A_857 : i32 to index
      %get3A_986 = tpu.vector_load %arg8[%get3A_984, %get3A_985] {strides = array<i32>} : memref<8x2048xi32, #tpu.memory_space<vmem>>, vector<1x16xi32>,
      %get3A_987 = vector.shape_cast %get3A_986 : vector<1x16xi32> to vector<16xi32>
      %mul3A_988 = arith.mulf %get3A_982, %get3A_863 : vector<16xf32>
      %lt3A_989 = arith.constant 1.000000e+00 : f32
      %lt3A_990 = vector.broadcast %lt3A_989 : f32 to vector<16xf32>
      %lt3A_991 = arith.cmpf olt, %mul3A_988, %lt3A_990 : vector<16xf32>
      %jit3A_992 = arith.constant 1.000000e+00 : f32
      %jit3A_993 = arith.constant 0.000000e+00 : f32
      %broadcast_in_dim3A_994 = vector.broadcast %jit3A_992 : f32 to vector<16xf32>
      %broadcast_in_dim3A_995 = vector.broadcast %jit3A_993 : f32 to vector<16xf32>
      %select_n3A_996 = arith.select %lt3A_991, %broadcast_in_dim3A_994, %broadcast_in_dim3A_995 : vector<16xi1>, vector<16xf32>
      %swap3A_997 = arith.constant 7 : i32
      %swap3A_998 = arith.index_cast %swap3A_997 : i32 to index
      %swap3A_999 = arith.index_cast %mul3A_857 : i32 to index
      %swap3A_1000 = tpu.vector_load %arg12[%swap3A_998, %swap3A_999] {strides = array<i32>} : memref<8x2048xf32, #tpu.memory_space<vmem>>, vector<1x16xf32>,
      %swap3A_1001 = vector.shape_cast %swap3A_1000 : vector<1x16xf32> to vector<16xf32>
      %swap3A_1002 = vector.shape_cast %select_n3A_996 : vector<16xf32> to vector<1x16xf32>
      tpu.vector_store %arg12[%swap3A_998, %swap3A_999], %swap3A_1002 {strides = array<i32>} : memref<8x2048xf32, #tpu.memory_space<vmem>>, vector<1x16xf32>,
      %jit3A_1003 = arith.constant 100001 : i32
      %broadcast_in_dim3A_1004 = vector.broadcast %jit3A_1003 : i32 to vector<16xi32>
      %select_n3A_1005 = arith.select %lt3A_991, %broadcast_in_dim3A_1004, %get3A_987 : vector<16xi1>, vector<16xi32>
      %swap3A_1006 = arith.constant 7 : i32
      %swap3A_1007 = arith.index_cast %swap3A_1006 : i32 to index
      %swap3A_1008 = arith.index_cast %mul3A_857 : i32 to index
      %swap3A_1009 = tpu.vector_load %arg11[%swap3A_1007, %swap3A_1008] {strides = array<i32>} : memref<8x2048xi32, #tpu.memory_space<vmem>>, vector<1x16xi32>,
      %swap3A_1010 = vector.shape_cast %swap3A_1009 : vector<1x16xi32> to vector<16xi32>
      %swap3A_1011 = vector.shape_cast %select_n3A_1005 : vector<16xi32> to vector<1x16xi32>
      tpu.vector_store %arg11[%swap3A_1007, %swap3A_1008], %swap3A_1011 {strides = array<i32>} : memref<8x2048xi32, #tpu.memory_space<vmem>>, vector<1x16xi32>,
      %jit3A_1012 = arith.constant 0.000000e+00 : f32
      %broadcast_in_dim3A_1013 = vector.broadcast %jit3A_1012 : f32 to vector<16xf32>
      %select_n3A_1014 = arith.select %lt3A_991, %get3A_860, %broadcast_in_dim3A_1013 : vector<16xi1>, vector<16xf32>
      %add3A_1015 = arith.addf %add3A_851, %select_n3A_1014 : vector<16xf32>
      %mul3A_1016 = arith.constant 4 : i32
      %mul3A_1017 = arith.muli %mul3A_1016, %scan3A_522 : i32
      %add3A_1018 = arith.constant 3 : i32
      %add3A_1019 = arith.addi %mul3A_1017, %add3A_1018 : i32
      %mul3A_1020 = arith.constant 16 : i32
      %mul3A_1021 = arith.muli %add3A_1019, %mul3A_1020 : i32
      %get3A_1022 = arith.index_cast %mul3A_1021 : i32 to index
      %get3A_1023 = tpu.vector_load %arg10[%get3A_1022] {strides = array<i32>} : memref<2048xf32, #tpu.memory_space<vmem>>, vector<16xf32>,
      %get3A_1024 = vector.shape_cast %get3A_1023 : vector<16xf32> to vector<16xf32>
      %get3A_1025 = arith.index_cast %mul3A_1021 : i32 to index
      %get3A_1026 = tpu.vector_load %arg14[%get3A_1025] {strides = array<i32>} : memref<2048xf32, #tpu.memory_space<vmem>>, vector<16xf32>,
      %get3A_1027 = vector.shape_cast %get3A_1026 : vector<16xf32> to vector<16xf32>
      %get3A_1028 = arith.constant 4 : i32
      %get3A_1029 = arith.index_cast %get3A_1028 : i32 to index
      %get3A_1030 = arith.index_cast %mul3A_1021 : i32 to index
      %get3A_1031 = tpu.vector_load %arg9[%get3A_1029, %get3A_1030] {strides = array<i32>} : memref<8x2048xf32, #tpu.memory_space<vmem>>, vector<1x16xf32>,
      %get3A_1032 = vector.shape_cast %get3A_1031 : vector<1x16xf32> to vector<16xf32>
      %get3A_1033 = arith.constant 4 : i32
      %get3A_1034 = arith.index_cast %get3A_1033 : i32 to index
      %get3A_1035 = arith.index_cast %mul3A_1021 : i32 to index
      %get3A_1036 = tpu.vector_load %arg8[%get3A_1034, %get3A_1035] {strides = array<i32>} : memref<8x2048xi32, #tpu.memory_space<vmem>>, vector<1x16xi32>,
      %get3A_1037 = vector.shape_cast %get3A_1036 : vector<1x16xi32> to vector<16xi32>
      %mul3A_1038 = arith.mulf %get3A_1032, %get3A_1027 : vector<16xf32>
      %lt3A_1039 = arith.constant 1.000000e+00 : f32
      %lt3A_1040 = vector.broadcast %lt3A_1039 : f32 to vector<16xf32>
      %lt3A_1041 = arith.cmpf olt, %mul3A_1038, %lt3A_1040 : vector<16xf32>
      %jit3A_1042 = arith.constant 1.000000e+00 : f32
      %jit3A_1043 = arith.constant 0.000000e+00 : f32
      %broadcast_in_dim3A_1044 = vector.broadcast %jit3A_1042 : f32 to vector<16xf32>
      %broadcast_in_dim3A_1045 = vector.broadcast %jit3A_1043 : f32 to vector<16xf32>
      %select_n3A_1046 = arith.select %lt3A_1041, %broadcast_in_dim3A_1044, %broadcast_in_dim3A_1045 : vector<16xi1>, vector<16xf32>
      %swap3A_1047 = arith.constant 4 : i32
      %swap3A_1048 = arith.index_cast %swap3A_1047 : i32 to index
      %swap3A_1049 = arith.index_cast %mul3A_1021 : i32 to index
      %swap3A_1050 = tpu.vector_load %arg12[%swap3A_1048, %swap3A_1049] {strides = array<i32>} : memref<8x2048xf32, #tpu.memory_space<vmem>>, vector<1x16xf32>,
      %swap3A_1051 = vector.shape_cast %swap3A_1050 : vector<1x16xf32> to vector<16xf32>
      %swap3A_1052 = vector.shape_cast %select_n3A_1046 : vector<16xf32> to vector<1x16xf32>
      tpu.vector_store %arg12[%swap3A_1048, %swap3A_1049], %swap3A_1052 {strides = array<i32>} : memref<8x2048xf32, #tpu.memory_space<vmem>>, vector<1x16xf32>,
      %jit3A_1053 = arith.constant 100001 : i32
      %broadcast_in_dim3A_1054 = vector.broadcast %jit3A_1053 : i32 to vector<16xi32>
      %select_n3A_1055 = arith.select %lt3A_1041, %broadcast_in_dim3A_1054, %get3A_1037 : vector<16xi1>, vector<16xi32>
      %swap3A_1056 = arith.constant 4 : i32
      %swap3A_1057 = arith.index_cast %swap3A_1056 : i32 to index
      %swap3A_1058 = arith.index_cast %mul3A_1021 : i32 to index
      %swap3A_1059 = tpu.vector_load %arg11[%swap3A_1057, %swap3A_1058] {strides = array<i32>} : memref<8x2048xi32, #tpu.memory_space<vmem>>, vector<1x16xi32>,
      %swap3A_1060 = vector.shape_cast %swap3A_1059 : vector<1x16xi32> to vector<16xi32>
      %swap3A_1061 = vector.shape_cast %select_n3A_1055 : vector<16xi32> to vector<1x16xi32>
      tpu.vector_store %arg11[%swap3A_1057, %swap3A_1058], %swap3A_1061 {strides = array<i32>} : memref<8x2048xi32, #tpu.memory_space<vmem>>, vector<1x16xi32>,
      %jit3A_1062 = arith.constant 0.000000e+00 : f32
      %broadcast_in_dim3A_1063 = vector.broadcast %jit3A_1062 : f32 to vector<16xf32>
      %select_n3A_1064 = arith.select %lt3A_1041, %get3A_1024, %broadcast_in_dim3A_1063 : vector<16xi1>, vector<16xf32>
      %add3A_1065 = arith.addf %add3A_901, %select_n3A_1064 : vector<16xf32>
      %get3A_1066 = arith.constant 5 : i32
      %get3A_1067 = arith.index_cast %get3A_1066 : i32 to index
      %get3A_1068 = arith.index_cast %mul3A_1021 : i32 to index
      %get3A_1069 = tpu.vector_load %arg9[%get3A_1067, %get3A_1068] {strides = array<i32>} : memref<8x2048xf32, #tpu.memory_space<vmem>>, vector<1x16xf32>,
      %get3A_1070 = vector.shape_cast %get3A_1069 : vector<1x16xf32> to vector<16xf32>
      %get3A_1071 = arith.constant 5 : i32
      %get3A_1072 = arith.index_cast %get3A_1071 : i32 to index
      %get3A_1073 = arith.index_cast %mul3A_1021 : i32 to index
      %get3A_1074 = tpu.vector_load %arg8[%get3A_1072, %get3A_1073] {strides = array<i32>} : memref<8x2048xi32, #tpu.memory_space<vmem>>, vector<1x16xi32>,
      %get3A_1075 = vector.shape_cast %get3A_1074 : vector<1x16xi32> to vector<16xi32>
      %mul3A_1076 = arith.mulf %get3A_1070, %get3A_1027 : vector<16xf32>
      %lt3A_1077 = arith.constant 1.000000e+00 : f32
      %lt3A_1078 = vector.broadcast %lt3A_1077 : f32 to vector<16xf32>
      %lt3A_1079 = arith.cmpf olt, %mul3A_1076, %lt3A_1078 : vector<16xf32>
      %jit3A_1080 = arith.constant 1.000000e+00 : f32
      %jit3A_1081 = arith.constant 0.000000e+00 : f32
      %broadcast_in_dim3A_1082 = vector.broadcast %jit3A_1080 : f32 to vector<16xf32>
      %broadcast_in_dim3A_1083 = vector.broadcast %jit3A_1081 : f32 to vector<16xf32>
      %select_n3A_1084 = arith.select %lt3A_1079, %broadcast_in_dim3A_1082, %broadcast_in_dim3A_1083 : vector<16xi1>, vector<16xf32>
      %swap3A_1085 = arith.constant 5 : i32
      %swap3A_1086 = arith.index_cast %swap3A_1085 : i32 to index
      %swap3A_1087 = arith.index_cast %mul3A_1021 : i32 to index
      %swap3A_1088 = tpu.vector_load %arg12[%swap3A_1086, %swap3A_1087] {strides = array<i32>} : memref<8x2048xf32, #tpu.memory_space<vmem>>, vector<1x16xf32>,
      %swap3A_1089 = vector.shape_cast %swap3A_1088 : vector<1x16xf32> to vector<16xf32>
      %swap3A_1090 = vector.shape_cast %select_n3A_1084 : vector<16xf32> to vector<1x16xf32>
      tpu.vector_store %arg12[%swap3A_1086, %swap3A_1087], %swap3A_1090 {strides = array<i32>} : memref<8x2048xf32, #tpu.memory_space<vmem>>, vector<1x16xf32>,
      %jit3A_1091 = arith.constant 100001 : i32
      %broadcast_in_dim3A_1092 = vector.broadcast %jit3A_1091 : i32 to vector<16xi32>
      %select_n3A_1093 = arith.select %lt3A_1079, %broadcast_in_dim3A_1092, %get3A_1075 : vector<16xi1>, vector<16xi32>
      %swap3A_1094 = arith.constant 5 : i32
      %swap3A_1095 = arith.index_cast %swap3A_1094 : i32 to index
      %swap3A_1096 = arith.index_cast %mul3A_1021 : i32 to index
      %swap3A_1097 = tpu.vector_load %arg11[%swap3A_1095, %swap3A_1096] {strides = array<i32>} : memref<8x2048xi32, #tpu.memory_space<vmem>>, vector<1x16xi32>,
      %swap3A_1098 = vector.shape_cast %swap3A_1097 : vector<1x16xi32> to vector<16xi32>
      %swap3A_1099 = vector.shape_cast %select_n3A_1093 : vector<16xi32> to vector<1x16xi32>
      tpu.vector_store %arg11[%swap3A_1095, %swap3A_1096], %swap3A_1099 {strides = array<i32>} : memref<8x2048xi32, #tpu.memory_space<vmem>>, vector<1x16xi32>,
      %jit3A_1100 = arith.constant 0.000000e+00 : f32
      %broadcast_in_dim3A_1101 = vector.broadcast %jit3A_1100 : f32 to vector<16xf32>
      %select_n3A_1102 = arith.select %lt3A_1079, %get3A_1024, %broadcast_in_dim3A_1101 : vector<16xi1>, vector<16xf32>
      %add3A_1103 = arith.addf %add3A_939, %select_n3A_1102 : vector<16xf32>
      %get3A_1104 = arith.constant 6 : i32
      %get3A_1105 = arith.index_cast %get3A_1104 : i32 to index
      %get3A_1106 = arith.index_cast %mul3A_1021 : i32 to index
      %get3A_1107 = tpu.vector_load %arg9[%get3A_1105, %get3A_1106] {strides = array<i32>} : memref<8x2048xf32, #tpu.memory_space<vmem>>, vector<1x16xf32>,
      %get3A_1108 = vector.shape_cast %get3A_1107 : vector<1x16xf32> to vector<16xf32>
      %get3A_1109 = arith.constant 6 : i32
      %get3A_1110 = arith.index_cast %get3A_1109 : i32 to index
      %get3A_1111 = arith.index_cast %mul3A_1021 : i32 to index
      %get3A_1112 = tpu.vector_load %arg8[%get3A_1110, %get3A_1111] {strides = array<i32>} : memref<8x2048xi32, #tpu.memory_space<vmem>>, vector<1x16xi32>,
      %get3A_1113 = vector.shape_cast %get3A_1112 : vector<1x16xi32> to vector<16xi32>
      %mul3A_1114 = arith.mulf %get3A_1108, %get3A_1027 : vector<16xf32>
      %lt3A_1115 = arith.constant 1.000000e+00 : f32
      %lt3A_1116 = vector.broadcast %lt3A_1115 : f32 to vector<16xf32>
      %lt3A_1117 = arith.cmpf olt, %mul3A_1114, %lt3A_1116 : vector<16xf32>
      %jit3A_1118 = arith.constant 1.000000e+00 : f32
      %jit3A_1119 = arith.constant 0.000000e+00 : f32
      %broadcast_in_dim3A_1120 = vector.broadcast %jit3A_1118 : f32 to vector<16xf32>
      %broadcast_in_dim3A_1121 = vector.broadcast %jit3A_1119 : f32 to vector<16xf32>
      %select_n3A_1122 = arith.select %lt3A_1117, %broadcast_in_dim3A_1120, %broadcast_in_dim3A_1121 : vector<16xi1>, vector<16xf32>
      %swap3A_1123 = arith.constant 6 : i32
      %swap3A_1124 = arith.index_cast %swap3A_1123 : i32 to index
      %swap3A_1125 = arith.index_cast %mul3A_1021 : i32 to index
      %swap3A_1126 = tpu.vector_load %arg12[%swap3A_1124, %swap3A_1125] {strides = array<i32>} : memref<8x2048xf32, #tpu.memory_space<vmem>>, vector<1x16xf32>,
      %swap3A_1127 = vector.shape_cast %swap3A_1126 : vector<1x16xf32> to vector<16xf32>
      %swap3A_1128 = vector.shape_cast %select_n3A_1122 : vector<16xf32> to vector<1x16xf32>
      tpu.vector_store %arg12[%swap3A_1124, %swap3A_1125], %swap3A_1128 {strides = array<i32>} : memref<8x2048xf32, #tpu.memory_space<vmem>>, vector<1x16xf32>,
      %jit3A_1129 = arith.constant 100001 : i32
      %broadcast_in_dim3A_1130 = vector.broadcast %jit3A_1129 : i32 to vector<16xi32>
      %select_n3A_1131 = arith.select %lt3A_1117, %broadcast_in_dim3A_1130, %get3A_1113 : vector<16xi1>, vector<16xi32>
      %swap3A_1132 = arith.constant 6 : i32
      %swap3A_1133 = arith.index_cast %swap3A_1132 : i32 to index
      %swap3A_1134 = arith.index_cast %mul3A_1021 : i32 to index
      %swap3A_1135 = tpu.vector_load %arg11[%swap3A_1133, %swap3A_1134] {strides = array<i32>} : memref<8x2048xi32, #tpu.memory_space<vmem>>, vector<1x16xi32>,
      %swap3A_1136 = vector.shape_cast %swap3A_1135 : vector<1x16xi32> to vector<16xi32>
      %swap3A_1137 = vector.shape_cast %select_n3A_1131 : vector<16xi32> to vector<1x16xi32>
      tpu.vector_store %arg11[%swap3A_1133, %swap3A_1134], %swap3A_1137 {strides = array<i32>} : memref<8x2048xi32, #tpu.memory_space<vmem>>, vector<1x16xi32>,
      %jit3A_1138 = arith.constant 0.000000e+00 : f32
      %broadcast_in_dim3A_1139 = vector.broadcast %jit3A_1138 : f32 to vector<16xf32>
      %select_n3A_1140 = arith.select %lt3A_1117, %get3A_1024, %broadcast_in_dim3A_1139 : vector<16xi1>, vector<16xf32>
      %add3A_1141 = arith.addf %add3A_977, %select_n3A_1140 : vector<16xf32>
      %get3A_1142 = arith.constant 7 : i32
      %get3A_1143 = arith.index_cast %get3A_1142 : i32 to index
      %get3A_1144 = arith.index_cast %mul3A_1021 : i32 to index
      %get3A_1145 = tpu.vector_load %arg9[%get3A_1143, %get3A_1144] {strides = array<i32>} : memref<8x2048xf32, #tpu.memory_space<vmem>>, vector<1x16xf32>,
      %get3A_1146 = vector.shape_cast %get3A_1145 : vector<1x16xf32> to vector<16xf32>
      %get3A_1147 = arith.constant 7 : i32
      %get3A_1148 = arith.index_cast %get3A_1147 : i32 to index
      %get3A_1149 = arith.index_cast %mul3A_1021 : i32 to index
      %get3A_1150 = tpu.vector_load %arg8[%get3A_1148, %get3A_1149] {strides = array<i32>} : memref<8x2048xi32, #tpu.memory_space<vmem>>, vector<1x16xi32>,
      %get3A_1151 = vector.shape_cast %get3A_1150 : vector<1x16xi32> to vector<16xi32>
      %mul3A_1152 = arith.mulf %get3A_1146, %get3A_1027 : vector<16xf32>
      %lt3A_1153 = arith.constant 1.000000e+00 : f32
      %lt3A_1154 = vector.broadcast %lt3A_1153 : f32 to vector<16xf32>
      %lt3A_1155 = arith.cmpf olt, %mul3A_1152, %lt3A_1154 : vector<16xf32>
      %jit3A_1156 = arith.constant 1.000000e+00 : f32
      %jit3A_1157 = arith.constant 0.000000e+00 : f32
      %broadcast_in_dim3A_1158 = vector.broadcast %jit3A_1156 : f32 to vector<16xf32>
      %broadcast_in_dim3A_1159 = vector.broadcast %jit3A_1157 : f32 to vector<16xf32>
      %select_n3A_1160 = arith.select %lt3A_1155, %broadcast_in_dim3A_1158, %broadcast_in_dim3A_1159 : vector<16xi1>, vector<16xf32>
      %swap3A_1161 = arith.constant 7 : i32
      %swap3A_1162 = arith.index_cast %swap3A_1161 : i32 to index
      %swap3A_1163 = arith.index_cast %mul3A_1021 : i32 to index
      %swap3A_1164 = tpu.vector_load %arg12[%swap3A_1162, %swap3A_1163] {strides = array<i32>} : memref<8x2048xf32, #tpu.memory_space<vmem>>, vector<1x16xf32>,
      %swap3A_1165 = vector.shape_cast %swap3A_1164 : vector<1x16xf32> to vector<16xf32>
      %swap3A_1166 = vector.shape_cast %select_n3A_1160 : vector<16xf32> to vector<1x16xf32>
      tpu.vector_store %arg12[%swap3A_1162, %swap3A_1163], %swap3A_1166 {strides = array<i32>} : memref<8x2048xf32, #tpu.memory_space<vmem>>, vector<1x16xf32>,
      %jit3A_1167 = arith.constant 100001 : i32
      %broadcast_in_dim3A_1168 = vector.broadcast %jit3A_1167 : i32 to vector<16xi32>
      %select_n3A_1169 = arith.select %lt3A_1155, %broadcast_in_dim3A_1168, %get3A_1151 : vector<16xi1>, vector<16xi32>
      %swap3A_1170 = arith.constant 7 : i32
      %swap3A_1171 = arith.index_cast %swap3A_1170 : i32 to index
      %swap3A_1172 = arith.index_cast %mul3A_1021 : i32 to index
      %swap3A_1173 = tpu.vector_load %arg11[%swap3A_1171, %swap3A_1172] {strides = array<i32>} : memref<8x2048xi32, #tpu.memory_space<vmem>>, vector<1x16xi32>,
      %swap3A_1174 = vector.shape_cast %swap3A_1173 : vector<1x16xi32> to vector<16xi32>
      %swap3A_1175 = vector.shape_cast %select_n3A_1169 : vector<16xi32> to vector<1x16xi32>
      tpu.vector_store %arg11[%swap3A_1171, %swap3A_1172], %swap3A_1175 {strides = array<i32>} : memref<8x2048xi32, #tpu.memory_space<vmem>>, vector<1x16xi32>,
      %jit3A_1176 = arith.constant 0.000000e+00 : f32
      %broadcast_in_dim3A_1177 = vector.broadcast %jit3A_1176 : f32 to vector<16xf32>
      %select_n3A_1178 = arith.select %lt3A_1155, %get3A_1024, %broadcast_in_dim3A_1177 : vector<16xi1>, vector<16xf32>
      %add3A_1179 = arith.addf %add3A_1015, %select_n3A_1178 : vector<16xf32>
      scf.yield %add3A_1065, %add3A_1103, %add3A_1141, %add3A_1179 : vector<16xf32>, vector<16xf32>, vector<16xf32>, vector<16xf32>
    }
    %scan3A_164 = arith.constant 32 : i32
    %add3A_165 = arith.constant 4 : i32
    %add3A_166 = arith.addi %mul3A_0, %add3A_165 : i32
    %dma_start3A_167 = arith.constant 4 : i32
    %dma_start3A_168 = arith.constant 0 : i32
    %dma_start3A_169 = tpu.memref_slice %arg11[%dma_start3A_167, %dma_start3A_168] : memref<8x2048xi32, #tpu.memory_space<vmem>> -> memref<4x2048xi32, #tpu.memory_space<vmem>>
    %dma_start3A_170 = arith.constant 0 : i32
    %dma_start3A_171 = tpu.memref_slice %arg5[%add3A_166, %dma_start3A_170] : memref<128x2048xi32, #tpu.memory_space<hbm>> -> memref<4x2048xi32, #tpu.memory_space<hbm>>
    %dma_start3A_172 = arith.constant 0 : i32
    %dma_start3A_173 = tpu.memref_slice %arg5[%add3A_166, %dma_start3A_172] : memref<128x2048xi32, #tpu.memory_space<hbm>> -> memref<4x2048xi32, #tpu.memory_space<hbm>>
    %dma_start3A_174 = arith.constant 4 : i32
    %dma_start3A_175 = arith.constant 0 : i32
    %dma_start3A_176 = tpu.memref_slice %arg11[%dma_start3A_174, %dma_start3A_175] : memref<8x2048xi32, #tpu.memory_space<vmem>> -> memref<4x2048xi32, #tpu.memory_space<vmem>>
    tpu.enqueue_dma source(%dma_start3A_176 : memref<4x2048xi32, #tpu.memory_space<vmem>>) target(%dma_start3A_173 : memref<4x2048xi32, #tpu.memory_space<hbm>>) target_semaphore(%arg17 : memref<!tpu.dma_semaphore, #tpu.memory_space<semaphore_mem>>)
    %add3A_177 = arith.constant 4 : i32
    %add3A_178 = arith.addi %mul3A_0, %add3A_177 : i32
    %dma_start3A_179 = arith.constant 4 : i32
    %dma_start3A_180 = arith.constant 0 : i32
    %dma_start3A_181 = tpu.memref_slice %arg12[%dma_start3A_179, %dma_start3A_180] : memref<8x2048xf32, #tpu.memory_space<vmem>> -> memref<4x2048xf32, #tpu.memory_space<vmem>>
    %dma_start3A_182 = arith.constant 0 : i32
    %dma_start3A_183 = tpu.memref_slice %arg7[%add3A_178, %dma_start3A_182] : memref<128x2048xf32, #tpu.memory_space<hbm>> -> memref<4x2048xf32, #tpu.memory_space<hbm>>
    %dma_start3A_184 = arith.constant 0 : i32
    %dma_start3A_185 = tpu.memref_slice %arg7[%add3A_178, %dma_start3A_184] : memref<128x2048xf32, #tpu.memory_space<hbm>> -> memref<4x2048xf32, #tpu.memory_space<hbm>>
    %dma_start3A_186 = arith.constant 4 : i32
    %dma_start3A_187 = arith.constant 0 : i32
    %dma_start3A_188 = tpu.memref_slice %arg12[%dma_start3A_186, %dma_start3A_187] : memref<8x2048xf32, #tpu.memory_space<vmem>> -> memref<4x2048xf32, #tpu.memory_space<vmem>>
    tpu.enqueue_dma source(%dma_start3A_188 : memref<4x2048xf32, #tpu.memory_space<vmem>>) target(%dma_start3A_185 : memref<4x2048xf32, #tpu.memory_space<hbm>>) target_semaphore(%arg17 : memref<!tpu.dma_semaphore, #tpu.memory_space<semaphore_mem>>)
    %iota3A = tpu.iota {dimensions = array<i32: 0>} : vector<16xi32>
    %broadcast_in_dim3A_189 = arith.constant 0.000000e+00 : f32
    %broadcast_in_dim3A_190 = vector.broadcast %broadcast_in_dim3A_189 : f32 to vector<16xf32>
    %rev3A = arith.constant 15 : i32
    %rev3A_191 = vector.broadcast %rev3A : i32 to vector<16xi32>
    %rev3A_192 = tpu.iota {dimensions = array<i32: 0>} : vector<16xi32>
    %rev3A_193 = arith.subi %rev3A_191, %rev3A_192 : vector<16xi32>
    %rev3A_194 = tpu.dynamic_gather %scan3A_117#0[%rev3A_193] in [0] : vector<16xf32>, vector<16xi32> -> vector<16xf32>
    %add3A_195 = arith.addf %scan3A_117#0, %rev3A_194 : vector<16xf32>
    %slice3A_196 = vector.extract_strided_slice %add3A_195 {offsets = [0], sizes = [1], strides = [1]} : vector<16xf32> to vector<1xf32>
    %squeeze3A_197 = vector.extract %slice3A_196[0] : f32 from vector<1xf32>
    %slice3A_198 = vector.extract_strided_slice %add3A_195 {offsets = [1], sizes = [1], strides = [1]} : vector<16xf32> to vector<1xf32>
    %squeeze3A_199 = vector.extract %slice3A_198[0] : f32 from vector<1xf32>
    %add3A_200 = arith.addf %squeeze3A_197, %squeeze3A_199 : f32
    %slice3A_201 = vector.extract_strided_slice %add3A_195 {offsets = [2], sizes = [1], strides = [1]} : vector<16xf32> to vector<1xf32>
    %squeeze3A_202 = vector.extract %slice3A_201[0] : f32 from vector<1xf32>
    %add3A_203 = arith.addf %add3A_200, %squeeze3A_202 : f32
    %slice3A_204 = vector.extract_strided_slice %add3A_195 {offsets = [3], sizes = [1], strides = [1]} : vector<16xf32> to vector<1xf32>
    %squeeze3A_205 = vector.extract %slice3A_204[0] : f32 from vector<1xf32>
    %add3A_206 = arith.addf %add3A_203, %squeeze3A_205 : f32
    %slice3A_207 = vector.extract_strided_slice %add3A_195 {offsets = [4], sizes = [1], strides = [1]} : vector<16xf32> to vector<1xf32>
    %squeeze3A_208 = vector.extract %slice3A_207[0] : f32 from vector<1xf32>
    %add3A_209 = arith.addf %add3A_206, %squeeze3A_208 : f32
    %slice3A_210 = vector.extract_strided_slice %add3A_195 {offsets = [5], sizes = [1], strides = [1]} : vector<16xf32> to vector<1xf32>
    %squeeze3A_211 = vector.extract %slice3A_210[0] : f32 from vector<1xf32>
    %add3A_212 = arith.addf %add3A_209, %squeeze3A_211 : f32
    %slice3A_213 = vector.extract_strided_slice %add3A_195 {offsets = [6], sizes = [1], strides = [1]} : vector<16xf32> to vector<1xf32>
    %squeeze3A_214 = vector.extract %slice3A_213[0] : f32 from vector<1xf32>
    %add3A_215 = arith.addf %add3A_212, %squeeze3A_214 : f32
    %slice3A_216 = vector.extract_strided_slice %add3A_195 {offsets = [7], sizes = [1], strides = [1]} : vector<16xf32> to vector<1xf32>
    %squeeze3A_217 = vector.extract %slice3A_216[0] : f32 from vector<1xf32>
    %add3A_218 = arith.addf %add3A_215, %squeeze3A_217 : f32
    %eq3A = arith.constant 0 : i32
    %eq3A_219 = vector.broadcast %eq3A : i32 to vector<16xi32>
    %eq3A_220 = arith.cmpi eq, %iota3A, %eq3A_219 : vector<16xi32>
    %sub3A = arith.subf %add3A_218, %add3A_93 : f32
    %broadcast_in_dim3A_221 = vector.broadcast %sub3A : f32 to vector<16xf32>
    %select_n3A = arith.select %eq3A_220, %broadcast_in_dim3A_221, %broadcast_in_dim3A_190 : vector<16xi1>, vector<16xf32>
    %rev3A_222 = arith.constant 15 : i32
    %rev3A_223 = vector.broadcast %rev3A_222 : i32 to vector<16xi32>
    %rev3A_224 = tpu.iota {dimensions = array<i32: 0>} : vector<16xi32>
    %rev3A_225 = arith.subi %rev3A_223, %rev3A_224 : vector<16xi32>
    %rev3A_226 = tpu.dynamic_gather %scan3A_117#1[%rev3A_225] in [0] : vector<16xf32>, vector<16xi32> -> vector<16xf32>
    %add3A_227 = arith.addf %scan3A_117#1, %rev3A_226 : vector<16xf32>
    %slice3A_228 = vector.extract_strided_slice %add3A_227 {offsets = [0], sizes = [1], strides = [1]} : vector<16xf32> to vector<1xf32>
    %squeeze3A_229 = vector.extract %slice3A_228[0] : f32 from vector<1xf32>
    %slice3A_230 = vector.extract_strided_slice %add3A_227 {offsets = [1], sizes = [1], strides = [1]} : vector<16xf32> to vector<1xf32>
    %squeeze3A_231 = vector.extract %slice3A_230[0] : f32 from vector<1xf32>
    %add3A_232 = arith.addf %squeeze3A_229, %squeeze3A_231 : f32
    %slice3A_233 = vector.extract_strided_slice %add3A_227 {offsets = [2], sizes = [1], strides = [1]} : vector<16xf32> to vector<1xf32>
    %squeeze3A_234 = vector.extract %slice3A_233[0] : f32 from vector<1xf32>
    %add3A_235 = arith.addf %add3A_232, %squeeze3A_234 : f32
    %slice3A_236 = vector.extract_strided_slice %add3A_227 {offsets = [3], sizes = [1], strides = [1]} : vector<16xf32> to vector<1xf32>
    %squeeze3A_237 = vector.extract %slice3A_236[0] : f32 from vector<1xf32>
    %add3A_238 = arith.addf %add3A_235, %squeeze3A_237 : f32
    %slice3A_239 = vector.extract_strided_slice %add3A_227 {offsets = [4], sizes = [1], strides = [1]} : vector<16xf32> to vector<1xf32>
    %squeeze3A_240 = vector.extract %slice3A_239[0] : f32 from vector<1xf32>
    %add3A_241 = arith.addf %add3A_238, %squeeze3A_240 : f32
    %slice3A_242 = vector.extract_strided_slice %add3A_227 {offsets = [5], sizes = [1], strides = [1]} : vector<16xf32> to vector<1xf32>
    %squeeze3A_243 = vector.extract %slice3A_242[0] : f32 from vector<1xf32>
    %add3A_244 = arith.addf %add3A_241, %squeeze3A_243 : f32
    %slice3A_245 = vector.extract_strided_slice %add3A_227 {offsets = [6], sizes = [1], strides = [1]} : vector<16xf32> to vector<1xf32>
    %squeeze3A_246 = vector.extract %slice3A_245[0] : f32 from vector<1xf32>
    %add3A_247 = arith.addf %add3A_244, %squeeze3A_246 : f32
    %slice3A_248 = vector.extract_strided_slice %add3A_227 {offsets = [7], sizes = [1], strides = [1]} : vector<16xf32> to vector<1xf32>
    %squeeze3A_249 = vector.extract %slice3A_248[0] : f32 from vector<1xf32>
    %add3A_250 = arith.addf %add3A_247, %squeeze3A_249 : f32
    %eq3A_251 = arith.constant 1 : i32
    %eq3A_252 = vector.broadcast %eq3A_251 : i32 to vector<16xi32>
    %eq3A_253 = arith.cmpi eq, %iota3A, %eq3A_252 : vector<16xi32>
    %sub3A_254 = arith.subf %add3A_250, %add3A_93 : f32
    %broadcast_in_dim3A_255 = vector.broadcast %sub3A_254 : f32 to vector<16xf32>
    %select_n3A_256 = arith.select %eq3A_253, %broadcast_in_dim3A_255, %select_n3A : vector<16xi1>, vector<16xf32>
    %rev3A_257 = arith.constant 15 : i32
    %rev3A_258 = vector.broadcast %rev3A_257 : i32 to vector<16xi32>
    %rev3A_259 = tpu.iota {dimensions = array<i32: 0>} : vector<16xi32>
    %rev3A_260 = arith.subi %rev3A_258, %rev3A_259 : vector<16xi32>
    %rev3A_261 = tpu.dynamic_gather %scan3A_117#2[%rev3A_260] in [0] : vector<16xf32>, vector<16xi32> -> vector<16xf32>
    %add3A_262 = arith.addf %scan3A_117#2, %rev3A_261 : vector<16xf32>
    %slice3A_263 = vector.extract_strided_slice %add3A_262 {offsets = [0], sizes = [1], strides = [1]} : vector<16xf32> to vector<1xf32>
    %squeeze3A_264 = vector.extract %slice3A_263[0] : f32 from vector<1xf32>
    %slice3A_265 = vector.extract_strided_slice %add3A_262 {offsets = [1], sizes = [1], strides = [1]} : vector<16xf32> to vector<1xf32>
    %squeeze3A_266 = vector.extract %slice3A_265[0] : f32 from vector<1xf32>
    %add3A_267 = arith.addf %squeeze3A_264, %squeeze3A_266 : f32
    %slice3A_268 = vector.extract_strided_slice %add3A_262 {offsets = [2], sizes = [1], strides = [1]} : vector<16xf32> to vector<1xf32>
    %squeeze3A_269 = vector.extract %slice3A_268[0] : f32 from vector<1xf32>
    %add3A_270 = arith.addf %add3A_267, %squeeze3A_269 : f32
    %slice3A_271 = vector.extract_strided_slice %add3A_262 {offsets = [3], sizes = [1], strides = [1]} : vector<16xf32> to vector<1xf32>
    %squeeze3A_272 = vector.extract %slice3A_271[0] : f32 from vector<1xf32>
    %add3A_273 = arith.addf %add3A_270, %squeeze3A_272 : f32
    %slice3A_274 = vector.extract_strided_slice %add3A_262 {offsets = [4], sizes = [1], strides = [1]} : vector<16xf32> to vector<1xf32>
    %squeeze3A_275 = vector.extract %slice3A_274[0] : f32 from vector<1xf32>
    %add3A_276 = arith.addf %add3A_273, %squeeze3A_275 : f32
    %slice3A_277 = vector.extract_strided_slice %add3A_262 {offsets = [5], sizes = [1], strides = [1]} : vector<16xf32> to vector<1xf32>
    %squeeze3A_278 = vector.extract %slice3A_277[0] : f32 from vector<1xf32>
    %add3A_279 = arith.addf %add3A_276, %squeeze3A_278 : f32
    %slice3A_280 = vector.extract_strided_slice %add3A_262 {offsets = [6], sizes = [1], strides = [1]} : vector<16xf32> to vector<1xf32>
    %squeeze3A_281 = vector.extract %slice3A_280[0] : f32 from vector<1xf32>
    %add3A_282 = arith.addf %add3A_279, %squeeze3A_281 : f32
    %slice3A_283 = vector.extract_strided_slice %add3A_262 {offsets = [7], sizes = [1], strides = [1]} : vector<16xf32> to vector<1xf32>
    %squeeze3A_284 = vector.extract %slice3A_283[0] : f32 from vector<1xf32>
    %add3A_285 = arith.addf %add3A_282, %squeeze3A_284 : f32
    %eq3A_286 = arith.constant 2 : i32
    %eq3A_287 = vector.broadcast %eq3A_286 : i32 to vector<16xi32>
    %eq3A_288 = arith.cmpi eq, %iota3A, %eq3A_287 : vector<16xi32>
    %sub3A_289 = arith.subf %add3A_285, %add3A_93 : f32
    %broadcast_in_dim3A_290 = vector.broadcast %sub3A_289 : f32 to vector<16xf32>
    %select_n3A_291 = arith.select %eq3A_288, %broadcast_in_dim3A_290, %select_n3A_256 : vector<16xi1>, vector<16xf32>
    %rev3A_292 = arith.constant 15 : i32
    %rev3A_293 = vector.broadcast %rev3A_292 : i32 to vector<16xi32>
    %rev3A_294 = tpu.iota {dimensions = array<i32: 0>} : vector<16xi32>
    %rev3A_295 = arith.subi %rev3A_293, %rev3A_294 : vector<16xi32>
    %rev3A_296 = tpu.dynamic_gather %scan3A_117#3[%rev3A_295] in [0] : vector<16xf32>, vector<16xi32> -> vector<16xf32>
    %add3A_297 = arith.addf %scan3A_117#3, %rev3A_296 : vector<16xf32>
    %slice3A_298 = vector.extract_strided_slice %add3A_297 {offsets = [0], sizes = [1], strides = [1]} : vector<16xf32> to vector<1xf32>
    %squeeze3A_299 = vector.extract %slice3A_298[0] : f32 from vector<1xf32>
    %slice3A_300 = vector.extract_strided_slice %add3A_297 {offsets = [1], sizes = [1], strides = [1]} : vector<16xf32> to vector<1xf32>
    %squeeze3A_301 = vector.extract %slice3A_300[0] : f32 from vector<1xf32>
    %add3A_302 = arith.addf %squeeze3A_299, %squeeze3A_301 : f32
    %slice3A_303 = vector.extract_strided_slice %add3A_297 {offsets = [2], sizes = [1], strides = [1]} : vector<16xf32> to vector<1xf32>
    %squeeze3A_304 = vector.extract %slice3A_303[0] : f32 from vector<1xf32>
    %add3A_305 = arith.addf %add3A_302, %squeeze3A_304 : f32
    %slice3A_306 = vector.extract_strided_slice %add3A_297 {offsets = [3], sizes = [1], strides = [1]} : vector<16xf32> to vector<1xf32>
    %squeeze3A_307 = vector.extract %slice3A_306[0] : f32 from vector<1xf32>
    %add3A_308 = arith.addf %add3A_305, %squeeze3A_307 : f32
    %slice3A_309 = vector.extract_strided_slice %add3A_297 {offsets = [4], sizes = [1], strides = [1]} : vector<16xf32> to vector<1xf32>
    %squeeze3A_310 = vector.extract %slice3A_309[0] : f32 from vector<1xf32>
    %add3A_311 = arith.addf %add3A_308, %squeeze3A_310 : f32
    %slice3A_312 = vector.extract_strided_slice %add3A_297 {offsets = [5], sizes = [1], strides = [1]} : vector<16xf32> to vector<1xf32>
    %squeeze3A_313 = vector.extract %slice3A_312[0] : f32 from vector<1xf32>
    %add3A_314 = arith.addf %add3A_311, %squeeze3A_313 : f32
    %slice3A_315 = vector.extract_strided_slice %add3A_297 {offsets = [6], sizes = [1], strides = [1]} : vector<16xf32> to vector<1xf32>
    %squeeze3A_316 = vector.extract %slice3A_315[0] : f32 from vector<1xf32>
    %add3A_317 = arith.addf %add3A_314, %squeeze3A_316 : f32
    %slice3A_318 = vector.extract_strided_slice %add3A_297 {offsets = [7], sizes = [1], strides = [1]} : vector<16xf32> to vector<1xf32>
    %squeeze3A_319 = vector.extract %slice3A_318[0] : f32 from vector<1xf32>
    %add3A_320 = arith.addf %add3A_317, %squeeze3A_319 : f32
    %eq3A_321 = arith.constant 3 : i32
    %eq3A_322 = vector.broadcast %eq3A_321 : i32 to vector<16xi32>
    %eq3A_323 = arith.cmpi eq, %iota3A, %eq3A_322 : vector<16xi32>
    %sub3A_324 = arith.subf %add3A_320, %add3A_93 : f32
    %broadcast_in_dim3A_325 = vector.broadcast %sub3A_324 : f32 to vector<16xf32>
    %select_n3A_326 = arith.select %eq3A_323, %broadcast_in_dim3A_325, %select_n3A_291 : vector<16xi1>, vector<16xf32>
    %rev3A_327 = arith.constant 15 : i32
    %rev3A_328 = vector.broadcast %rev3A_327 : i32 to vector<16xi32>
    %rev3A_329 = tpu.iota {dimensions = array<i32: 0>} : vector<16xi32>
    %rev3A_330 = arith.subi %rev3A_328, %rev3A_329 : vector<16xi32>
    %rev3A_331 = tpu.dynamic_gather %scan3A_163#0[%rev3A_330] in [0] : vector<16xf32>, vector<16xi32> -> vector<16xf32>
    %add3A_332 = arith.addf %scan3A_163#0, %rev3A_331 : vector<16xf32>
    %slice3A_333 = vector.extract_strided_slice %add3A_332 {offsets = [0], sizes = [1], strides = [1]} : vector<16xf32> to vector<1xf32>
    %squeeze3A_334 = vector.extract %slice3A_333[0] : f32 from vector<1xf32>
    %slice3A_335 = vector.extract_strided_slice %add3A_332 {offsets = [1], sizes = [1], strides = [1]} : vector<16xf32> to vector<1xf32>
    %squeeze3A_336 = vector.extract %slice3A_335[0] : f32 from vector<1xf32>
    %add3A_337 = arith.addf %squeeze3A_334, %squeeze3A_336 : f32
    %slice3A_338 = vector.extract_strided_slice %add3A_332 {offsets = [2], sizes = [1], strides = [1]} : vector<16xf32> to vector<1xf32>
    %squeeze3A_339 = vector.extract %slice3A_338[0] : f32 from vector<1xf32>
    %add3A_340 = arith.addf %add3A_337, %squeeze3A_339 : f32
    %slice3A_341 = vector.extract_strided_slice %add3A_332 {offsets = [3], sizes = [1], strides = [1]} : vector<16xf32> to vector<1xf32>
    %squeeze3A_342 = vector.extract %slice3A_341[0] : f32 from vector<1xf32>
    %add3A_343 = arith.addf %add3A_340, %squeeze3A_342 : f32
    %slice3A_344 = vector.extract_strided_slice %add3A_332 {offsets = [4], sizes = [1], strides = [1]} : vector<16xf32> to vector<1xf32>
    %squeeze3A_345 = vector.extract %slice3A_344[0] : f32 from vector<1xf32>
    %add3A_346 = arith.addf %add3A_343, %squeeze3A_345 : f32
    %slice3A_347 = vector.extract_strided_slice %add3A_332 {offsets = [5], sizes = [1], strides = [1]} : vector<16xf32> to vector<1xf32>
    %squeeze3A_348 = vector.extract %slice3A_347[0] : f32 from vector<1xf32>
    %add3A_349 = arith.addf %add3A_346, %squeeze3A_348 : f32
    %slice3A_350 = vector.extract_strided_slice %add3A_332 {offsets = [6], sizes = [1], strides = [1]} : vector<16xf32> to vector<1xf32>
    %squeeze3A_351 = vector.extract %slice3A_350[0] : f32 from vector<1xf32>
    %add3A_352 = arith.addf %add3A_349, %squeeze3A_351 : f32
    %slice3A_353 = vector.extract_strided_slice %add3A_332 {offsets = [7], sizes = [1], strides = [1]} : vector<16xf32> to vector<1xf32>
    %squeeze3A_354 = vector.extract %slice3A_353[0] : f32 from vector<1xf32>
    %add3A_355 = arith.addf %add3A_352, %squeeze3A_354 : f32
    %eq3A_356 = arith.constant 4 : i32
    %eq3A_357 = vector.broadcast %eq3A_356 : i32 to vector<16xi32>
    %eq3A_358 = arith.cmpi eq, %iota3A, %eq3A_357 : vector<16xi32>
    %sub3A_359 = arith.subf %add3A_355, %add3A_93 : f32
    %broadcast_in_dim3A_360 = vector.broadcast %sub3A_359 : f32 to vector<16xf32>
    %select_n3A_361 = arith.select %eq3A_358, %broadcast_in_dim3A_360, %select_n3A_326 : vector<16xi1>, vector<16xf32>
    %rev3A_362 = arith.constant 15 : i32
    %rev3A_363 = vector.broadcast %rev3A_362 : i32 to vector<16xi32>
    %rev3A_364 = tpu.iota {dimensions = array<i32: 0>} : vector<16xi32>
    %rev3A_365 = arith.subi %rev3A_363, %rev3A_364 : vector<16xi32>
    %rev3A_366 = tpu.dynamic_gather %scan3A_163#1[%rev3A_365] in [0] : vector<16xf32>, vector<16xi32> -> vector<16xf32>
    %add3A_367 = arith.addf %scan3A_163#1, %rev3A_366 : vector<16xf32>
    %slice3A_368 = vector.extract_strided_slice %add3A_367 {offsets = [0], sizes = [1], strides = [1]} : vector<16xf32> to vector<1xf32>
    %squeeze3A_369 = vector.extract %slice3A_368[0] : f32 from vector<1xf32>
    %slice3A_370 = vector.extract_strided_slice %add3A_367 {offsets = [1], sizes = [1], strides = [1]} : vector<16xf32> to vector<1xf32>
    %squeeze3A_371 = vector.extract %slice3A_370[0] : f32 from vector<1xf32>
    %add3A_372 = arith.addf %squeeze3A_369, %squeeze3A_371 : f32
    %slice3A_373 = vector.extract_strided_slice %add3A_367 {offsets = [2], sizes = [1], strides = [1]} : vector<16xf32> to vector<1xf32>
    %squeeze3A_374 = vector.extract %slice3A_373[0] : f32 from vector<1xf32>
    %add3A_375 = arith.addf %add3A_372, %squeeze3A_374 : f32
    %slice3A_376 = vector.extract_strided_slice %add3A_367 {offsets = [3], sizes = [1], strides = [1]} : vector<16xf32> to vector<1xf32>
    %squeeze3A_377 = vector.extract %slice3A_376[0] : f32 from vector<1xf32>
    %add3A_378 = arith.addf %add3A_375, %squeeze3A_377 : f32
    %slice3A_379 = vector.extract_strided_slice %add3A_367 {offsets = [4], sizes = [1], strides = [1]} : vector<16xf32> to vector<1xf32>
    %squeeze3A_380 = vector.extract %slice3A_379[0] : f32 from vector<1xf32>
    %add3A_381 = arith.addf %add3A_378, %squeeze3A_380 : f32
    %slice3A_382 = vector.extract_strided_slice %add3A_367 {offsets = [5], sizes = [1], strides = [1]} : vector<16xf32> to vector<1xf32>
    %squeeze3A_383 = vector.extract %slice3A_382[0] : f32 from vector<1xf32>
    %add3A_384 = arith.addf %add3A_381, %squeeze3A_383 : f32
    %slice3A_385 = vector.extract_strided_slice %add3A_367 {offsets = [6], sizes = [1], strides = [1]} : vector<16xf32> to vector<1xf32>
    %squeeze3A_386 = vector.extract %slice3A_385[0] : f32 from vector<1xf32>
    %add3A_387 = arith.addf %add3A_384, %squeeze3A_386 : f32
    %slice3A_388 = vector.extract_strided_slice %add3A_367 {offsets = [7], sizes = [1], strides = [1]} : vector<16xf32> to vector<1xf32>
    %squeeze3A_389 = vector.extract %slice3A_388[0] : f32 from vector<1xf32>
    %add3A_390 = arith.addf %add3A_387, %squeeze3A_389 : f32
    %eq3A_391 = arith.constant 5 : i32
    %eq3A_392 = vector.broadcast %eq3A_391 : i32 to vector<16xi32>
    %eq3A_393 = arith.cmpi eq, %iota3A, %eq3A_392 : vector<16xi32>
    %sub3A_394 = arith.subf %add3A_390, %add3A_93 : f32
    %broadcast_in_dim3A_395 = vector.broadcast %sub3A_394 : f32 to vector<16xf32>
    %select_n3A_396 = arith.select %eq3A_393, %broadcast_in_dim3A_395, %select_n3A_361 : vector<16xi1>, vector<16xf32>
    %rev3A_397 = arith.constant 15 : i32
    %rev3A_398 = vector.broadcast %rev3A_397 : i32 to vector<16xi32>
    %rev3A_399 = tpu.iota {dimensions = array<i32: 0>} : vector<16xi32>
    %rev3A_400 = arith.subi %rev3A_398, %rev3A_399 : vector<16xi32>
    %rev3A_401 = tpu.dynamic_gather %scan3A_163#2[%rev3A_400] in [0] : vector<16xf32>, vector<16xi32> -> vector<16xf32>
    %add3A_402 = arith.addf %scan3A_163#2, %rev3A_401 : vector<16xf32>
    %slice3A_403 = vector.extract_strided_slice %add3A_402 {offsets = [0], sizes = [1], strides = [1]} : vector<16xf32> to vector<1xf32>
    %squeeze3A_404 = vector.extract %slice3A_403[0] : f32 from vector<1xf32>
    %slice3A_405 = vector.extract_strided_slice %add3A_402 {offsets = [1], sizes = [1], strides = [1]} : vector<16xf32> to vector<1xf32>
    %squeeze3A_406 = vector.extract %slice3A_405[0] : f32 from vector<1xf32>
    %add3A_407 = arith.addf %squeeze3A_404, %squeeze3A_406 : f32
    %slice3A_408 = vector.extract_strided_slice %add3A_402 {offsets = [2], sizes = [1], strides = [1]} : vector<16xf32> to vector<1xf32>
    %squeeze3A_409 = vector.extract %slice3A_408[0] : f32 from vector<1xf32>
    %add3A_410 = arith.addf %add3A_407, %squeeze3A_409 : f32
    %slice3A_411 = vector.extract_strided_slice %add3A_402 {offsets = [3], sizes = [1], strides = [1]} : vector<16xf32> to vector<1xf32>
    %squeeze3A_412 = vector.extract %slice3A_411[0] : f32 from vector<1xf32>
    %add3A_413 = arith.addf %add3A_410, %squeeze3A_412 : f32
    %slice3A_414 = vector.extract_strided_slice %add3A_402 {offsets = [4], sizes = [1], strides = [1]} : vector<16xf32> to vector<1xf32>
    %squeeze3A_415 = vector.extract %slice3A_414[0] : f32 from vector<1xf32>
    %add3A_416 = arith.addf %add3A_413, %squeeze3A_415 : f32
    %slice3A_417 = vector.extract_strided_slice %add3A_402 {offsets = [5], sizes = [1], strides = [1]} : vector<16xf32> to vector<1xf32>
    %squeeze3A_418 = vector.extract %slice3A_417[0] : f32 from vector<1xf32>
    %add3A_419 = arith.addf %add3A_416, %squeeze3A_418 : f32
    %slice3A_420 = vector.extract_strided_slice %add3A_402 {offsets = [6], sizes = [1], strides = [1]} : vector<16xf32> to vector<1xf32>
    %squeeze3A_421 = vector.extract %slice3A_420[0] : f32 from vector<1xf32>
    %add3A_422 = arith.addf %add3A_419, %squeeze3A_421 : f32
    %slice3A_423 = vector.extract_strided_slice %add3A_402 {offsets = [7], sizes = [1], strides = [1]} : vector<16xf32> to vector<1xf32>
    %squeeze3A_424 = vector.extract %slice3A_423[0] : f32 from vector<1xf32>
    %add3A_425 = arith.addf %add3A_422, %squeeze3A_424 : f32
    %eq3A_426 = arith.constant 6 : i32
    %eq3A_427 = vector.broadcast %eq3A_426 : i32 to vector<16xi32>
    %eq3A_428 = arith.cmpi eq, %iota3A, %eq3A_427 : vector<16xi32>
    %sub3A_429 = arith.subf %add3A_425, %add3A_93 : f32
    %broadcast_in_dim3A_430 = vector.broadcast %sub3A_429 : f32 to vector<16xf32>
    %select_n3A_431 = arith.select %eq3A_428, %broadcast_in_dim3A_430, %select_n3A_396 : vector<16xi1>, vector<16xf32>
    %rev3A_432 = arith.constant 15 : i32
    %rev3A_433 = vector.broadcast %rev3A_432 : i32 to vector<16xi32>
    %rev3A_434 = tpu.iota {dimensions = array<i32: 0>} : vector<16xi32>
    %rev3A_435 = arith.subi %rev3A_433, %rev3A_434 : vector<16xi32>
    %rev3A_436 = tpu.dynamic_gather %scan3A_163#3[%rev3A_435] in [0] : vector<16xf32>, vector<16xi32> -> vector<16xf32>
    %add3A_437 = arith.addf %scan3A_163#3, %rev3A_436 : vector<16xf32>
    %slice3A_438 = vector.extract_strided_slice %add3A_437 {offsets = [0], sizes = [1], strides = [1]} : vector<16xf32> to vector<1xf32>
    %squeeze3A_439 = vector.extract %slice3A_438[0] : f32 from vector<1xf32>
    %slice3A_440 = vector.extract_strided_slice %add3A_437 {offsets = [1], sizes = [1], strides = [1]} : vector<16xf32> to vector<1xf32>
    %squeeze3A_441 = vector.extract %slice3A_440[0] : f32 from vector<1xf32>
    %add3A_442 = arith.addf %squeeze3A_439, %squeeze3A_441 : f32
    %slice3A_443 = vector.extract_strided_slice %add3A_437 {offsets = [2], sizes = [1], strides = [1]} : vector<16xf32> to vector<1xf32>
    %squeeze3A_444 = vector.extract %slice3A_443[0] : f32 from vector<1xf32>
    %add3A_445 = arith.addf %add3A_442, %squeeze3A_444 : f32
    %slice3A_446 = vector.extract_strided_slice %add3A_437 {offsets = [3], sizes = [1], strides = [1]} : vector<16xf32> to vector<1xf32>
    %squeeze3A_447 = vector.extract %slice3A_446[0] : f32 from vector<1xf32>
    %add3A_448 = arith.addf %add3A_445, %squeeze3A_447 : f32
    %slice3A_449 = vector.extract_strided_slice %add3A_437 {offsets = [4], sizes = [1], strides = [1]} : vector<16xf32> to vector<1xf32>
    %squeeze3A_450 = vector.extract %slice3A_449[0] : f32 from vector<1xf32>
    %add3A_451 = arith.addf %add3A_448, %squeeze3A_450 : f32
    %slice3A_452 = vector.extract_strided_slice %add3A_437 {offsets = [5], sizes = [1], strides = [1]} : vector<16xf32> to vector<1xf32>
    %squeeze3A_453 = vector.extract %slice3A_452[0] : f32 from vector<1xf32>
    %add3A_454 = arith.addf %add3A_451, %squeeze3A_453 : f32
    %slice3A_455 = vector.extract_strided_slice %add3A_437 {offsets = [6], sizes = [1], strides = [1]} : vector<16xf32> to vector<1xf32>
    %squeeze3A_456 = vector.extract %slice3A_455[0] : f32 from vector<1xf32>
    %add3A_457 = arith.addf %add3A_454, %squeeze3A_456 : f32
    %slice3A_458 = vector.extract_strided_slice %add3A_437 {offsets = [7], sizes = [1], strides = [1]} : vector<16xf32> to vector<1xf32>
    %squeeze3A_459 = vector.extract %slice3A_458[0] : f32 from vector<1xf32>
    %add3A_460 = arith.addf %add3A_457, %squeeze3A_459 : f32
    %eq3A_461 = arith.constant 7 : i32
    %eq3A_462 = vector.broadcast %eq3A_461 : i32 to vector<16xi32>
    %eq3A_463 = arith.cmpi eq, %iota3A, %eq3A_462 : vector<16xi32>
    %sub3A_464 = arith.subf %add3A_460, %add3A_93 : f32
    %broadcast_in_dim3A_465 = vector.broadcast %sub3A_464 : f32 to vector<16xf32>
    %select_n3A_466 = arith.select %eq3A_463, %broadcast_in_dim3A_465, %select_n3A_431 : vector<16xi1>, vector<16xf32>
    %swap3A = arith.constant 0 : index
    %swap3A_467 = tpu.vector_load %arg13[%swap3A] {strides = array<i32>} : memref<16xf32, #tpu.memory_space<vmem>>, vector<16xf32>,
    %swap3A_468 = vector.shape_cast %swap3A_467 : vector<16xf32> to vector<16xf32>
    %swap3A_469 = vector.shape_cast %select_n3A_466 : vector<16xf32> to vector<16xf32>
    tpu.vector_store %arg13[%swap3A], %swap3A_469 {strides = array<i32>} : memref<16xf32, #tpu.memory_space<vmem>>, vector<16xf32>,
    %dma_start3A_470 = arith.constant 0 : i32
    %dma_start3A_471 = tpu.memref_slice %arg13[%dma_start3A_470] : memref<16xf32, #tpu.memory_space<vmem>> -> memref<8xf32, #tpu.memory_space<vmem>>
    %dma_start3A_472 = tpu.memref_slice %arg6[%mul3A_0] : memref<128xf32, #tpu.memory_space<hbm>> -> memref<8xf32, #tpu.memory_space<hbm>>
    %dma_start3A_473 = tpu.memref_slice %arg6[%mul3A_0] : memref<128xf32, #tpu.memory_space<hbm>> -> memref<8xf32, #tpu.memory_space<hbm>>
    %dma_start3A_474 = arith.constant 0 : i32
    %dma_start3A_475 = tpu.memref_slice %arg13[%dma_start3A_474] : memref<16xf32, #tpu.memory_space<vmem>> -> memref<8xf32, #tpu.memory_space<vmem>>
    tpu.enqueue_dma source(%dma_start3A_475 : memref<8xf32, #tpu.memory_space<vmem>>) target(%dma_start3A_473 : memref<8xf32, #tpu.memory_space<hbm>>) target_semaphore(%arg17 : memref<!tpu.dma_semaphore, #tpu.memory_space<semaphore_mem>>)
    %dma_wait3A_476 = arith.constant 0 : i32
    %dma_wait3A_477 = arith.constant 0 : i32
    %dma_wait3A_478 = tpu.memref_slice %arg11[%dma_wait3A_476, %dma_wait3A_477] : memref<8x2048xi32, #tpu.memory_space<vmem>> -> memref<4x2048xi32, #tpu.memory_space<vmem>>
    %dma_wait3A_479 = arith.constant 0 : i32
    %dma_wait3A_480 = tpu.memref_slice %arg5[%mul3A_0, %dma_wait3A_479] : memref<128x2048xi32, #tpu.memory_space<hbm>> -> memref<4x2048xi32, #tpu.memory_space<hbm>>
    %dma_wait3A_481 = arith.constant 0 : i32
    %dma_wait3A_482 = tpu.memref_slice %arg5[%mul3A_0, %dma_wait3A_481] : memref<128x2048xi32, #tpu.memory_space<hbm>> -> memref<4x2048xi32, #tpu.memory_space<hbm>>
    %dma_wait3A_483 = arith.constant 0 : i32
    %dma_wait3A_484 = arith.constant 0 : i32
    %dma_wait3A_485 = tpu.memref_slice %arg11[%dma_wait3A_483, %dma_wait3A_484] : memref<8x2048xi32, #tpu.memory_space<vmem>> -> memref<4x2048xi32, #tpu.memory_space<vmem>>
    tpu.wait_dma2 semaphore(%arg17 : memref<!tpu.dma_semaphore, #tpu.memory_space<semaphore_mem>>) src(%dma_wait3A_485 : memref<4x2048xi32, #tpu.memory_space<vmem>>) dst(%dma_wait3A_482 : memref<4x2048xi32, #tpu.memory_space<hbm>>)
    %dma_wait3A_486 = arith.constant 0 : i32
    %dma_wait3A_487 = arith.constant 0 : i32
    %dma_wait3A_488 = tpu.memref_slice %arg12[%dma_wait3A_486, %dma_wait3A_487] : memref<8x2048xf32, #tpu.memory_space<vmem>> -> memref<4x2048xf32, #tpu.memory_space<vmem>>
    %dma_wait3A_489 = arith.constant 0 : i32
    %dma_wait3A_490 = tpu.memref_slice %arg7[%mul3A_0, %dma_wait3A_489] : memref<128x2048xf32, #tpu.memory_space<hbm>> -> memref<4x2048xf32, #tpu.memory_space<hbm>>
    %dma_wait3A_491 = arith.constant 0 : i32
    %dma_wait3A_492 = tpu.memref_slice %arg7[%mul3A_0, %dma_wait3A_491] : memref<128x2048xf32, #tpu.memory_space<hbm>> -> memref<4x2048xf32, #tpu.memory_space<hbm>>
    %dma_wait3A_493 = arith.constant 0 : i32
    %dma_wait3A_494 = arith.constant 0 : i32
    %dma_wait3A_495 = tpu.memref_slice %arg12[%dma_wait3A_493, %dma_wait3A_494] : memref<8x2048xf32, #tpu.memory_space<vmem>> -> memref<4x2048xf32, #tpu.memory_space<vmem>>
    tpu.wait_dma2 semaphore(%arg17 : memref<!tpu.dma_semaphore, #tpu.memory_space<semaphore_mem>>) src(%dma_wait3A_495 : memref<4x2048xf32, #tpu.memory_space<vmem>>) dst(%dma_wait3A_492 : memref<4x2048xf32, #tpu.memory_space<hbm>>)
    %dma_wait3A_496 = arith.constant 4 : i32
    %dma_wait3A_497 = arith.constant 0 : i32
    %dma_wait3A_498 = tpu.memref_slice %arg11[%dma_wait3A_496, %dma_wait3A_497] : memref<8x2048xi32, #tpu.memory_space<vmem>> -> memref<4x2048xi32, #tpu.memory_space<vmem>>
    %dma_wait3A_499 = arith.constant 0 : i32
    %dma_wait3A_500 = tpu.memref_slice %arg5[%add3A_166, %dma_wait3A_499] : memref<128x2048xi32, #tpu.memory_space<hbm>> -> memref<4x2048xi32, #tpu.memory_space<hbm>>
    %dma_wait3A_501 = arith.constant 0 : i32
    %dma_wait3A_502 = tpu.memref_slice %arg5[%add3A_166, %dma_wait3A_501] : memref<128x2048xi32, #tpu.memory_space<hbm>> -> memref<4x2048xi32, #tpu.memory_space<hbm>>
    %dma_wait3A_503 = arith.constant 4 : i32
    %dma_wait3A_504 = arith.constant 0 : i32
    %dma_wait3A_505 = tpu.memref_slice %arg11[%dma_wait3A_503, %dma_wait3A_504] : memref<8x2048xi32, #tpu.memory_space<vmem>> -> memref<4x2048xi32, #tpu.memory_space<vmem>>
    tpu.wait_dma2 semaphore(%arg17 : memref<!tpu.dma_semaphore, #tpu.memory_space<semaphore_mem>>) src(%dma_wait3A_505 : memref<4x2048xi32, #tpu.memory_space<vmem>>) dst(%dma_wait3A_502 : memref<4x2048xi32, #tpu.memory_space<hbm>>)
    %dma_wait3A_506 = arith.constant 4 : i32
    %dma_wait3A_507 = arith.constant 0 : i32
    %dma_wait3A_508 = tpu.memref_slice %arg12[%dma_wait3A_506, %dma_wait3A_507] : memref<8x2048xf32, #tpu.memory_space<vmem>> -> memref<4x2048xf32, #tpu.memory_space<vmem>>
    %dma_wait3A_509 = arith.constant 0 : i32
    %dma_wait3A_510 = tpu.memref_slice %arg7[%add3A_178, %dma_wait3A_509] : memref<128x2048xf32, #tpu.memory_space<hbm>> -> memref<4x2048xf32, #tpu.memory_space<hbm>>
    %dma_wait3A_511 = arith.constant 0 : i32
    %dma_wait3A_512 = tpu.memref_slice %arg7[%add3A_178, %dma_wait3A_511] : memref<128x2048xf32, #tpu.memory_space<hbm>> -> memref<4x2048xf32, #tpu.memory_space<hbm>>
    %dma_wait3A_513 = arith.constant 4 : i32
    %dma_wait3A_514 = arith.constant 0 : i32
    %dma_wait3A_515 = tpu.memref_slice %arg12[%dma_wait3A_513, %dma_wait3A_514] : memref<8x2048xf32, #tpu.memory_space<vmem>> -> memref<4x2048xf32, #tpu.memory_space<vmem>>
    tpu.wait_dma2 semaphore(%arg17 : memref<!tpu.dma_semaphore, #tpu.memory_space<semaphore_mem>>) src(%dma_wait3A_515 : memref<4x2048xf32, #tpu.memory_space<vmem>>) dst(%dma_wait3A_512 : memref<4x2048xf32, #tpu.memory_space<hbm>>)
    %dma_wait3A_516 = arith.constant 0 : i32
    %dma_wait3A_517 = tpu.memref_slice %arg13[%dma_wait3A_516] : memref<16xf32, #tpu.memory_space<vmem>> -> memref<8xf32, #tpu.memory_space<vmem>>
    %dma_wait3A_518 = tpu.memref_slice %arg6[%mul3A_0] : memref<128xf32, #tpu.memory_space<hbm>> -> memref<8xf32, #tpu.memory_space<hbm>>
    %dma_wait3A_519 = tpu.memref_slice %arg6[%mul3A_0] : memref<128xf32, #tpu.memory_space<hbm>> -> memref<8xf32, #tpu.memory_space<hbm>>
    %dma_wait3A_520 = arith.constant 0 : i32
    %dma_wait3A_521 = tpu.memref_slice %arg13[%dma_wait3A_520] : memref<16xf32, #tpu.memory_space<vmem>> -> memref<8xf32, #tpu.memory_space<vmem>>
    tpu.wait_dma2 semaphore(%arg17 : memref<!tpu.dma_semaphore, #tpu.memory_space<semaphore_mem>>) src(%dma_wait3A_521 : memref<8xf32, #tpu.memory_space<vmem>>) dst(%dma_wait3A_519 : memref<8xf32, #tpu.memory_space<hbm>>)
    return
  }
}

</mosaic_0001>

<sc_bundles>
// kernel: kernel.3.cloned.1.call-start
scs
__scs_entry_jumppad:
0x0: {  	(pc) =	sbr.rel $0x88, $3  }
0x1: {  	(tag) =	ssettag $0x0;
	lr =	simm.s32 $0x1  }
0x2: {  	[smem:$0x3F9E] =	sst lr;
	_ =	strace $0xD0000000  }
0x3: {  	_ = 	snop  }
0x4: {  	_ = 	snop  }
0x5: {  	_ = 	snop  }
0x6: {  	_ = 	snop  }
0x7: {  	_ = 	snop  }
__scs_overlays_trampoline_lowered:
0x8: {  	[smem:$0x3FAD] =	sst s0  }
0x9: {  	[smem:$0x3FAE] =	sst s1  }
0xa: {  	[smem:$0x3FAF] =	sst s2  }
0xb: {  	[smem:$0x3FB0] =	sst s3  }
0xc: {  	[smem:$0x3FB1] =	sst s4  }
0xd: {  	[smem:$0x3FB2] =	sst s5  }
0xe: {  	[smem:$0x3FB3] =	sst s6  }
0xf: {  	[smem:$0x3FB4] =	sst s7  }
0x10: {  	[smem:$0x3FB5] =	sst s8  }
0x11: {  	[smem:$0x3FB6] =	sst s9;
	s0 =	simm.s32 @!p0 $0x0  }
0x12: {  	s1 =	sld [smem:$0x3F9C];
	s0 =	simm.s32 @p0 $0x1  }
0x13: {  	[smem:$0x3FB7] =	sst s0;
	s0 =	simm.s32 @!p1 $0x0  }
0x14: {  	s2 =	sld [smem:$0x3F9B];
	s0 =	simm.s32 @p1 $0x1  }
0x15: {  	[smem:$0x3FB8] =	sst s0;
	s0 =	simm.s32 @!p2 $0x0  }
0x16: {  	s3 =	sld [smem:$0x3FDB];
	s0 =	simm.s32 @p2 $0x1  }
0x17: {  	s4 =	simm.s32 $0x1BF5;
	[smem:$0x3FBA] =	sst s0  }
0x18: {  	s0 =	sld [smem:$0x3F9D];
	_ =	swait.ge [sflag:s4], $0x0  }
0x19: {  	s7 =	sld [smem:$0x3F9E]  }
0x1a: {  	s8 =	sadd.s32 $0xFFFFE003, lr  }
0x1b: {  	s9 =	sadd.s32 $0xFFFFFEF7, lr;
	s5 =	simm.s32 $0xFFFFFFFF;
	p2 =	slt.u32 s8, $0xFFFFF086  }
0x1c: {  	p1 =	slt.u32 s9, $0xF7A;
	s5 =	simm.s32 @!p2 $0x0  }
0x1d: {  	s5 =	simm.s32 @p1 $0x1;
	p0 =	seq.s32 s7, s2  }
0x1e: {  	s7 =	smul.u32 @!p0 $0xF7A, s2;
	p2 =	seq.s32 @!p0 s5, $0x0  }
0x1f: {  	s9 =	smul.u32 $0xF7A, s1;
	s8 =	simm.s32 @!p0 $0x1BF5;
	p2 =	por !p2, p0  }
0x20: {  	[sflag:s8] =	ssyncset.s32 @!p0 $0xFFFFF086;
	s6 =	sadd.s32 @!p0 s3, s7;
	s7 =	simm.s32 @!p0 $0x108  }
0x21: {  	s3 =	sadd.s32 s3, s9;
	s6 =	sadd.s32 @!p0 $0x88, s6;
	s7 =	simm.s32 @p2 $0x1082  }
0x22: {  	[simem:s7], [sflag:s8] =	dma.local @!p0 [hbm:s6], $0xF7A  }
0x23: {  	s9 =	sor.u32 $0xD0000000, s2;
	s6 =	simm.s32 $0x108;
	_ =	swait.ge @!p0 [sflag:s8], $0x0  }
0x24: {  	s3 =	sadd.s32 $0x88, s3;
	s6 =	simm.s32 @!p1 $0x1082;
	[sflag:s4] =	ssyncset.s32 $0xFFFFF086  }
0x25: {  	[simem:s6], [sflag:s4] =	dma.local [hbm:s3], $0xF7A  }
0x26: {  	[smem:$0x3F9E] =	sst s1;
	(tag) =	ssettag s2;
	_ =	strace s9  }
0x27: {  	s1 =	sld [smem:$0x3FAE]  }
0x28: {  	s2 =	sld [smem:$0x3FAF]  }
0x29: {  	s4 =	sld [smem:$0x3FB1]  }
0x2a: {  	p0 =	seq.s32 s5, $0x0;
	s5 =	sld [smem:$0x3FB2]  }
0x2b: {  	s6 =	sld [smem:$0x3FB3]  }
0x2c: {  	s7 =	sld [smem:$0x3FB4]  }
0x2d: {  	s3 =	simm.s32 $0x108;
	s8 =	sld [smem:$0x3FB5]  }
0x2e: {  	s3 =	simm.s32 @!p0 $0x1082;
	s9 =	sld [smem:$0x3FB6]  }
0x2f: {  	lr =	sadd.s32 s0, s3;
	s0 =	sld [smem:$0x3FAD]  }
0x30: {  	s3 =	sld [smem:$0x3FB0]  }
0x31: {  	[smem:$0x3FB9] =	sst s10  }
0x32: {  	s10 =	sld [smem:$0x3FB7];
	_ =	sdelay $0x3  }
0x33: {  	p0 =	seq.s32 s10, $0x1;
	s10 =	sld [smem:$0x3FB9];
	_ =	sdelay $0x3  }
0x34: {  	[smem:$0x3FB9] =	sst s10  }
0x35: {  	s10 =	sld [smem:$0x3FB8];
	_ =	sdelay $0x3  }
0x36: {  	p1 =	seq.s32 s10, $0x1;
	s10 =	sld [smem:$0x3FB9];
	_ =	sdelay $0x3  }
0x37: {  	[smem:$0x3FB9] =	sst s10  }
0x38: {  	s10 =	sld [smem:$0x3FBA]  }
0x39: {  	_ = 	snop;
	(pc) =	sbr.ind lr, $3  }
0x3a: {  	_ = 	snop  }
0x3b: {  	_ = 	snop  }
0x3c: {  	p2 =	seq.s32 s10, $0x1;
	s10 =	sld [smem:$0x3FB9]  }
0x3d: {  	_ =	shalt  }
0x3e: {  	_ =	shalt  }
0x3f: {  	_ =	shalt  }
0x40: {  	_ =	shalt  }
0x41: {  	_ =	shalt  }
0x42: {  	_ =	shalt  }
0x43: {  	_ =	shalt  }
0x44: {  	_ =	shalt  }
0x45: {  	_ =	shalt  }
0x46: {  	_ =	shalt  }
0x47: {  	_ =	shalt  }
0x48: {  	_ =	shalt  }
0x49: {  	_ =	shalt  }
0x4a: {  	_ =	shalt  }
0x4b: {  	_ =	shalt  }
0x4c: {  	_ =	shalt  }
0x4d: {  	_ =	shalt  }
0x4e: {  	_ =	shalt  }
0x4f: {  	_ =	shalt  }
0x50: {  	_ =	shalt  }
0x51: {  	_ =	shalt  }
0x52: {  	_ =	shalt  }
0x53: {  	_ =	shalt  }
0x54: {  	_ =	shalt  }
0x55: {  	_ =	shalt  }
0x56: {  	_ =	shalt  }
0x57: {  	_ =	shalt  }
0x58: {  	_ =	shalt  }
0x59: {  	_ =	shalt  }
0x5a: {  	_ =	shalt  }
0x5b: {  	_ =	shalt  }
0x5c: {  	_ =	shalt  }
0x5d: {  	_ =	shalt  }
0x5e: {  	_ =	shalt  }
0x5f: {  	_ =	shalt  }
0x60: {  	_ =	shalt  }
0x61: {  	_ =	shalt  }
0x62: {  	_ =	shalt  }
0x63: {  	_ =	shalt  }
0x64: {  	_ =	shalt  }
0x65: {  	_ =	shalt  }
0x66: {  	_ =	shalt  }
0x67: {  	_ =	shalt  }
0x68: {  	_ =	shalt  }
0x69: {  	_ =	shalt  }
0x6a: {  	_ =	shalt  }
0x6b: {  	_ =	shalt  }
0x6c: {  	_ =	shalt  }
0x6d: {  	_ =	shalt  }
0x6e: {  	_ =	shalt  }
0x6f: {  	_ =	shalt  }
0x70: {  	_ =	shalt  }
0x71: {  	_ =	shalt  }
0x72: {  	_ =	shalt  }
0x73: {  	_ =	shalt  }
0x74: {  	_ =	shalt  }
0x75: {  	_ =	shalt  }
0x76: {  	_ =	shalt  }
0x77: {  	_ =	shalt  }
0x78: {  	_ =	shalt  }
0x79: {  	_ =	shalt  }
0x7a: {  	_ =	shalt  }
0x7b: {  	_ =	shalt  }
0x7c: {  	_ =	shalt  }
0x7d: {  	_ =	shalt  }
0x7e: {  	_ =	shalt  }
0x7f: {  	_ =	shalt  }
0x80: {  	_ =	shalt  }
0x81: {  	_ =	shalt  }
0x82: {  	_ =	shalt  }
0x83: {  	_ =	shalt  }
0x84: {  	_ =	shalt  }
0x85: {  	_ =	shalt  }
0x86: {  	_ =	shalt  }
0x87: {  	_ =	shalt  }
.Lfunc_end0:
.L_simem_size_0:
called_computation_lowered:
.L_overlay_start_0:
0x88: {  	s0 =	sld [smem:$0x3FD9]  }
0x89: {  	s1 =	sld [smem:$0x3FFE];
	_ =	sdelay $0x3  }
0x8a: {  	s0 =	sadd.s32 s1, s0  }
0x8b: {  	[smem:$0x3FC5] =	sst s0  }
0x8c: {  	_ = 	snop  }
0x8d: {  	s0 =	sld [smem:$0x3FD0]  }
0x8e: {  	s14 =	sld [smem:$0x3FC9]  }
0x8f: {  	s2 =	sld [smem:$0x3FC8]  }
0x90: {  	s4 =	simm.s32 $0xA;
	s5 =	simm.s32 $0x10;
	s3 =	sld [smem:$0x3FC7]  }
0x91: {  	[smem:s5], [sflag:s4] =	dma.local [hbm:s0], $0x1  }
0x92: {  	_ =	swait.eq [sflag:s4], $0x1  }
0x93: {  	s15 =	sld [smem:$0x10];
	[sflag:s4] =	ssyncset.done $0x0  }
0x94: {  	s16 =	sld [smem:$0x11];
	[sflag:s4] =	ssyncadd.s32 $0xFFFFFFFF  }
0x95: {  	s17 =	sld [smem:$0x12];
	(tm) =	ssettm $0x1  }
0x96: {  	s6 =	sld [smem:$0x3FFB];
	_ =	sdelay $0x3  }
0x97: {  	_ =	strace s6  }
0x98: {  	s6 =	sld [smem:$0x3FFC];
	_ =	sdelay $0x3  }
0x99: {  	_ =	strace s6  }
0x9a: {  	s6 =	sld [smem:$0x3FFD];
	_ =	sdelay $0x3  }
0x9b: {  	_ =	strace s6  }
0x9c: {  	_ =	strace $0x8FFFFFFF  }
0x9d: {  	s18 =	sld [smem:$0x3FDB];
	_ =	sdelay $0x1  }
0x9e: {  	s7 =	simm.s32 $_scs_section_size  }
0x9f: {  	s8 =	simm.s32 $_size__tile_overlayer_lowered;
	s9 =	simm.s32 $_tile_overlayer_lowered  }
0xa0: {  	s21 =	simm.s32 $0x1BFF;
	s20 =	sshll.u32 s9, $0x1;
	s6 =	sadd.s32 s7, s18  }
0xa1: {  	s10 =	simm.s32 $0x0;
	s19 =	sshll.u32 s8, $0x1;
	s8 =	sadd.s32 s20, s6  }
0xa2: {  	[timem:s10], [sflag:s21] =	dma.local [hbm:s8], s19  }
0xa3: {  	_ =	swait.ge [sflag:s21], s19  }
0xa4: {  	s7 =	ssub.s32 $0x0, s19;
	[sflag:s21] =	ssyncset.done $0x0  }
0xa5: {  	[sflag:s21] =	ssyncadd.s32 s7;
	_ =	sdelay $0x1  }
0xa6: {  	s22 =	simm.s32 $0x1B8B  }
0xa7: {  	_ =	swait.ge [sflag:s22], $0x1  }
0xa8: {  	[sflag:s22] =	ssyncset.done $0x0  }
0xa9: {  	s23 =	simm.s32 $0x1B8E;
	[sflag:s22] =	ssyncadd.s32 $0xFFFFFFFF  }
0xaa: {  	s24 =	simm.s32 $execute0_lowered;
	[smem:$0x3FD2] =	sst s23  }
0xab: {  	s7 =	sshll.u32 s24, $0x1;
	_ =	strace $0x80000046;
	[dreg:$0x1] =	wrdreg $0xFFFFFFFF  }
0xac: {  	s25 =	simm.s32 $_size_execute0_lowered;
	s6 =	sadd.s32 s6, s7;
	[dreg:$0x0] =	wrdreg $0x0  }
0xad: {  	s7 =	sshll.u32 s25, $0x1;
	[dreg:$0x2] =	wrdreg s6  }
0xae: {  	[dreg:$0x3] =	wrdreg s7  }
0xaf: {  	[dreg:$0x4] =	wrdreg $0xC0  }
0xb0: {  	_ =	task [dreg:s10], $0x5FFFF  }
0xb1: {  	[dreg:$0x1] =	wrdreg $0xFFFFFFFF  }
0xb2: {  	[dreg:$0x0] =	wrdreg $0x60  }
0xb3: {  	[dreg:$0x2] =	wrdreg s14  }
0xb4: {  	[dreg:$0x3] =	wrdreg s2  }
0xb5: {  	[dreg:$0x4] =	wrdreg s3  }
0xb6: {  	[dreg:$0x5] =	wrdreg s15  }
0xb7: {  	[dreg:$0x6] =	wrdreg s16  }
0xb8: {  	[dreg:$0x7] =	wrdreg s17  }
0xb9: {  	[dreg:$0x8] =	wrdreg $0x9  }
0xba: {  	_ =	task.clear_ibuf [dreg:s10], $0x9FFFF;
	_ =	strace $0x90000046  }
0xbb: {  	s26 =	simm.s32 $0x9;
	_ =	strace $0x80000048  }
0xbc: {  	_ =	swait.ge [sflag:s26], $0x1  }
0xbd: {  	[sflag:s26] =	ssyncadd.s32 $0xFFFFFFFF  }
0xbe: {  	_ =	strace $0x90000048  }
0xbf: {  	_ =	sfence  }
0xc0: {  	s28 =	sld [smem:$0x0];
	_ =	sdelay $0x1  }
0xc1: {  	s29 =	srdreg.scid  }
0xc2: {  	s30 =	sshll.u32 s29, $0xD;
	s31 =	sshrl.u32 s29, $0x2  }
0xc3: {  	s1 =	sand.u32 $0x1, s29;
	s2 =	sand.u32 $0x4000, s30;
	s0 =	sadd.s32 s31, s28  }
0xc4: {  	s1 =	sor.u32 s2, s1;
	s0 =	sshll.u32 s0, $0x11  }
0xc5: {  	s0 =	sor.u32 s0, s1  }
0xc6: {  	s0 =	sadd.s32 $0x8F2B, s0  }
0xc7: {  	[sflag:s0] =	ssyncadd.remote.s32 $0x1  }
0xc8: {  	_ =	sfence.sel $0xFFFF  }
0xc9: {  	[dreg:$0x0] =	wrdreg $0xFFFFFFFF;
	(pc) =	sbr.abs _section_cstart, $3  }
0xca: {  	[dreg:$0x1] =	wrdreg $0xFFFFFFFF  }
0xcb: {  	_ =	task.clear_ibuf [dreg:s10], $0x2FFFF;
	_ =	strace $0x9FFFFFFF  }
0xcc: {  	(tm) =	ssettm $0x7FFFFFFF  }
0xcd: {  	_ =	shalt  }
tec
execute0_lowered:
.L_overlay_start_1:
0x0: {  	(tag) =	ssettag $0x1  }
0x1: {  	s9 =	rddreg [dreg:$0x0]  }
0x2: {  	s1 =	rddreg [dreg:$0x1]  }
0x3: {  	s8 =	rddreg [dreg:$0x2]  }
0x4: {  	s4 =	rddreg [dreg:$0x3]  }
0x5: {  	s2 =	rddreg [dreg:$0x4]  }
0x6: {  	s3 =	rddreg [dreg:$0x5]  }
0x7: {  	s0 =	rddreg [dreg:$0x6];
	s7 =	simm.s32 $0x0  }
0x8: {  	[smem:$0x7FF] =	sst s7  }
0x9: {  	s5 =	simm.s32 $0x8000;
	s30 =	simm.s32 $0x4;
	_ =	strace $0x80000047  }
0xa: {  	[tilespmem:s5], [sflag:$0x4] =	stream.linear.gather [hbm4b:s1+s7], $0x800, $0x38;
	[tilespmem:$0x11080] =	vst v63  }
0xb: {  	s1 =	stileid.u32;
	_ =	swait.ge [sflag:s30], $0x800  }
0xc: {  	s6 =	sshll.u32 s1, $0xB;
	[sflag:s30] =	ssyncset.done $0x0  }
0xd: {  	s10 =	sadd.s32 s9, s6;
	[sflag:s30] =	ssyncadd.s32 $0xFFFFF800  }
0xe: {  	[tilespmem:s7], [sflag:$0x1] =	stream.linear.gather [hbm4b:s10+s7], $0x200, $0x38;
	[tilespmem:$0x11080] =	vst v63  }
0xf: {  	s11 =	simm.s32 $0x400;
	s31 =	sadd.s32 $0x80, s10  }
0x10: {  	[tilespmem:s11], [sflag:$0x1] =	stream.linear.gather [hbm4b:s31+s7], $0x200, $0x38;
	[tilespmem:$0x11080] =	vst v63  }
0x11: {  	s12 =	simm.s32 $0x800;
	s11 =	sadd.s32 $0x100, s10  }
0x12: {  	[tilespmem:s12], [sflag:$0x1] =	stream.linear.gather [hbm4b:s11+s7], $0x200, $0x38;
	[tilespmem:$0x11080] =	vst v63  }
0x13: {  	s14 =	simm.s32 $0xC00;
	s13 =	sadd.s32 $0x180, s10  }
0x14: {  	[tilespmem:s14], [sflag:$0x1] =	stream.linear.gather [hbm4b:s13+s7], $0x200, $0x38;
	[tilespmem:$0x11080] =	vst v63  }
0x15: {  	s16 =	simm.s32 $0x1000;
	s15 =	sadd.s32 $0x200, s10  }
0x16: {  	[tilespmem:s16], [sflag:$0x1] =	stream.linear.gather [hbm4b:s15+s7], $0x200, $0x38;
	[tilespmem:$0x11080] =	vst v63  }
0x17: {  	s18 =	simm.s32 $0x1400;
	s17 =	sadd.s32 $0x280, s10  }
0x18: {  	[tilespmem:s18], [sflag:$0x1] =	stream.linear.gather [hbm4b:s17+s7], $0x200, $0x38;
	[tilespmem:$0x11080] =	vst v63  }
0x19: {  	s20 =	simm.s32 $0x1800;
	s19 =	sadd.s32 $0x300, s10  }
0x1a: {  	[tilespmem:s20], [sflag:$0x1] =	stream.linear.gather [hbm4b:s19+s7], $0x200, $0x38;
	[tilespmem:$0x11080] =	vst v63  }
0x1b: {  	s22 =	simm.s32 $0x1C00;
	s21 =	sadd.s32 $0x380, s10  }
0x1c: {  	[tilespmem:s22], [sflag:$0x1] =	stream.linear.gather [hbm4b:s21+s7], $0x200, $0x38;
	[tilespmem:$0x11080] =	vst v63  }
0x1d: {  	s24 =	simm.s32 $0x2000;
	s23 =	sadd.s32 $0x400, s10  }
0x1e: {  	[tilespmem:s24], [sflag:$0x1] =	stream.linear.gather [hbm4b:s23+s7], $0x200, $0x38;
	[tilespmem:$0x11080] =	vst v63  }
0x1f: {  	s26 =	simm.s32 $0x2400;
	s25 =	sadd.s32 $0x480, s10  }
0x20: {  	[tilespmem:s26], [sflag:$0x1] =	stream.linear.gather [hbm4b:s25+s7], $0x200, $0x38;
	[tilespmem:$0x11080] =	vst v63  }
0x21: {  	s29 =	simm.s32 $0x2800;
	s28 =	sadd.s32 $0x500, s10  }
0x22: {  	[tilespmem:s29], [sflag:$0x1] =	stream.linear.gather [hbm4b:s28+s7], $0x200, $0x38;
	[tilespmem:$0x11080] =	vst v63  }
0x23: {  	s30 =	sadd.s32 $0x580, s10;
	s31 =	simm.s32 $0x2C00  }
0x24: {  	[tilespmem:s31], [sflag:$0x1] =	stream.linear.gather [hbm4b:s30+s7], $0x200, $0x38;
	[tilespmem:$0x11080] =	vst v63  }
0x25: {  	s12 =	sadd.s32 $0x600, s10;
	s13 =	simm.s32 $0x3000  }
0x26: {  	[tilespmem:s13], [sflag:$0x1] =	stream.linear.gather [hbm4b:s12+s7], $0x200, $0x38;
	[tilespmem:$0x11080] =	vst v63  }
0x27: {  	s14 =	sadd.s32 $0x680, s10;
	s15 =	simm.s32 $0x3400  }
0x28: {  	[tilespmem:s15], [sflag:$0x1] =	stream.linear.gather [hbm4b:s14+s7], $0x200, $0x38;
	[tilespmem:$0x11080] =	vst v63  }
0x29: {  	s16 =	sadd.s32 $0x700, s10;
	s17 =	simm.s32 $0x3800  }
0x2a: {  	[tilespmem:s17], [sflag:$0x1] =	stream.linear.gather [hbm4b:s16+s7], $0x200, $0x38;
	[tilespmem:$0x11080] =	vst v63  }
0x2b: {  	s18 =	sadd.s32 $0x780, s10;
	s19 =	simm.s32 $0x3C00  }
0x2c: {  	[tilespmem:s19], [sflag:$0x1] =	stream.linear.gather [hbm4b:s18+s7], $0x200, $0x38;
	[tilespmem:$0x11080] =	vst v63  }
0x2d: {  	s5 =	sadd.s32 s8, s6;
	s20 =	simm.s32 $0x4000  }
0x2e: {  	[tilespmem:s20], [sflag:$0x1] =	stream.linear.gather [hbm4b:s5+s7], $0x200, $0x38;
	[tilespmem:$0x11080] =	vst v63  }
0x2f: {  	s21 =	sadd.s32 $0x80, s5;
	s22 =	simm.s32 $0x4400  }
0x30: {  	[tilespmem:s22], [sflag:$0x1] =	stream.linear.gather [hbm4b:s21+s7], $0x200, $0x38;
	[tilespmem:$0x11080] =	vst v63  }
0x31: {  	s23 =	sadd.s32 $0x100, s5;
	s24 =	simm.s32 $0x4800  }
0x32: {  	[tilespmem:s24], [sflag:$0x1] =	stream.linear.gather [hbm4b:s23+s7], $0x200, $0x38;
	[tilespmem:$0x11080] =	vst v63  }
0x33: {  	s25 =	sadd.s32 $0x180, s5;
	s26 =	simm.s32 $0x4C00  }
0x34: {  	[tilespmem:s26], [sflag:$0x1] =	stream.linear.gather [hbm4b:s25+s7], $0x200, $0x38;
	[tilespmem:$0x11080] =	vst v63  }
0x35: {  	s28 =	sadd.s32 $0x200, s5;
	s29 =	simm.s32 $0x5000  }
0x36: {  	[tilespmem:s29], [sflag:$0x1] =	stream.linear.gather [hbm4b:s28+s7], $0x200, $0x38;
	[tilespmem:$0x11080] =	vst v63  }
0x37: {  	s30 =	sadd.s32 $0x280, s5;
	s31 =	simm.s32 $0x5400  }
0x38: {  	[tilespmem:s31], [sflag:$0x1] =	stream.linear.gather [hbm4b:s30+s7], $0x200, $0x38;
	[tilespmem:$0x11080] =	vst v63  }
0x39: {  	s11 =	sadd.s32 $0x300, s5;
	s12 =	simm.s32 $0x5800  }
0x3a: {  	[tilespmem:s12], [sflag:$0x1] =	stream.linear.gather [hbm4b:s11+s7], $0x200, $0x38;
	[tilespmem:$0x11080] =	vst v63  }
0x3b: {  	s13 =	sadd.s32 $0x380, s5;
	s14 =	simm.s32 $0x5C00  }
0x3c: {  	[tilespmem:s14], [sflag:$0x1] =	stream.linear.gather [hbm4b:s13+s7], $0x200, $0x38;
	[tilespmem:$0x11080] =	vst v63  }
0x3d: {  	s15 =	sadd.s32 $0x400, s5;
	s16 =	simm.s32 $0x6000  }
0x3e: {  	[tilespmem:s16], [sflag:$0x1] =	stream.linear.gather [hbm4b:s15+s7], $0x200, $0x38;
	[tilespmem:$0x11080] =	vst v63  }
0x3f: {  	s17 =	sadd.s32 $0x480, s5;
	s18 =	simm.s32 $0x6400  }
0x40: {  	[tilespmem:s18], [sflag:$0x1] =	stream.linear.gather [hbm4b:s17+s7], $0x200, $0x38;
	[tilespmem:$0x11080] =	vst v63  }
0x41: {  	s19 =	sadd.s32 $0x500, s5;
	s20 =	simm.s32 $0x6800  }
0x42: {  	[tilespmem:s20], [sflag:$0x1] =	stream.linear.gather [hbm4b:s19+s7], $0x200, $0x38;
	[tilespmem:$0x11080] =	vst v63  }
0x43: {  	s21 =	sadd.s32 $0x580, s5;
	s22 =	simm.s32 $0x6C00  }
0x44: {  	[tilespmem:s22], [sflag:$0x1] =	stream.linear.gather [hbm4b:s21+s7], $0x200, $0x38;
	[tilespmem:$0x11080] =	vst v63  }
0x45: {  	s23 =	sadd.s32 $0x600, s5;
	s24 =	simm.s32 $0x7000  }
0x46: {  	[tilespmem:s24], [sflag:$0x1] =	stream.linear.gather [hbm4b:s23+s7], $0x200, $0x38;
	[tilespmem:$0x11080] =	vst v63  }
0x47: {  	s25 =	sadd.s32 $0x680, s5;
	s26 =	simm.s32 $0x7400  }
0x48: {  	[tilespmem:s26], [sflag:$0x1] =	stream.linear.gather [hbm4b:s25+s7], $0x200, $0x38;
	[tilespmem:$0x11080] =	vst v63  }
0x49: {  	s28 =	sadd.s32 $0x700, s5;
	s29 =	simm.s32 $0x7800  }
0x4a: {  	[tilespmem:s29], [sflag:$0x1] =	stream.linear.gather [hbm4b:s28+s7], $0x200, $0x38;
	[tilespmem:$0x11080] =	vst v63  }
0x4b: {  	s5 =	sadd.s32 $0x780, s5;
	s30 =	simm.s32 $0x7C00  }
0x4c: {  	[tilespmem:s30], [sflag:$0x1] =	stream.linear.gather [hbm4b:s5+s7], $0x200, $0x38;
	[tilespmem:$0x11080] =	vst v63  }
0x4d: {  	s5 =	sor.u32 $0x40, s6  }
0x4e: {  	s31 =	simm.s32 $0x200;
	s9 =	sadd.s32 s9, s5  }
0x4f: {  	[tilespmem:s31], [sflag:$0x2] =	stream.linear.gather [hbm4b:s9+s7], $0x200, $0x38;
	[tilespmem:$0x11080] =	vst v63  }
0x50: {  	s12 =	simm.s32 $0x600;
	s11 =	sadd.s32 $0x80, s9  }
0x51: {  	[tilespmem:s12], [sflag:$0x2] =	stream.linear.gather [hbm4b:s11+s7], $0x200, $0x38;
	[tilespmem:$0x11080] =	vst v63  }
0x52: {  	s14 =	simm.s32 $0xA00;
	s13 =	sadd.s32 $0x100, s9  }
0x53: {  	[tilespmem:s14], [sflag:$0x2] =	stream.linear.gather [hbm4b:s13+s7], $0x200, $0x38;
	[tilespmem:$0x11080] =	vst v63  }
0x54: {  	s16 =	simm.s32 $0xE00;
	s15 =	sadd.s32 $0x180, s9  }
0x55: {  	[tilespmem:s16], [sflag:$0x2] =	stream.linear.gather [hbm4b:s15+s7], $0x200, $0x38;
	[tilespmem:$0x11080] =	vst v63  }
0x56: {  	s18 =	simm.s32 $0x1200;
	s17 =	sadd.s32 $0x200, s9  }
0x57: {  	[tilespmem:s18], [sflag:$0x2] =	stream.linear.gather [hbm4b:s17+s7], $0x200, $0x38;
	[tilespmem:$0x11080] =	vst v63  }
0x58: {  	s20 =	simm.s32 $0x1600;
	s19 =	sadd.s32 $0x280, s9  }
0x59: {  	[tilespmem:s20], [sflag:$0x2] =	stream.linear.gather [hbm4b:s19+s7], $0x200, $0x38;
	[tilespmem:$0x11080] =	vst v63  }
0x5a: {  	s22 =	simm.s32 $0x1A00;
	s21 =	sadd.s32 $0x300, s9  }
0x5b: {  	[tilespmem:s22], [sflag:$0x2] =	stream.linear.gather [hbm4b:s21+s7], $0x200, $0x38;
	[tilespmem:$0x11080] =	vst v63  }
0x5c: {  	s24 =	simm.s32 $0x1E00;
	s23 =	sadd.s32 $0x380, s9  }
0x5d: {  	[tilespmem:s24], [sflag:$0x2] =	stream.linear.gather [hbm4b:s23+s7], $0x200, $0x38;
	[tilespmem:$0x11080] =	vst v63  }
0x5e: {  	s26 =	simm.s32 $0x2200;
	s25 =	sadd.s32 $0x400, s9  }
0x5f: {  	[tilespmem:s26], [sflag:$0x2] =	stream.linear.gather [hbm4b:s25+s7], $0x200, $0x38;
	[tilespmem:$0x11080] =	vst v63  }
0x60: {  	s29 =	simm.s32 $0x2600;
	s28 =	sadd.s32 $0x480, s9  }
0x61: {  	[tilespmem:s29], [sflag:$0x2] =	stream.linear.gather [hbm4b:s28+s7], $0x200, $0x38;
	[tilespmem:$0x11080] =	vst v63  }
0x62: {  	s30 =	sadd.s32 $0x500, s9;
	s31 =	simm.s32 $0x2A00  }
0x63: {  	[tilespmem:s31], [sflag:$0x2] =	stream.linear.gather [hbm4b:s30+s7], $0x200, $0x38;
	[tilespmem:$0x11080] =	vst v63  }
0x64: {  	s11 =	sadd.s32 $0x580, s9;
	s12 =	simm.s32 $0x2E00  }
0x65: {  	[tilespmem:s12], [sflag:$0x2] =	stream.linear.gather [hbm4b:s11+s7], $0x200, $0x38;
	[tilespmem:$0x11080] =	vst v63  }
0x66: {  	s13 =	sadd.s32 $0x600, s9;
	s14 =	simm.s32 $0x3200  }
0x67: {  	[tilespmem:s14], [sflag:$0x2] =	stream.linear.gather [hbm4b:s13+s7], $0x200, $0x38;
	[tilespmem:$0x11080] =	vst v63  }
0x68: {  	s15 =	sadd.s32 $0x680, s9;
	s16 =	simm.s32 $0x3600  }
0x69: {  	[tilespmem:s16], [sflag:$0x2] =	stream.linear.gather [hbm4b:s15+s7], $0x200, $0x38;
	[tilespmem:$0x11080] =	vst v63  }
0x6a: {  	s17 =	sadd.s32 $0x700, s9;
	s18 =	simm.s32 $0x3A00  }
0x6b: {  	[tilespmem:s18], [sflag:$0x2] =	stream.linear.gather [hbm4b:s17+s7], $0x200, $0x38;
	[tilespmem:$0x11080] =	vst v63  }
0x6c: {  	s9 =	sadd.s32 $0x780, s9;
	s19 =	simm.s32 $0x3E00  }
0x6d: {  	[tilespmem:s19], [sflag:$0x2] =	stream.linear.gather [hbm4b:s9+s7], $0x200, $0x38;
	[tilespmem:$0x11080] =	vst v63  }
0x6e: {  	s8 =	sadd.s32 s8, s5;
	s20 =	simm.s32 $0x4200  }
0x6f: {  	[tilespmem:s20], [sflag:$0x2] =	stream.linear.gather [hbm4b:s8+s7], $0x200, $0x38;
	[tilespmem:$0x11080] =	vst v63  }
0x70: {  	s21 =	sadd.s32 $0x80, s8;
	s22 =	simm.s32 $0x4600  }
0x71: {  	[tilespmem:s22], [sflag:$0x2] =	stream.linear.gather [hbm4b:s21+s7], $0x200, $0x38;
	[tilespmem:$0x11080] =	vst v63  }
0x72: {  	s23 =	sadd.s32 $0x100, s8;
	s24 =	simm.s32 $0x4A00  }
0x73: {  	[tilespmem:s24], [sflag:$0x2] =	stream.linear.gather [hbm4b:s23+s7], $0x200, $0x38;
	[tilespmem:$0x11080] =	vst v63  }
0x74: {  	s25 =	sadd.s32 $0x180, s8;
	s26 =	simm.s32 $0x4E00  }
0x75: {  	[tilespmem:s26], [sflag:$0x2] =	stream.linear.gather [hbm4b:s25+s7], $0x200, $0x38;
	[tilespmem:$0x11080] =	vst v63  }
0x76: {  	s28 =	sadd.s32 $0x200, s8;
	s29 =	simm.s32 $0x5200  }
0x77: {  	[tilespmem:s29], [sflag:$0x2] =	stream.linear.gather [hbm4b:s28+s7], $0x200, $0x38;
	[tilespmem:$0x11080] =	vst v63  }
0x78: {  	s30 =	sadd.s32 $0x280, s8;
	s31 =	simm.s32 $0x5600  }
0x79: {  	[tilespmem:s31], [sflag:$0x2] =	stream.linear.gather [hbm4b:s30+s7], $0x200, $0x38;
	[tilespmem:$0x11080] =	vst v63  }
0x7a: {  	s10 =	sadd.s32 $0x300, s8;
	s11 =	simm.s32 $0x5A00  }
0x7b: {  	[tilespmem:s11], [sflag:$0x2] =	stream.linear.gather [hbm4b:s10+s7], $0x200, $0x38;
	[tilespmem:$0x11080] =	vst v63  }
0x7c: {  	s12 =	sadd.s32 $0x380, s8;
	s13 =	simm.s32 $0x5E00  }
0x7d: {  	[tilespmem:s13], [sflag:$0x2] =	stream.linear.gather [hbm4b:s12+s7], $0x200, $0x38;
	[tilespmem:$0x11080] =	vst v63  }
0x7e: {  	s14 =	sadd.s32 $0x400, s8;
	s15 =	simm.s32 $0x6200  }
0x7f: {  	[tilespmem:s15], [sflag:$0x2] =	stream.linear.gather [hbm4b:s14+s7], $0x200, $0x38;
	[tilespmem:$0x11080] =	vst v63  }
0x80: {  	s16 =	sadd.s32 $0x480, s8;
	s17 =	simm.s32 $0x6600  }
0x81: {  	[tilespmem:s17], [sflag:$0x2] =	stream.linear.gather [hbm4b:s16+s7], $0x200, $0x38;
	[tilespmem:$0x11080] =	vst v63  }
0x82: {  	s18 =	sadd.s32 $0x500, s8;
	s19 =	simm.s32 $0x6A00  }
0x83: {  	[tilespmem:s19], [sflag:$0x2] =	stream.linear.gather [hbm4b:s18+s7], $0x200, $0x38;
	[tilespmem:$0x11080] =	vst v63  }
0x84: {  	s20 =	sadd.s32 $0x580, s8;
	s21 =	simm.s32 $0x6E00  }
0x85: {  	[tilespmem:s21], [sflag:$0x2] =	stream.linear.gather [hbm4b:s20+s7], $0x200, $0x38;
	[tilespmem:$0x11080] =	vst v63  }
0x86: {  	s22 =	sadd.s32 $0x600, s8;
	s23 =	simm.s32 $0x7200  }
0x87: {  	[tilespmem:s23], [sflag:$0x2] =	stream.linear.gather [hbm4b:s22+s7], $0x200, $0x38;
	[tilespmem:$0x11080] =	vst v63  }
0x88: {  	s24 =	sadd.s32 $0x680, s8;
	s25 =	simm.s32 $0x7600  }
0x89: {  	[tilespmem:s25], [sflag:$0x2] =	stream.linear.gather [hbm4b:s24+s7], $0x200, $0x38;
	[tilespmem:$0x11080] =	vst v63  }
0x8a: {  	s26 =	sadd.s32 $0x700, s8;
	s28 =	simm.s32 $0x7A00  }
0x8b: {  	[tilespmem:s28], [sflag:$0x2] =	stream.linear.gather [hbm4b:s26+s7], $0x200, $0x38;
	[tilespmem:$0x11080] =	vst v63  }
0x8c: {  	s8 =	sadd.s32 $0x780, s8;
	s29 =	simm.s32 $0x7E00;
	s30 =	simm.s32 $0x0  }
0x8d: {  	[tilespmem:s29], [sflag:$0x2] =	stream.linear.gather [hbm4b:s8+s7], $0x200, $0x38;
	[tilespmem:$0x11080] =	vst v63  }
0x8e: {  	v16 =	vld [tilespmem:s30+$0x8020]  }
0x8f: {  	v17 =	vld [tilespmem:s30+$0x8010]  }
0x90: {  	v15 =	vld [tilespmem:s30+$0x8000];
	_ =	sdelay $0x2  }
0x91: {  	v4 =	vsub.f32 $0.0e+00, v16  }
0x92: {  	v3 =	vsub.f32 $0.0e+00, v17  }
0x93: {  	v1 =	vsub.f32 $0.0e+00, v15;
	v0 =	vmin.f32 v16, v4  }
0x94: {  	v2 =	vmin.f32 v17, v3;
	v0 =	vmul.f32 $1.442695020e+00, v0  }
0x95: {  	v5 =	vmin.f32 v15, v1;
	v2 =	vmul.f32 $1.442695020e+00, v2  }
0x96: {  	v14 =	vld [tilespmem:s30+$0x8030];
	(erf) = vpow2.f32 v0;
	v0 =	vmul.f32 $1.442695020e+00, v5  }
0x97: {  	(erf) = vpow2.f32 v2  }
0x98: {  	(erf) = vpow2.f32 v0;
	_ =	sdelay $0x2  }
0x99: {  	v5 =	vsub.f32 $0.0e+00, v14;
	_ =	sdelay $0x1  }
0x9a: {  	v0 =	vmin.f32 v14, v5  }
0x9b: {  	v0 =	vmul.f32 $1.442695020e+00, v0  }
0x9c: {  	v1 =	vmul.f32 $1.442695020e+00, v1;
	v10 =	vpop (erf)  }
0x9d: {  	(erf) = vpow2.f32 v0;
	v6 =	vpop (erf)  }
0x9e: {  	(erf) = vpow2.f32 v1;
	v0 =	vmul.f32 $2.500000000e-01, v6;
	v8 =	vpop (erf)  }
0x9f: {  	v1 =	vmul.f32 $2.500000000e-01, v8  }
0xa0: {  	v0 =	vsub.f32 $3.333333430e-01, v0  }
0xa1: {  	v1 =	vsub.f32 $3.333333430e-01, v1  }
0xa2: {  	v0 =	vmul.f32 v0, v6  }
0xa3: {  	v1 =	vmul.f32 v1, v8  }
0xa4: {  	v0 =	vadd.f32 $-5.000000000e-01, v0  }
0xa5: {  	v1 =	vadd.f32 $-5.000000000e-01, v1  }
0xa6: {  	v13 =	vpop (erf);
	v0 =	vmul.f32 v0, v6  }
0xa7: {  	v2 =	vpop (erf);
	v7 =	vmul.f32 v1, v8  }
0xa8: {  	s31 =	simm.s32 $0x40;
	v2 =	vadd.f32 $1.000000000e+00, v2;
	v9 =	vadd.f32 $1.000000000e+00, v0  }
0xa9: {  	v1 =	vld [tilespmem:s31+$0x8020];
	v7 =	vadd.f32 $1.000000000e+00, v7  }
0xaa: {  	v0 =	vld [tilespmem:s31+$0x8030];
	[tilespmem:s30+$0x10880] =	vst v2;
	v9 =	vmul.f32 v9, v6  }
0xab: {  	v2 =	vld [tilespmem:s31+$0x8010];
	v11 =	vmul.f32 v7, v8  }
0xac: {  	v7 =	vmul.f32 $1.442695020e+00, v3;
	v12 =	vsub.f32 $0.0e+00, v9  }
0xad: {  	v4 =	vmul.f32 $1.442695020e+00, v4;
	v5 =	vmul.f32 $1.442695020e+00, v5;
	v3 =	vld [tilespmem:s31+$0x8000];
	v18 =	vsub.f32 $0.0e+00, v11  }
0xae: {  	(erf) = vpow2.f32 v7;
	v7 =	vmul.f32 $1.442695020e+00, v12;
	v12 =	vsub.f32 $0.0e+00, v1  }
0xaf: {  	(erf) = vpow2.f32 v5;
	v5 =	vmul.f32 $1.442695020e+00, v18  }
0xb0: {  	v18 =	vsub.f32 $0.0e+00, v2;
	(erf) = vpow2.f32 v7;
	v7 =	vmin.f32 v1, v12  }
0xb1: {  	(erf) = vpow2.f32 v5;
	v5 =	vmul.f32 $1.442695020e+00, v7  }
0xb2: {  	v7 =	vmin.f32 v2, v18;
	(erf) = vpow2.f32 v4;
	v4 =	vsub.f32 $0.0e+00, v3  }
0xb3: {  	v7 =	vmul.f32 $1.442695020e+00, v7  }
0xb4: {  	(erf) = vpow2.f32 v5;
	v5 =	vmin.f32 v3, v4  }
0xb5: {  	(erf) = vpow2.f32 v7;
	v5 =	vmul.f32 $1.442695020e+00, v5;
	_ =	sdelay $0x1  }
0xb6: {  	v7 =	vmul.f32 $2.500000000e-01, v10  }
0xb7: {  	v19 =	vpop (erf);
	(erf) = vpow2.f32 v5  }
0xb8: {  	v7 =	vsub.f32 $3.333333430e-01, v7;
	v5 =	vpop (erf)  }
0xb9: {  	v20 =	vpop (erf)  }
0xba: {  	v21 =	vadd.f32 $1.000000000e+00, v6;
	v6 =	vpop (erf)  }
0xbb: {  	v22 =	vmul.f32 v7, v10;
	v23 =	vpop (erf)  }
0xbc: {  	v27 =	vadd.f32 $1.000000000e+00, v8;
	v9 =	vadd.f32 $-1.000000000e+00, v9;
	v20 =	vmul.f32 v20, v21;
	v7 =	vpop (erf)  }
0xbd: {  	v25 =	vsub.f32 $0.0e+00, v0;
	v24 =	vadd.f32 $-5.000000000e-01, v22;
	v26 =	vpop (erf)  }
0xbe: {  	v4 =	vmul.f32 $1.442695020e+00, v4;
	v22 =	vadd.f32 v20, v9;
	v8 =	vmul.f32 $2.500000000e-01, v26  }
0xbf: {  	v6 =	vmul.f32 v6, v27;
	v20 =	vmul.f32 v24, v10  }
0xc0: {  	v24 =	vmin.f32 v0, v25;
	v28 =	vsub.f32 $0.0e+00, v22;
	v29 =	vpop (erf);
	v8 =	vsub.f32 $3.333333430e-01, v8  }
0xc1: {  	v24 =	vmul.f32 $1.442695020e+00, v24;
	v30 =	vmul.f32 $2.500000000e-01, v29  }
0xc2: {  	v11 =	vadd.f32 $-1.000000000e+00, v11;
	v28 =	vmul.f32 $1.442695020e+00, v28;
	v8 =	vmul.f32 v8, v26  }
0xc3: {  	v9 =	vmul.f32 $2.500000000e-01, v13;
	(erf) = vpow2.f32 v24;
	v24 =	vsub.f32 $3.333333430e-01, v30  }
0xc4: {  	v11 =	vadd.f32 v6, v11;
	(erf) = vpow2.f32 v28;
	v8 =	vadd.f32 $-5.000000000e-01, v8  }
0xc5: {  	v9 =	vsub.f32 $3.333333430e-01, v9;
	(erf) = vpow2.f32 v4;
	v4 =	vmul.f32 v24, v29  }
0xc6: {  	v8 =	vmul.f32 v8, v26  }
0xc7: {  	v6 =	vmul.f32 v9, v13;
	v9 =	vsub.f32 $0.0e+00, v11;
	v4 =	vadd.f32 $-5.000000000e-01, v4  }
0xc8: {  	v18 =	vmul.f32 $1.442695020e+00, v18;
	v8 =	vadd.f32 $1.000000000e+00, v8  }
0xc9: {  	v19 =	vadd.f32 $1.000000000e+00, v19;
	v9 =	vmul.f32 $1.442695020e+00, v9;
	v4 =	vmul.f32 v4, v29  }
0xca: {  	v5 =	vadd.f32 $1.000000000e+00, v5;
	v24 =	vmul.f32 $1.442695020e+00, v25;
	v25 =	vmul.f32 v8, v26  }
0xcb: {  	(erf) = vpow2.f32 v9;
	v8 =	vmul.f32 $2.500000000e-01, v7;
	v4 =	vadd.f32 $1.000000000e+00, v4  }
0xcc: {  	[tilespmem:s30+$0x10890] =	vst v19;
	v20 =	vadd.f32 $1.000000000e+00, v20;
	(erf) = vpow2.f32 v18;
	v18 =	vsub.f32 $0.0e+00, v25  }
0xcd: {  	[tilespmem:s30+$0x108B0] =	vst v5;
	v19 =	vadd.f32 $1.000000000e+00, v23;
	v5 =	vsub.f32 $3.333333430e-01, v8;
	v23 =	vmul.f32 v4, v29  }
0xce: {  	v20 =	vmul.f32 v20, v10;
	v6 =	vadd.f32 $-5.000000000e-01, v6;
	v9 =	vpop (erf);
	v18 =	vmul.f32 $1.442695020e+00, v18  }
0xcf: {  	[tilespmem:s30+$0x108A0] =	vst v19;
	(erf) = vpow2.f32 v24;
	v8 =	vpop (erf);
	v19 =	vmul.f32 v5, v7;
	v24 =	vsub.f32 $0.0e+00, v23  }
0xd0: {  	v30 =	vsub.f32 $0.0e+00, v20;
	v6 =	vmul.f32 v6, v13;
	v4 =	vpop (erf);
	(erf) = vpow2.f32 v18  }
0xd1: {  	s7 =	simm.s32 $0x80;
	v28 =	vadd.f32 $1.000000000e+00, v4;
	v18 =	vadd.f32 $-5.000000000e-01, v19;
	v19 =	vmul.f32 $1.442695020e+00, v24  }
0xd2: {  	v6 =	vadd.f32 $1.000000000e+00, v6;
	v4 =	vld [tilespmem:s7+$0x8020]  }
0xd3: {  	v5 =	vld [tilespmem:s7+$0x8030];
	[tilespmem:s31+$0x10880] =	vst v28;
	v28 =	vmul.f32 $1.442695020e+00, v30;
	(erf) = vpow2.f32 v19  }
0xd4: {  	v50 =	vadd.f32 $1.000000000e+00, v13;
	v30 =	vmul.f32 v6, v13  }
0xd5: {  	v55 =	vmax.f32 v14, $0.0e+00;
	v22 =	vadd.f32 $-1.000000000e+00, v22;
	v31 =	vadd.f32 $-1.000000000e+00, v11  }
0xd6: {  	v32 =	vmul.f32 v8, v21;
	v19 =	vpop (erf);
	v21 =	vsub.f32 $0.0e+00, v30;
	(erf) = vpow2.f32 v28  }
0xd7: {  	v6 =	vld [tilespmem:s7+$0x8010];
	v19 =	vmul.f32 v19, v27;
	v27 =	vmul.f32 $1.442695020e+00, v12;
	v12 =	vsub.f32 $0.0e+00, v4;
	v28 =	vpop (erf)  }
0xd8: {  	v26 =	vadd.f32 $1.000000000e+00, v26;
	v25 =	vadd.f32 $-1.000000000e+00, v25;
	v8 =	vld [tilespmem:s7+$0x8000];
	v21 =	vmul.f32 $1.442695020e+00, v21;
	v34 =	vpop (erf)  }
0xd9: {  	(erf) = vpow2.f32 v27;
	v27 =	vadd.f32 $1.000000000e+00, v10;
	v10 =	vmin.f32 v4, v12;
	v36 =	vpop (erf)  }
0xda: {  	v20 =	vadd.f32 $-1.000000000e+00, v20;
	v10 =	vmul.f32 $1.442695020e+00, v10;
	v36 =	vmul.f32 v36, v26  }
0xdb: {  	v29 =	vadd.f32 $1.000000000e+00, v29;
	v23 =	vadd.f32 $-1.000000000e+00, v23;
	(erf) = vpow2.f32 v21  }
0xdc: {  	v33 =	vsub.f32 $0.0e+00, v6;
	(erf) = vpow2.f32 v10;
	v10 =	vadd.f32 v36, v25;
	v25 =	vpop (erf)  }
0xdd: {  	v24 =	vimm.f32 $0.0e+00;
	v21 =	vsub.f32 $0.0e+00, v8;
	v25 =	vmul.f32 v25, v29  }
0xde: {  	v22 =	vadd.f32 v32, v22;
	v38 =	vsub.f32 $0.0e+00, v5;
	v35 =	vmin.f32 v6, v33  }
0xdf: {  	v11 =	vmul.f32 v18, v7;
	v37 =	vmin.f32 v8, v21;
	v35 =	vmul.f32 $1.442695020e+00, v35  }
0xe0: {  	v18 =	vmul.f32 $2.500000000e-01, v9;
	v48 =	vmin.f32 v5, v38;
	v47 =	vmul.f32 $1.442695020e+00, v37  }
0xe1: {  	(erf) = vpow2.f32 v35;
	v49 =	vsub.f32 $0.0e+00, v10;
	v23 =	vadd.f32 v25, v23;
	v25 =	vpop (erf)  }
0xe2: {  	v11 =	vadd.f32 $1.000000000e+00, v11;
	v35 =	vmul.f32 $1.442695020e+00, v48;
	v25 =	vmul.f32 v25, v27  }
0xe3: {  	v18 =	vsub.f32 $3.333333430e-01, v18;
	(erf) = vpow2.f32 v47;
	v36 =	vmul.f32 $1.442695020e+00, v49;
	v51 =	vpop (erf)  }
0xe4: {  	v11 =	vmul.f32 v11, v7;
	(erf) = vpow2.f32 v35;
	v25 =	vadd.f32 v25, v20;
	v20 =	vpop (erf)  }
0xe5: {  	v30 =	vadd.f32 $-1.000000000e+00, v30;
	(erf) = vpow2.f32 v36;
	v20 =	vmul.f32 v20, v50  }
0xe6: {  	v18 =	vmul.f32 v18, v9;
	v19 =	vadd.f32 v19, v31;
	v31 =	vsub.f32 $0.0e+00, v23  }
0xe7: {  	v21 =	vmul.f32 $1.442695020e+00, v21;
	v30 =	vadd.f32 v20, v30;
	v20 =	vsub.f32 $0.0e+00, v25  }
0xe8: {  	v52 =	vadd.f32 $-5.000000000e-01, v18;
	v18 =	vmax.f32 v15, $0.0e+00;
	v31 =	vmul.f32 $1.442695020e+00, v31  }
0xe9: {  	v18 =	vadd.f32 v18, v24;
	(erf) = vpow2.f32 v21;
	v39 =	vmul.f32 $1.442695020e+00, v20  }
0xea: {  	v28 =	vadd.f32 $1.000000000e+00, v28;
	v33 =	vmul.f32 $1.442695020e+00, v33;
	v15 =	vpop (erf);
	(erf) = vpow2.f32 v31  }
0xeb: {  	v13 =	vsub.f32 $0.0e+00, v11;
	v24 =	vmul.f32 $1.442695020e+00, v38;
	v20 =	vpop (erf);
	(erf) = vpow2.f32 v39  }
0xec: {  	v54 =	vmul.f32 $2.500000000e-01, v15;
	v31 =	vsub.f32 $0.0e+00, v30;
	v21 =	vpop (erf);
	(erf) = vpow2.f32 v33  }
0xed: {  	v53 =	vadd.f32 v19, v18;
	(erf) = vpow2.f32 v24;
	v18 =	vpop (erf);
	v24 =	vmul.f32 $2.500000000e-01, v20  }
0xee: {  	v19 =	vadd.f32 $-1.000000000e+00, v23;
	v23 =	vsub.f32 $3.333333430e-01, v54;
	v31 =	vmul.f32 $1.442695020e+00, v31;
	v14 =	vpop (erf)  }
0xef: {  	v14 =	vmul.f32 v14, v26;
	v26 =	vmul.f32 $2.500000000e-01, v21;
	v24 =	vsub.f32 $3.333333430e-01, v24  }
0xf0: {  	v23 =	vmul.f32 v23, v15;
	(erf) = vpow2.f32 v31;
	v31 =	vmax.f32 v17, $0.0e+00  }
0xf1: {  	v34 =	vadd.f32 $1.000000000e+00, v34;
	v26 =	vsub.f32 $3.333333430e-01, v26;
	v24 =	vmul.f32 v24, v20  }
0xf2: {  	v25 =	vadd.f32 $-1.000000000e+00, v25;
	v23 =	vadd.f32 $-5.000000000e-01, v23;
	v17 =	vpop (erf)  }
0xf3: {  	v56 =	vadd.f32 v53, v31;
	v31 =	vpop (erf);
	v57 =	vmul.f32 v26, v21;
	v24 =	vadd.f32 $-5.000000000e-01, v24  }
0xf4: {  	v58 =	vadd.f32 $-1.000000000e+00, v30;
	v23 =	vmul.f32 v23, v15;
	v26 =	vmul.f32 v31, v29  }
0xf5: {  	v29 =	vmul.f32 $2.500000000e-01, v18;
	v30 =	vadd.f32 $-5.000000000e-01, v57;
	v24 =	vmul.f32 v24, v20  }
0xf6: {  	v16 =	vmax.f32 v16, $0.0e+00;
	v23 =	vadd.f32 $1.000000000e+00, v23;
	v32 =	vadd.f32 v22, v56;
	v22 =	vpop (erf)  }
0xf7: {  	v27 =	vmul.f32 v22, v27;
	v29 =	vsub.f32 $3.333333430e-01, v29;
	v30 =	vmul.f32 v30, v21  }
0xf8: {  	v13 =	vmul.f32 $1.442695020e+00, v13;
	v16 =	vadd.f32 v32, v16;
	v59 =	vadd.f32 $1.000000000e+00, v24  }
0xf9: {  	v25 =	vadd.f32 v27, v25;
	v62 =	vmul.f32 v29, v18;
	v24 =	vpop (erf);
	v60 =	vadd.f32 $1.000000000e+00, v30  }
0xfa: {  	v35 =	vadd.f32 $1.000000000e+00, v51;
	v22 =	vmul.f32 v23, v15;
	v30 =	vmul.f32 v59, v20;
	v23 =	vpop (erf)  }
0xfb: {  	v25 =	vadd.f32 v25, v16;
	v16 =	vadd.f32 $-5.000000000e-01, v62;
	v27 =	vpop (erf);
	v29 =	vmul.f32 v60, v21  }
0xfc: {  	[tilespmem:s31+$0x10890] =	vst v28;
	v63 =	vsub.f32 $0.0e+00, v30;
	v61 =	vmul.f32 v27, v50;
	v27 =	vsub.f32 $0.0e+00, v22  }
0xfd: {  	[tilespmem:s31+$0x108B0] =	vst v34;
	v31 =	vmul.f32 v52, v9;
	v25 =	vadd.f32 v25, v55;
	v32 =	vsub.f32 $0.0e+00, v29  }
0xfe: {  	s9 =	simm.s32 $0x300;
	[tilespmem:s31+$0x108A0] =	vst v35;
	v33 =	vmul.f32 $1.442695020e+00, v63;
	v27 =	vmul.f32 $1.442695020e+00, v27;
	v28 =	vadd.f32 v61, v58  }
.LBB2_1:
0xff: {  	s8 =	sshra.s32 s9, $0x2;
	p0 =	sne.s32 s9, $0x1F00;
	s9 =	sadd.s32 $0x100, s9;
	v17 =	vadd.f32 $1.000000000e+00, v17;
	v12 =	vmul.f32 $1.442695020e+00, v12;
	v31 =	vadd.f32 $1.000000000e+00, v31  }
0x100: {  	v34 =	vld [tilespmem:s8+$0x8020];
	v32 =	vmul.f32 $1.442695020e+00, v32;
	(erf) = vpow2.f32 v33;
	v25 =	vadd.f32 v28, v25  }
0x101: {  	v33 =	vld [tilespmem:s8+$0x8030];
	[tilespmem:s7+$0x10880] =	vst v17;
	v17 =	vadd.f32 v26, v19;
	v19 =	vmax.f32 v3, $0.0e+00;
	v26 =	vmul.f32 v31, v9;
	v3 =	vmovc v8  }
0x102: {  	v24 =	vadd.f32 $1.000000000e+00, v24;
	v31 =	vld [tilespmem:s8+$0x8010];
	(erf) = vpow2.f32 v32;
	v19 =	vadd.f32 v19, v25  }
0x103: {  	v23 =	vadd.f32 $1.000000000e+00, v23;
	v8 =	vld [tilespmem:s8+$0x8000];
	v28 =	vsub.f32 $0.0e+00, v26;
	(erf) = vpow2.f32 v13;
	v13 =	vmovc v27  }
0x104: {  	v25 =	vmax.f32 v0, $0.0e+00;
	v0 =	vmovc v5;
	[tilespmem:s7+$0x10890] =	vst v24;
	(erf) = vpow2.f32 v12;
	v24 =	vadd.f32 v17, v19  }
0x105: {  	v12 =	vsub.f32 $0.0e+00, v34;
	[tilespmem:s7+$0x108B0] =	vst v23;
	v23 =	vadd.f32 $1.000000000e+00, v7;
	v32 =	vmul.f32 $1.442695020e+00, v28;
	v7 =	vmovc v15  }
0x106: {  	v27 =	vadd.f32 $1.000000000e+00, v9;
	v28 =	vmax.f32 v1, $0.0e+00;
	v1 =	vmovc v4;
	v4 =	vmovc v34;
	v15 =	vsub.f32 $0.0e+00, v33  }
0x107: {  	v9 =	vmovc v18;
	v5 =	vmovc v33;
	v17 =	vsub.f32 $0.0e+00, v31;
	v19 =	vmin.f32 v4, v12;
	(erf) = vpow2.f32 v32  }
0x108: {  	v32 =	vadd.f32 $1.000000000e+00, v20;
	v18 =	vsub.f32 $0.0e+00, v8;
	v37 =	vmul.f32 $1.442695020e+00, v19  }
0x109: {  	v35 =	vadd.f32 $-1.000000000e+00, v11;
	v33 =	vmin.f32 v5, v15;
	v20 =	vmin.f32 v31, v17;
	v34 =	vpop (erf)  }
0x10a: {  	v39 =	vadd.f32 $-1.000000000e+00, v30;
	v11 =	vmovc v22;
	v38 =	vmul.f32 $1.442695020e+00, v20;
	v34 =	vmul.f32 v34, v32  }
0x10b: {  	v36 =	vadd.f32 $1.000000000e+00, v21;
	v22 =	vmin.f32 v8, v18;
	(erf) = vpow2.f32 v37;
	v19 =	vpop (erf)  }
0x10c: {  	v21 =	vmul.f32 $1.442695020e+00, v22;
	(erf) = vpow2.f32 v38;
	v22 =	vadd.f32 v34, v39;
	v20 =	vpop (erf)  }
0x10d: {  	v29 =	vadd.f32 $-1.000000000e+00, v29;
	v19 =	vmul.f32 v19, v36;
	v30 =	vpop (erf);
	v20 =	vmul.f32 v20, v23  }
0x10e: {  	v33 =	vmul.f32 $1.442695020e+00, v33;
	(erf) = vpow2.f32 v21;
	v21 =	vsub.f32 $0.0e+00, v22  }
0x10f: {  	v18 =	vmul.f32 $1.442695020e+00, v18;
	v19 =	vadd.f32 v19, v29;
	v29 =	vadd.f32 v20, v35  }
0x110: {  	(erf) = vpow2.f32 v33;
	v20 =	vmul.f32 $1.442695020e+00, v21;
	v21 =	vadd.f32 $-1.000000000e+00, v26;
	v26 =	vpop (erf)  }
0x111: {  	v33 =	vsub.f32 $0.0e+00, v19;
	v34 =	vsub.f32 $0.0e+00, v29;
	v26 =	vmul.f32 v26, v27  }
0x112: {  	v17 =	vmul.f32 $1.442695020e+00, v17;
	v19 =	vadd.f32 $-1.000000000e+00, v19;
	(erf) = vpow2.f32 v20  }
0x113: {  	v33 =	vmul.f32 $1.442695020e+00, v33;
	v34 =	vmul.f32 $1.442695020e+00, v34;
	v26 =	vadd.f32 v26, v21  }
0x114: {  	v35 =	vmul.f32 $1.442695020e+00, v15;
	(erf) = vpow2.f32 v18;
	v15 =	vpop (erf);
	v18 =	vadd.f32 $1.000000000e+00, v30  }
0x115: {  	v38 =	vmul.f32 $2.500000000e-01, v15;
	v20 =	vpop (erf);
	(erf) = vpow2.f32 v33;
	v30 =	vsub.f32 $0.0e+00, v26  }
0x116: {  	v37 =	vmax.f32 v2, $0.0e+00;
	v2 =	vmovc v6;
	v6 =	vmovc v31;
	v33 =	vmul.f32 $2.500000000e-01, v20;
	[tilespmem:s7+$0x108A0] =	vst v18;
	(erf) = vpow2.f32 v34;
	s7 =	smov.u32 s8  }
0x117: {  	v34 =	vsub.f32 $3.333333430e-01, v38;
	v21 =	vpop (erf);
	(erf) = vpow2.f32 v17;
	v17 =	vmul.f32 $1.442695020e+00, v30  }
0x118: {  	v30 =	vmul.f32 $2.500000000e-01, v21;
	v31 =	vsub.f32 $3.333333430e-01, v33;
	(erf) = vpow2.f32 v35  }
0x119: {  	v33 =	vmul.f32 v34, v15;
	v18 =	vpop (erf);
	v34 =	vadd.f32 $-1.000000000e+00, v10;
	(erf) = vpow2.f32 v17  }
0x11a: {  	v10 =	vmovc v22;
	v38 =	vsub.f32 $3.333333430e-01, v30;
	v30 =	vmul.f32 v31, v20;
	v35 =	vmul.f32 $2.500000000e-01, v18  }
0x11b: {  	v31 =	vmul.f32 v16, v9;
	v22 =	vadd.f32 $-5.000000000e-01, v33;
	v16 =	vpop (erf);
	v33 =	vadd.f32 $-1.000000000e+00, v26  }
0x11c: {  	v38 =	vmul.f32 v38, v21;
	v30 =	vadd.f32 $-5.000000000e-01, v30;
	v16 =	vmul.f32 v16, v32  }
0x11d: {  	v37 =	vadd.f32 v24, v37;
	v14 =	vadd.f32 v14, v34;
	v22 =	vmul.f32 v22, v15;
	v17 =	vpop (erf)  }
0x11e: {  	v29 =	vadd.f32 $-1.000000000e+00, v29;
	v32 =	vadd.f32 $-5.000000000e-01, v38;
	v30 =	vmul.f32 v30, v20;
	v26 =	vpop (erf)  }
0x11f: {  	v22 =	vadd.f32 $1.000000000e+00, v22;
	v26 =	vmul.f32 v26, v36;
	v36 =	vadd.f32 v14, v37;
	v34 =	vpop (erf)  }
0x120: {  	v32 =	vmul.f32 v32, v21;
	v30 =	vadd.f32 $1.000000000e+00, v30;
	v24 =	vpop (erf);
	v34 =	vmul.f32 v34, v23  }
0x121: {  	v35 =	vsub.f32 $3.333333430e-01, v35;
	v22 =	vmul.f32 v22, v15;
	v23 =	vpop (erf);
	v28 =	vadd.f32 v36, v28  }
.Ltmp0:
0x122: {  	v32 =	vadd.f32 $1.000000000e+00, v32;
	v30 =	vmul.f32 v30, v20;
	v34 =	vadd.f32 v34, v29;
	v14 =	vpop (erf);
	(pc) =	sbr.rel @p0 .LBB2_1-.Ltmp0, $4  }
0x123: {  	v35 =	vmul.f32 v35, v18;
	v36 =	vsub.f32 $0.0e+00, v22;
	v37 =	vmul.f32 v14, v27;
	v14 =	vmovc v16  }
0x124: {  	v29 =	vmul.f32 v32, v21;
	v38 =	vsub.f32 $0.0e+00, v30;
	v34 =	vadd.f32 v34, v28  }
0x125: {  	v16 =	vadd.f32 $-5.000000000e-01, v35;
	v27 =	vmul.f32 $1.442695020e+00, v36;
	v28 =	vadd.f32 v37, v33  }
0x126: {  	v32 =	vsub.f32 $0.0e+00, v29;
	v33 =	vmul.f32 $1.442695020e+00, v38;
	v25 =	vadd.f32 v34, v25  }
0x127: {  	v31 =	vadd.f32 $1.000000000e+00, v31;
	_ =	sdelay $0x1  }
0x128: {  	v31 =	vmul.f32 v31, v9  }
0x129: {  	v32 =	vmul.f32 $1.442695020e+00, v32  }
0x12a: {  	(erf) = vpow2.f32 v33;
	v61 =	vsub.f32 $0.0e+00, v31  }
0x12b: {  	v12 =	vmul.f32 $1.442695020e+00, v12;
	(erf) = vpow2.f32 v32  }
0x12c: {  	(erf) = vpow2.f32 v13;
	v62 =	vmul.f32 $1.442695020e+00, v61  }
0x12d: {  	(erf) = vpow2.f32 v12  }
0x12e: {  	(erf) = vpow2.f32 v62;
	_ =	sdelay $0x4  }
0x12f: {  	v63 =	vadd.f32 $1.000000000e+00, v20;
	v36 =	vadd.f32 $1.000000000e+00, v21;
	v35 =	vpop (erf)  }
0x130: {  	v37 =	vadd.f32 $-1.000000000e+00, v30;
	v7 =	vadd.f32 $1.000000000e+00, v7;
	v38 =	vpop (erf)  }
0x131: {  	v29 =	vadd.f32 $-1.000000000e+00, v29;
	v16 =	vmul.f32 v16, v18;
	v13 =	vmul.f32 v35, v63;
	v39 =	vpop (erf)  }
0x132: {  	v40 =	vadd.f32 $1.000000000e+00, v9;
	v11 =	vadd.f32 $-1.000000000e+00, v11;
	v30 =	vmul.f32 v38, v36;
	v41 =	vpop (erf)  }
0x133: {  	v16 =	vadd.f32 $1.000000000e+00, v16;
	v13 =	vadd.f32 v13, v37;
	v32 =	vmul.f32 v39, v7;
	v42 =	vpop (erf)  }
0x134: {  	v31 =	vadd.f32 $-1.000000000e+00, v31;
	v29 =	vadd.f32 v30, v29;
	v30 =	vmul.f32 v42, v40  }
0x135: {  	v43 =	vsub.f32 $0.0e+00, v13;
	v11 =	vadd.f32 v32, v11  }
0x136: {  	v44 =	vsub.f32 $0.0e+00, v29;
	v30 =	vadd.f32 v30, v31  }
0x137: {  	v33 =	vmul.f32 $1.442695020e+00, v43;
	v45 =	vsub.f32 $0.0e+00, v11  }
0x138: {  	v16 =	vmul.f32 v16, v18;
	v32 =	vmul.f32 $1.442695020e+00, v44;
	v46 =	vsub.f32 $0.0e+00, v30  }
0x139: {  	(erf) = vpow2.f32 v33;
	v31 =	vmul.f32 $1.442695020e+00, v45  }
0x13a: {  	(erf) = vpow2.f32 v32;
	v47 =	vmul.f32 $1.442695020e+00, v46  }
0x13b: {  	(erf) = vpow2.f32 v31  }
0x13c: {  	v48 =	vsub.f32 $0.0e+00, v16;
	(erf) = vpow2.f32 v47  }
0x13d: {  	(erf) = vpow2.f32 v27  }
0x13e: {  	v25 =	vadd.f32 v28, v25;
	v49 =	vmul.f32 $1.442695020e+00, v48  }
0x13f: {  	v3 =	vmax.f32 v3, $0.0e+00  }
0x140: {  	v19 =	vadd.f32 v26, v19;
	v3 =	vadd.f32 v3, v25;
	(erf) = vpow2.f32 v49;
	_ =	sdelay $0x1  }
0x141: {  	v3 =	vadd.f32 v19, v3;
	v50 =	vpop (erf)  }
0x142: {  	v51 =	vpop (erf)  }
0x143: {  	v10 =	vadd.f32 $-1.000000000e+00, v10;
	v52 =	vpop (erf)  }
0x144: {  	v2 =	vmax.f32 v2, $0.0e+00;
	v15 =	vadd.f32 $1.000000000e+00, v15;
	v53 =	vpop (erf)  }
0x145: {  	v10 =	vadd.f32 v14, v10;
	v2 =	vadd.f32 v3, v2;
	v3 =	vpop (erf)  }
0x146: {  	v54 =	vadd.f32 $-1.000000000e+00, v22;
	v3 =	vmul.f32 v3, v15  }
0x147: {  	v1 =	vmax.f32 v1, $0.0e+00;
	v55 =	vadd.f32 $1.000000000e+00, v18;
	v2 =	vadd.f32 v10, v2  }
0x148: {  	v11 =	vadd.f32 $-1.000000000e+00, v11;
	v7 =	vmul.f32 v52, v7;
	v56 =	vpop (erf);
	v3 =	vadd.f32 v3, v54  }
0x149: {  	v1 =	vadd.f32 v2, v1;
	v2 =	vadd.f32 $-1.000000000e+00, v16;
	v14 =	vmul.f32 v56, v55  }
0x14a: {  	v7 =	vadd.f32 v7, v11;
	v57 =	vsub.f32 $0.0e+00, v3  }
0x14b: {  	v58 =	vadd.f32 $-1.000000000e+00, v30;
	v2 =	vadd.f32 v14, v2  }
0x14c: {  	v9 =	vmul.f32 v53, v40;
	v1 =	vadd.f32 v7, v1;
	v7 =	vmul.f32 $1.442695020e+00, v57  }
0x14d: {  	v0 =	vmax.f32 v0, $0.0e+00;
	v59 =	vsub.f32 $0.0e+00, v2  }
0x14e: {  	v9 =	vadd.f32 v9, v58;
	v0 =	vadd.f32 v1, v0;
	(erf) = vpow2.f32 v7  }
0x14f: {  	v1 =	vmul.f32 $1.442695020e+00, v59  }
0x150: {  	v60 =	vmul.f32 v51, v36;
	v0 =	vadd.f32 v9, v0;
	v7 =	vadd.f32 $-1.000000000e+00, v29  }
0x151: {  	v8 =	vmax.f32 v8, $0.0e+00;
	(erf) = vpow2.f32 v1  }
0x152: {  	v0 =	vadd.f32 v8, v0;
	v1 =	vadd.f32 v60, v7  }
0x153: {  	v61 =	vadd.f32 $1.000000000e+00, v17  }
0x154: {  	v7 =	vmul.f32 v50, v63;
	v0 =	vadd.f32 v1, v0;
	v1 =	vadd.f32 $-1.000000000e+00, v13  }
0x155: {  	v6 =	vmax.f32 v6, $0.0e+00;
	v62 =	vadd.f32 $1.000000000e+00, v24;
	v3 =	vadd.f32 $-1.000000000e+00, v3  }
0x156: {  	v1 =	vadd.f32 v7, v1;
	v0 =	vadd.f32 v0, v6  }
0x157: {  	[tilespmem:s7+$0x10880] =	vst v61;
	v6 =	vadd.f32 $1.000000000e+00, v23;
	v63 =	vpop (erf)  }
0x158: {  	[tilespmem:s7+$0x10890] =	vst v62;
	v7 =	vadd.f32 $1.000000000e+00, v41;
	v0 =	vadd.f32 v1, v0;
	v1 =	vmul.f32 v63, v15  }
0x159: {  	v4 =	vmax.f32 v4, $0.0e+00;
	[tilespmem:s7+$0x108B0] =	vst v6  }
0x15a: {  	s31 =	simm.s32 $0x1;
	[tilespmem:s7+$0x108A0] =	vst v7;
	v0 =	vadd.f32 v0, v4;
	v1 =	vadd.f32 v1, v3;
	v3 =	vpop (erf)  }
0x15b: {  	_ =	swait.ge [sflag:s31], $0x2000  }
0x15c: {  	v2 =	vadd.f32 $-1.000000000e+00, v2;
	v3 =	vmul.f32 v3, v55;
	v0 =	vadd.f32 v1, v0;
	[sflag:s31] =	ssyncset.done $0x0  }
0x15d: {  	v1 =	vmax.f32 v5, $0.0e+00;
	[sflag:s31] =	ssyncadd.s32 $0xFFFFE000  }
0x15e: {  	v2 =	vadd.f32 v3, v2;
	v0 =	vadd.f32 v0, v1;
	_ =	swait.ge [sflag:s31], $0x2000  }
0x15f: {  	s8 =	simm.s32 $0x8000;
	s9 =	simm.s32 $0x10880;
	v4 =	vimm.f32 $0.0e+00;
	v5 =	vimm.f32 $0.0e+00;
	v3 =	vimm.f32 $0.0e+00;
	[sflag:s31] =	ssyncset.done $0x0  }
0x160: {  	s10 =	simm.s32 $0x0;
	s7 =	simm.s32 $0x0;
	v1 =	vadd.f32 v2, v0;
	[sflag:s31] =	ssyncadd.s32 $0xFFFFE000;
	v0 =	vimm.f32 $0.0e+00;
	v2 =	vimm.f32 $0.0e+00  }
.LBB2_3:
0x161: {  	s12 =	sand.u32 $0x40, s10;
	s11 =	sand.u32 $0x3C00, s7  }
0x162: {  	v6 =	vld [tilespmem:s9+$0x0];
	s14 =	sor.u32 s12, s11  }
0x163: {  	v7 =	vld [tilespmem:s14+$0x4000];
	_ =	sdelay $0x1  }
0x164: {  	v8 =	vld [tilespmem:s14+$0x4080]  }
0x165: {  	v9 =	vld [tilespmem:s14+$0x0]  }
0x166: {  	v10 =	vld [tilespmem:s14+$0x4100]  }
0x167: {  	v12 =	vld [tilespmem:s14+$0x4180];
	v7 =	vmul.f32 v7, v6  }
0x168: {  	v11 =	vld [tilespmem:s14+$0x80]  }
0x169: {  	vm0 =	vlt.f32 v7, $1.000000000e+00;
	v7 =	vmul.f32 v8, v6  }
0x16a: {  	v13 =	vld [tilespmem:s8+$0x0];
	v20 =	vsel vm0, $0x3F800000, v5  }
0x16b: {  	v14 =	vld [tilespmem:s14+$0x100];
	v21 =	vsel vm0, $0x186A1, v9;
	[tilespmem:s14+$0xC800] =	vst v20;
	vm1 =	vlt.f32 v7, $1.000000000e+00;
	v7 =	vmul.f32 v10, v6  }
0x16c: {  	v23 =	vld [tilespmem:s14+$0x180];
	[tilespmem:s14+$0x8800] =	vst v21;
	v6 =	vmul.f32 v12, v6;
	v22 =	vsel vm1, $0x3F800000, v5  }
0x16d: {  	v24 =	vsel vm1, $0x186A1, v11;
	[tilespmem:s14+$0xC880] =	vst v22;
	vm2 =	vlt.f32 v7, $1.000000000e+00  }
0x16e: {  	[tilespmem:s14+$0x8880] =	vst v24;
	vm3 =	vlt.f32 v6, $1.000000000e+00;
	v7 =	vsel vm2, $0x3F800000, v5  }
0x16f: {  	v6 =	vsel vm3, $0x3F800000, v5;
	[tilespmem:s14+$0xC900] =	vst v7  }
0x170: {  	v7 =	vsel vm2, $0x186A1, v14;
	[tilespmem:s14+$0xC980] =	vst v6  }
0x171: {  	s13 =	sand.u32 $0x780, s10;
	s15 =	sor.u32 $0x10, s12;
	v6 =	vsel vm3, $0x186A1, v23;
	[tilespmem:s14+$0x8900] =	vst v7  }
0x172: {  	s29 =	sor.u32 s13, s15;
	[tilespmem:s14+$0x8980] =	vst v6  }
0x173: {  	s15 =	sor.u32 s11, s15;
	v6 =	vld [tilespmem:s29+$0x10880]  }
0x174: {  	v7 =	vld [tilespmem:s15+$0x4000];
	_ =	sdelay $0x1  }
0x175: {  	v8 =	vld [tilespmem:s15+$0x4080]  }
0x176: {  	v25 =	vld [tilespmem:s15+$0x0]  }
0x177: {  	v26 =	vld [tilespmem:s15+$0x4100]  }
0x178: {  	v28 =	vld [tilespmem:s15+$0x4180];
	v7 =	vmul.f32 v7, v6  }
0x179: {  	v27 =	vld [tilespmem:s15+$0x80]  }
0x17a: {  	vm4 =	vlt.f32 v7, $1.000000000e+00;
	v7 =	vmul.f32 v8, v6  }
0x17b: {  	v29 =	vld [tilespmem:s29+$0x8000];
	v30 =	vsel vm4, $0x3F800000, v5  }
0x17c: {  	v15 =	vld [tilespmem:s15+$0x100];
	v31 =	vsel vm4, $0x186A1, v25;
	[tilespmem:s15+$0xC800] =	vst v30;
	vm5 =	vlt.f32 v7, $1.000000000e+00;
	v7 =	vmul.f32 v26, v6  }
0x17d: {  	v33 =	vld [tilespmem:s15+$0x180];
	[tilespmem:s15+$0x8800] =	vst v31;
	v6 =	vmul.f32 v28, v6;
	v32 =	vsel vm5, $0x3F800000, v5  }
0x17e: {  	v34 =	vsel vm5, $0x186A1, v27;
	[tilespmem:s15+$0xC880] =	vst v32;
	vm6 =	vlt.f32 v7, $1.000000000e+00  }
0x17f: {  	[tilespmem:s15+$0x8880] =	vst v34;
	vm7 =	vlt.f32 v6, $1.000000000e+00;
	v7 =	vsel vm6, $0x3F800000, v5  }
0x180: {  	v6 =	vsel vm7, $0x3F800000, v5;
	[tilespmem:s15+$0xC900] =	vst v7  }
0x181: {  	v7 =	vsel vm6, $0x186A1, v15;
	[tilespmem:s15+$0xC980] =	vst v6  }
0x182: {  	s30 =	sor.u32 $0x20, s12;
	v6 =	vsel vm7, $0x186A1, v33;
	[tilespmem:s15+$0x8900] =	vst v7  }
0x183: {  	s31 =	sor.u32 s13, s30;
	[tilespmem:s15+$0x8980] =	vst v6  }
0x184: {  	s14 =	sor.u32 s11, s30;
	v6 =	vld [tilespmem:s31+$0x10880]  }
0x185: {  	v7 =	vld [tilespmem:s14+$0x4000];
	_ =	sdelay $0x1  }
0x186: {  	v8 =	vld [tilespmem:s14+$0x4080]  }
0x187: {  	v35 =	vld [tilespmem:s14+$0x0]  }
0x188: {  	v36 =	vld [tilespmem:s14+$0x4100]  }
0x189: {  	v38 =	vld [tilespmem:s14+$0x4180];
	v7 =	vmul.f32 v7, v6  }
0x18a: {  	v37 =	vld [tilespmem:s14+$0x80]  }
0x18b: {  	vm8 =	vlt.f32 v7, $1.000000000e+00;
	v7 =	vmul.f32 v8, v6  }
0x18c: {  	v39 =	vld [tilespmem:s31+$0x8000];
	v40 =	vsel vm8, $0x3F800000, v5  }
0x18d: {  	v16 =	vld [tilespmem:s14+$0x100];
	v41 =	vsel vm8, $0x186A1, v35;
	[tilespmem:s14+$0xC800] =	vst v40;
	vm9 =	vlt.f32 v7, $1.000000000e+00;
	v7 =	vmul.f32 v36, v6  }
0x18e: {  	v43 =	vld [tilespmem:s14+$0x180];
	[tilespmem:s14+$0x8800] =	vst v41;
	v6 =	vmul.f32 v38, v6;
	v42 =	vsel vm9, $0x3F800000, v5  }
0x18f: {  	v44 =	vsel vm9, $0x186A1, v37;
	[tilespmem:s14+$0xC880] =	vst v42;
	vm10 =	vlt.f32 v7, $1.000000000e+00  }
0x190: {  	[tilespmem:s14+$0x8880] =	vst v44;
	vm11 =	vlt.f32 v6, $1.000000000e+00;
	v7 =	vsel vm10, $0x3F800000, v5  }
0x191: {  	v6 =	vsel vm11, $0x3F800000, v5;
	[tilespmem:s14+$0xC900] =	vst v7  }
0x192: {  	v7 =	vsel vm10, $0x186A1, v16;
	[tilespmem:s14+$0xC980] =	vst v6  }
0x193: {  	s12 =	sor.u32 $0x30, s12;
	v6 =	vsel vm11, $0x186A1, v43;
	[tilespmem:s14+$0x8900] =	vst v7  }
0x194: {  	s13 =	sor.u32 s13, s12;
	[tilespmem:s14+$0x8980] =	vst v6  }
0x195: {  	s11 =	sor.u32 s11, s12;
	v6 =	vld [tilespmem:s13+$0x10880]  }
0x196: {  	v45 =	vnsel vm1, $0x0, v13;
	v8 =	vld [tilespmem:s11+$0x4000]  }
0x197: {  	v3 =	vadd.f32 v45, v3;
	v46 =	vnsel vm2, $0x0, v13;
	v7 =	vnsel vm0, $0x0, v13;
	v18 =	vld [tilespmem:s11+$0x4080]  }
0x198: {  	v47 =	vnsel vm3, $0x0, v13;
	v2 =	vadd.f32 v46, v2;
	v4 =	vadd.f32 v7, v4;
	v7 =	vld [tilespmem:s11+$0x0]  }
0x199: {  	v0 =	vadd.f32 v47, v0;
	v49 =	vnsel vm4, $0x0, v29;
	v50 =	vnsel vm5, $0x0, v29;
	v51 =	vld [tilespmem:s11+$0x4100]  }
0x19a: {  	v3 =	vadd.f32 v50, v3;
	v17 =	vnsel vm6, $0x0, v29;
	v14 =	vnsel vm7, $0x0, v29;
	v52 =	vld [tilespmem:s11+$0x80]  }
0x19b: {  	v2 =	vadd.f32 v17, v2;
	v20 =	vnsel vm9, $0x0, v39;
	v54 =	vld [tilespmem:s11+$0x4180];
	v8 =	vmul.f32 v8, v6  }
0x19c: {  	v0 =	vadd.f32 v14, v0;
	v19 =	vnsel vm8, $0x0, v39;
	v3 =	vadd.f32 v20, v3  }
0x19d: {  	v53 =	vnsel vm10, $0x0, v39;
	v57 =	vld [tilespmem:s11+$0x100];
	v55 =	vmul.f32 v18, v6;
	vm12 =	vlt.f32 v8, $1.000000000e+00  }
0x19e: {  	v15 =	vnsel vm11, $0x0, v39;
	v48 =	vld [tilespmem:s13+$0x8000];
	v59 =	vmul.f32 v51, v6;
	v56 =	vsel vm12, $0x3F800000, v5  }
0x19f: {  	v4 =	vadd.f32 v49, v4;
	vm13 =	vlt.f32 v55, $1.000000000e+00;
	v7 =	vsel vm12, $0x186A1, v7;
	[tilespmem:s11+$0xC800] =	vst v56  }
0x1a0: {  	v61 =	vld [tilespmem:s11+$0x180];
	v6 =	vmul.f32 v54, v6;
	vm14 =	vlt.f32 v59, $1.000000000e+00;
	v60 =	vsel vm13, $0x186A1, v52;
	[tilespmem:s11+$0x8800] =	vst v7  }
0x1a1: {  	p0 =	sne.s32 s10, $0x7C0;
	v2 =	vadd.f32 v53, v2;
	v0 =	vadd.f32 v15, v0;
	v8 =	vsel vm14, $0x3F800000, v5;
	[tilespmem:s11+$0x8880] =	vst v60  }
.Ltmp1:
0x1a2: {  	v4 =	vadd.f32 v19, v4;
	vm15 =	vlt.f32 v6, $1.000000000e+00;
	v62 =	vsel vm14, $0x186A1, v57;
	[tilespmem:s11+$0xC900] =	vst v8;
	(pc) =	sbr.rel @p0 .LBB2_3-.Ltmp1, $4  }
0x1a3: {  	v58 =	vnsel vm12, $0x0, v48;
	v63 =	vnsel vm14, $0x0, v48;
	v7 =	vsel vm13, $0x3F800000, v5;
	[tilespmem:s11+$0x8900] =	vst v62  }
0x1a4: {  	v6 =	vsel vm15, $0x3F800000, v5;
	v4 =	vadd.f32 v58, v4;
	[tilespmem:s11+$0xC880] =	vst v7;
	v7 =	vnsel vm13, $0x0, v48  }
0x1a5: {  	s7 =	sadd.s32 $0x200, s7;
	[tilespmem:s11+$0xC980] =	vst v6;
	v6 =	vsel vm15, $0x186A1, v61;
	v3 =	vadd.f32 v7, v3;
	v7 =	vnsel vm15, $0x0, v48  }
0x1a6: {  	s8 =	sadd.s32 $0x40, s8;
	s9 =	sadd.s32 $0x40, s9;
	s10 =	sadd.s32 $0x40, s10;
	v2 =	vadd.f32 v63, v2;
	[tilespmem:s11+$0x8980] =	vst v6;
	v0 =	vadd.f32 v7, v0  }
0x1a7: {  	s8 =	sadd.s32 s4, s6;
	s7 =	simm.s32 $0x0;
	s9 =	simm.s32 $0x8800  }
0x1a8: {  	[hbm4b:s8+s7] =	stream.linear.scatter [tilespmem:s9], [sflag:$0x3], $0x200, $0x38;
	[tilespmem:$0x11080] =	vst v63  }
0x1a9: {  	s10 =	simm.s32 $0x8C00;
	s18 =	sadd.s32 $0x80, s8  }
0x1aa: {  	[hbm4b:s18+s7] =	stream.linear.scatter [tilespmem:s10], [sflag:$0x3], $0x200, $0x38;
	[tilespmem:$0x11080] =	vst v63  }
0x1ab: {  	s20 =	simm.s32 $0x9000;
	s19 =	sadd.s32 $0x100, s8  }
0x1ac: {  	[hbm4b:s19+s7] =	stream.linear.scatter [tilespmem:s20], [sflag:$0x3], $0x200, $0x38;
	[tilespmem:$0x11080] =	vst v63  }
0x1ad: {  	s22 =	simm.s32 $0x9400;
	s21 =	sadd.s32 $0x180, s8  }
0x1ae: {  	[hbm4b:s21+s7] =	stream.linear.scatter [tilespmem:s22], [sflag:$0x3], $0x200, $0x38;
	[tilespmem:$0x11080] =	vst v63  }
0x1af: {  	s24 =	simm.s32 $0x9800;
	s23 =	sadd.s32 $0x200, s8  }
0x1b0: {  	[hbm4b:s23+s7] =	stream.linear.scatter [tilespmem:s24], [sflag:$0x3], $0x200, $0x38;
	[tilespmem:$0x11080] =	vst v63  }
0x1b1: {  	s26 =	simm.s32 $0x9C00;
	s25 =	sadd.s32 $0x280, s8  }
0x1b2: {  	[hbm4b:s25+s7] =	stream.linear.scatter [tilespmem:s26], [sflag:$0x3], $0x200, $0x38;
	[tilespmem:$0x11080] =	vst v63  }
0x1b3: {  	s29 =	simm.s32 $0xA000;
	s28 =	sadd.s32 $0x300, s8  }
0x1b4: {  	[hbm4b:s28+s7] =	stream.linear.scatter [tilespmem:s29], [sflag:$0x3], $0x200, $0x38;
	[tilespmem:$0x11080] =	vst v63  }
0x1b5: {  	s31 =	simm.s32 $0xA400;
	s30 =	sadd.s32 $0x380, s8  }
0x1b6: {  	[hbm4b:s30+s7] =	stream.linear.scatter [tilespmem:s31], [sflag:$0x3], $0x200, $0x38;
	[tilespmem:$0x11080] =	vst v63  }
0x1b7: {  	s12 =	simm.s32 $0xA800;
	s11 =	sadd.s32 $0x400, s8  }
0x1b8: {  	[hbm4b:s11+s7] =	stream.linear.scatter [tilespmem:s12], [sflag:$0x3], $0x200, $0x38;
	[tilespmem:$0x11080] =	vst v63  }
0x1b9: {  	s14 =	simm.s32 $0xAC00;
	s13 =	sadd.s32 $0x480, s8  }
0x1ba: {  	[hbm4b:s13+s7] =	stream.linear.scatter [tilespmem:s14], [sflag:$0x3], $0x200, $0x38;
	[tilespmem:$0x11080] =	vst v63  }
0x1bb: {  	s16 =	simm.s32 $0xB000;
	s15 =	sadd.s32 $0x500, s8  }
0x1bc: {  	[hbm4b:s15+s7] =	stream.linear.scatter [tilespmem:s16], [sflag:$0x3], $0x200, $0x38;
	[tilespmem:$0x11080] =	vst v63  }
0x1bd: {  	s17 =	sadd.s32 $0x580, s8;
	s18 =	simm.s32 $0xB400  }
0x1be: {  	[hbm4b:s17+s7] =	stream.linear.scatter [tilespmem:s18], [sflag:$0x3], $0x200, $0x38;
	[tilespmem:$0x11080] =	vst v63  }
0x1bf: {  	s19 =	sadd.s32 $0x600, s8;
	s20 =	simm.s32 $0xB800  }
0x1c0: {  	[hbm4b:s19+s7] =	stream.linear.scatter [tilespmem:s20], [sflag:$0x3], $0x200, $0x38;
	[tilespmem:$0x11080] =	vst v63  }
0x1c1: {  	s21 =	sadd.s32 $0x680, s8;
	s22 =	simm.s32 $0xBC00  }
0x1c2: {  	[hbm4b:s21+s7] =	stream.linear.scatter [tilespmem:s22], [sflag:$0x3], $0x200, $0x38;
	[tilespmem:$0x11080] =	vst v63  }
0x1c3: {  	s23 =	sadd.s32 $0x700, s8;
	s24 =	simm.s32 $0xC000  }
0x1c4: {  	[hbm4b:s23+s7] =	stream.linear.scatter [tilespmem:s24], [sflag:$0x3], $0x200, $0x38;
	[tilespmem:$0x11080] =	vst v63  }
0x1c5: {  	s8 =	sadd.s32 $0x780, s8;
	s25 =	simm.s32 $0xC400  }
0x1c6: {  	[hbm4b:s8+s7] =	stream.linear.scatter [tilespmem:s25], [sflag:$0x3], $0x200, $0x38;
	[tilespmem:$0x11080] =	vst v63  }
0x1c7: {  	s6 =	sadd.s32 s3, s6;
	s26 =	simm.s32 $0xC800  }
0x1c8: {  	[hbm4b:s6+s7] =	stream.linear.scatter [tilespmem:s26], [sflag:$0x3], $0x200, $0x38;
	[tilespmem:$0x11080] =	vst v63  }
0x1c9: {  	s28 =	sadd.s32 $0x80, s6;
	s29 =	simm.s32 $0xCC00  }
0x1ca: {  	[hbm4b:s28+s7] =	stream.linear.scatter [tilespmem:s29], [sflag:$0x3], $0x200, $0x38;
	[tilespmem:$0x11080] =	vst v63  }
0x1cb: {  	s30 =	sadd.s32 $0x100, s6;
	s31 =	simm.s32 $0xD000  }
0x1cc: {  	[hbm4b:s30+s7] =	stream.linear.scatter [tilespmem:s31], [sflag:$0x3], $0x200, $0x38;
	[tilespmem:$0x11080] =	vst v63  }
0x1cd: {  	s9 =	sadd.s32 $0x180, s6;
	s10 =	simm.s32 $0xD400  }
0x1ce: {  	[hbm4b:s9+s7] =	stream.linear.scatter [tilespmem:s10], [sflag:$0x3], $0x200, $0x38;
	[tilespmem:$0x11080] =	vst v63  }
0x1cf: {  	s11 =	sadd.s32 $0x200, s6;
	s12 =	simm.s32 $0xD800  }
0x1d0: {  	[hbm4b:s11+s7] =	stream.linear.scatter [tilespmem:s12], [sflag:$0x3], $0x200, $0x38;
	[tilespmem:$0x11080] =	vst v63  }
0x1d1: {  	s13 =	sadd.s32 $0x280, s6;
	s14 =	simm.s32 $0xDC00  }
0x1d2: {  	[hbm4b:s13+s7] =	stream.linear.scatter [tilespmem:s14], [sflag:$0x3], $0x200, $0x38;
	[tilespmem:$0x11080] =	vst v63  }
0x1d3: {  	s15 =	sadd.s32 $0x300, s6;
	s16 =	simm.s32 $0xE000  }
0x1d4: {  	[hbm4b:s15+s7] =	stream.linear.scatter [tilespmem:s16], [sflag:$0x3], $0x200, $0x38;
	[tilespmem:$0x11080] =	vst v63  }
0x1d5: {  	s17 =	sadd.s32 $0x380, s6;
	s18 =	simm.s32 $0xE400  }
0x1d6: {  	[hbm4b:s17+s7] =	stream.linear.scatter [tilespmem:s18], [sflag:$0x3], $0x200, $0x38;
	[tilespmem:$0x11080] =	vst v63  }
0x1d7: {  	s19 =	sadd.s32 $0x400, s6;
	s20 =	simm.s32 $0xE800  }
0x1d8: {  	[hbm4b:s19+s7] =	stream.linear.scatter [tilespmem:s20], [sflag:$0x3], $0x200, $0x38;
	[tilespmem:$0x11080] =	vst v63  }
0x1d9: {  	s21 =	sadd.s32 $0x480, s6;
	s22 =	simm.s32 $0xEC00  }
0x1da: {  	[hbm4b:s21+s7] =	stream.linear.scatter [tilespmem:s22], [sflag:$0x3], $0x200, $0x38;
	[tilespmem:$0x11080] =	vst v63  }
0x1db: {  	s23 =	sadd.s32 $0x500, s6;
	s24 =	simm.s32 $0xF000  }
0x1dc: {  	[hbm4b:s23+s7] =	stream.linear.scatter [tilespmem:s24], [sflag:$0x3], $0x200, $0x38;
	[tilespmem:$0x11080] =	vst v63  }
0x1dd: {  	s25 =	sadd.s32 $0x580, s6;
	s26 =	simm.s32 $0xF400  }
0x1de: {  	[hbm4b:s25+s7] =	stream.linear.scatter [tilespmem:s26], [sflag:$0x3], $0x200, $0x38;
	[tilespmem:$0x11080] =	vst v63  }
0x1df: {  	s28 =	sadd.s32 $0x600, s6;
	s29 =	simm.s32 $0xF800  }
0x1e0: {  	[hbm4b:s28+s7] =	stream.linear.scatter [tilespmem:s29], [sflag:$0x3], $0x200, $0x38;
	[tilespmem:$0x11080] =	vst v63  }
0x1e1: {  	s30 =	sadd.s32 $0x680, s6;
	s31 =	simm.s32 $0xFC00  }
0x1e2: {  	[hbm4b:s30+s7] =	stream.linear.scatter [tilespmem:s31], [sflag:$0x3], $0x200, $0x38;
	[tilespmem:$0x11080] =	vst v63  }
0x1e3: {  	s10 =	sadd.s32 $0x700, s6;
	s11 =	simm.s32 $0x10000  }
0x1e4: {  	[hbm4b:s10+s7] =	stream.linear.scatter [tilespmem:s11], [sflag:$0x3], $0x200, $0x38;
	[tilespmem:$0x11080] =	vst v63  }
0x1e5: {  	s6 =	sadd.s32 $0x780, s6;
	s12 =	simm.s32 $0x10400;
	s13 =	simm.s32 $0x2  }
0x1e6: {  	[hbm4b:s6+s7] =	stream.linear.scatter [tilespmem:s12], [sflag:$0x3], $0x200, $0x38;
	[tilespmem:$0x11080] =	vst v63  }
0x1e7: {  	_ =	swait.ge [sflag:s13], $0x2000  }
0x1e8: {  	[sflag:s13] =	ssyncset.done $0x0  }
0x1e9: {  	s14 =	simm.s32 $0x1;
	[sflag:s13] =	ssyncadd.s32 $0xFFFFE000  }
0x1ea: {  	_ =	swait.ge [sflag:s13], $0x2000;
	[dreg:$0x7] =	wrdreg s14  }
0x1eb: {  	p0 =	por $0x0, $0x0;
	s8 =	rddreg [dreg:$0x7]  }
0x1ec: {  	s8 =	simm.s32 @!p0 $0x0  }
0x1ed: {  	[sflag:s13] =	ssyncset.done $0x0;
	s8 =	sshll.u32 s8, $0x6  }
0x1ee: {  	s16 =	simm.s32 $0x10880;
	[sflag:s13] =	ssyncadd.s32 $0xFFFFE000;
	s8 =	sadd.s32 $0x0, s8  }
0x1ef: {  	v6 =	vld [tilespmem:s16+$0x0];
	s15 =	sor.u32 $0x200, s8  }
0x1f0: {  	v5 =	vld [tilespmem:s15+$0x4000];
	_ =	sdelay $0x3  }
0x1f1: {  	v7 =	vld [tilespmem:s15+$0x0]  }
0x1f2: {  	v5 =	vmul.f32 v5, v6;
	_ =	sdelay $0x1  }
0x1f3: {  	v10 =	vimm.f32 $0.0e+00;
	vm0 =	vlt.f32 v5, $1.000000000e+00  }
0x1f4: {  	s6 =	simm.s32 $0x8000;
	v8 =	vsel vm0, $0x3F800000, v10  }
0x1f5: {  	v5 =	vld [tilespmem:s6+$0x0];
	v7 =	vsel vm0, $0x186A1, v7;
	[tilespmem:s15+$0xC800] =	vst v8  }
0x1f6: {  	s17 =	sor.u32 $0x280, s8;
	[tilespmem:s15+$0x8800] =	vst v7  }
0x1f7: {  	v7 =	vld [tilespmem:s17+$0x4000];
	_ =	sdelay $0x3  }
0x1f8: {  	v8 =	vld [tilespmem:s17+$0x0]  }
0x1f9: {  	v7 =	vmul.f32 v7, v6;
	_ =	sdelay $0x1  }
0x1fa: {  	vm1 =	vlt.f32 v7, $1.000000000e+00  }
0x1fb: {  	v7 =	vsel vm1, $0x3F800000, v10  }
0x1fc: {  	v8 =	vsel vm1, $0x186A1, v8;
	[tilespmem:s17+$0xC800] =	vst v7  }
0x1fd: {  	s18 =	sor.u32 $0x300, s8;
	[tilespmem:s17+$0x8800] =	vst v8  }
0x1fe: {  	v7 =	vld [tilespmem:s18+$0x4000];
	_ =	sdelay $0x3  }
0x1ff: {  	v8 =	vld [tilespmem:s18+$0x0]  }
0x200: {  	v7 =	vmul.f32 v7, v6;
	_ =	sdelay $0x1  }
0x201: {  	vm2 =	vlt.f32 v7, $1.000000000e+00  }
0x202: {  	v7 =	vsel vm2, $0x3F800000, v10  }
0x203: {  	v8 =	vsel vm2, $0x186A1, v8;
	[tilespmem:s18+$0xC800] =	vst v7  }
0x204: {  	s19 =	sor.u32 $0x380, s8;
	[tilespmem:s18+$0x8800] =	vst v8  }
0x205: {  	v7 =	vld [tilespmem:s19+$0x4000];
	_ =	sdelay $0x3  }
0x206: {  	v8 =	vld [tilespmem:s19+$0x0]  }
0x207: {  	v6 =	vmul.f32 v7, v6;
	_ =	sdelay $0x1  }
0x208: {  	vm3 =	vlt.f32 v6, $1.000000000e+00  }
0x209: {  	v6 =	vsel vm3, $0x3F800000, v10  }
0x20a: {  	v7 =	vsel vm3, $0x186A1, v8;
	[tilespmem:s19+$0xC800] =	vst v6  }
0x20b: {  	s21 =	sand.u32 $0x7C0, s7;
	s20 =	sadd.s32 $0x10, s8;
	[tilespmem:s19+$0x8800] =	vst v7  }
0x20c: {  	s11 =	sor.u32 $0x200, s20;
	v6 =	vld [tilespmem:s21+$0x10890]  }
0x20d: {  	v7 =	vld [tilespmem:s11+$0x4000];
	_ =	sdelay $0x3  }
0x20e: {  	v8 =	vld [tilespmem:s11+$0x0]  }
0x20f: {  	v7 =	vmul.f32 v7, v6;
	_ =	sdelay $0x1  }
0x210: {  	vm4 =	vlt.f32 v7, $1.000000000e+00  }
0x211: {  	v9 =	vsel vm4, $0x3F800000, v10  }
0x212: {  	v7 =	vld [tilespmem:s21+$0x8010];
	v8 =	vsel vm4, $0x186A1, v8;
	[tilespmem:s11+$0xC800] =	vst v9  }
0x213: {  	s22 =	sor.u32 $0x280, s20;
	[tilespmem:s11+$0x8800] =	vst v8  }
0x214: {  	v8 =	vld [tilespmem:s22+$0x4000];
	_ =	sdelay $0x3  }
0x215: {  	v9 =	vld [tilespmem:s22+$0x0]  }
0x216: {  	v8 =	vmul.f32 v8, v6;
	_ =	sdelay $0x1  }
0x217: {  	vm5 =	vlt.f32 v8, $1.000000000e+00  }
0x218: {  	v8 =	vsel vm5, $0x3F800000, v10  }
0x219: {  	v9 =	vsel vm5, $0x186A1, v9;
	[tilespmem:s22+$0xC800] =	vst v8  }
0x21a: {  	s23 =	sor.u32 $0x300, s20;
	[tilespmem:s22+$0x8800] =	vst v9  }
0x21b: {  	v8 =	vld [tilespmem:s23+$0x4000];
	_ =	sdelay $0x3  }
0x21c: {  	v9 =	vld [tilespmem:s23+$0x0]  }
0x21d: {  	v8 =	vmul.f32 v8, v6;
	_ =	sdelay $0x1  }
0x21e: {  	vm6 =	vlt.f32 v8, $1.000000000e+00  }
0x21f: {  	v8 =	vsel vm6, $0x3F800000, v10  }
0x220: {  	v9 =	vsel vm6, $0x186A1, v9;
	[tilespmem:s23+$0xC800] =	vst v8  }
0x221: {  	s10 =	sor.u32 $0x380, s20;
	[tilespmem:s23+$0x8800] =	vst v9  }
0x222: {  	v8 =	vld [tilespmem:s10+$0x4000];
	_ =	sdelay $0x3  }
0x223: {  	v9 =	vld [tilespmem:s10+$0x0]  }
0x224: {  	v6 =	vmul.f32 v8, v6;
	_ =	sdelay $0x1  }
0x225: {  	vm7 =	vlt.f32 v6, $1.000000000e+00  }
0x226: {  	v6 =	vsel vm7, $0x3F800000, v10  }
0x227: {  	v8 =	vsel vm7, $0x186A1, v9;
	[tilespmem:s10+$0xC800] =	vst v6  }
0x228: {  	s24 =	sadd.s32 $0x20, s8;
	[tilespmem:s10+$0x8800] =	vst v8  }
0x229: {  	s25 =	sor.u32 $0x200, s24;
	v6 =	vld [tilespmem:s21+$0x108A0]  }
0x22a: {  	v8 =	vld [tilespmem:s25+$0x4000];
	_ =	sdelay $0x3  }
0x22b: {  	v9 =	vld [tilespmem:s25+$0x0]  }
0x22c: {  	v8 =	vmul.f32 v8, v6;
	_ =	sdelay $0x1  }
0x22d: {  	vm8 =	vlt.f32 v8, $1.000000000e+00  }
0x22e: {  	v11 =	vsel vm8, $0x3F800000, v10  }
0x22f: {  	v8 =	vld [tilespmem:s21+$0x8020];
	v9 =	vsel vm8, $0x186A1, v9;
	[tilespmem:s25+$0xC800] =	vst v11  }
0x230: {  	s26 =	sor.u32 $0x280, s24;
	[tilespmem:s25+$0x8800] =	vst v9  }
0x231: {  	v9 =	vld [tilespmem:s26+$0x4000];
	_ =	sdelay $0x3  }
0x232: {  	v11 =	vld [tilespmem:s26+$0x0]  }
0x233: {  	v9 =	vmul.f32 v9, v6;
	_ =	sdelay $0x1  }
0x234: {  	vm9 =	vlt.f32 v9, $1.000000000e+00  }
0x235: {  	v9 =	vsel vm9, $0x3F800000, v10  }
0x236: {  	v11 =	vsel vm9, $0x186A1, v11;
	[tilespmem:s26+$0xC800] =	vst v9  }
0x237: {  	s28 =	sor.u32 $0x300, s24;
	[tilespmem:s26+$0x8800] =	vst v11  }
0x238: {  	v9 =	vld [tilespmem:s28+$0x4000];
	_ =	sdelay $0x3  }
0x239: {  	v11 =	vld [tilespmem:s28+$0x0]  }
0x23a: {  	v9 =	vmul.f32 v9, v6;
	_ =	sdelay $0x1  }
0x23b: {  	vm10 =	vlt.f32 v9, $1.000000000e+00  }
0x23c: {  	v9 =	vsel vm10, $0x3F800000, v10  }
0x23d: {  	v11 =	vsel vm10, $0x186A1, v11;
	[tilespmem:s28+$0xC800] =	vst v9  }
0x23e: {  	s29 =	sor.u32 $0x380, s24;
	[tilespmem:s28+$0x8800] =	vst v11  }
0x23f: {  	v9 =	vld [tilespmem:s29+$0x4000];
	_ =	sdelay $0x3  }
0x240: {  	v11 =	vld [tilespmem:s29+$0x0]  }
0x241: {  	v6 =	vmul.f32 v9, v6;
	_ =	sdelay $0x1  }
0x242: {  	vm11 =	vlt.f32 v6, $1.000000000e+00  }
0x243: {  	v6 =	vsel vm11, $0x3F800000, v10  }
0x244: {  	v9 =	vsel vm11, $0x186A1, v11;
	[tilespmem:s29+$0xC800] =	vst v6  }
0x245: {  	s8 =	sadd.s32 $0x30, s8;
	[tilespmem:s29+$0x8800] =	vst v9  }
0x246: {  	s30 =	sor.u32 $0x200, s8;
	v21 =	vld [tilespmem:s21+$0x108B0]  }
0x247: {  	v6 =	vld [tilespmem:s30+$0x4000];
	_ =	sdelay $0x3  }
0x248: {  	v9 =	vld [tilespmem:s30+$0x0]  }
0x249: {  	v6 =	vmul.f32 v6, v21;
	_ =	sdelay $0x1  }
0x24a: {  	vm12 =	vlt.f32 v6, $1.000000000e+00  }
0x24b: {  	v6 =	vsel vm12, $0x3F800000, v10  }
0x24c: {  	v14 =	vld [tilespmem:s21+$0x8030];
	[tilespmem:s30+$0xC800] =	vst v6;
	v6 =	vsel vm12, $0x186A1, v9  }
0x24d: {  	s31 =	sor.u32 $0x280, s8;
	[tilespmem:s30+$0x8800] =	vst v6  }
0x24e: {  	v6 =	vld [tilespmem:s31+$0x4000]  }
0x24f: {  	v15 =	vnsel vm1, $0x0, v5  }
0x250: {  	v15 =	vadd.f32 v15, v10  }
0x251: {  	v12 =	vnsel vm0, $0x0, v5;
	v16 =	vnsel vm5, $0x0, v7  }
0x252: {  	v17 =	vadd.f32 v12, v10;
	v15 =	vadd.f32 v16, v15;
	v11 =	vnsel vm2, $0x0, v5;
	v18 =	vld [tilespmem:s31+$0x0]  }
0x253: {  	v9 =	vnsel vm3, $0x0, v5;
	v5 =	vnsel vm4, $0x0, v7;
	v6 =	vmul.f32 v6, v21  }
0x254: {  	v13 =	vnsel vm6, $0x0, v7;
	v12 =	vnsel vm7, $0x0, v7;
	v5 =	vadd.f32 v5, v17  }
0x255: {  	v16 =	vnsel vm10, $0x0, v8;
	v7 =	vnsel vm8, $0x0, v8;
	vm15 =	vlt.f32 v6, $1.000000000e+00  }
0x256: {  	v17 =	vnsel vm9, $0x0, v8;
	v5 =	vadd.f32 v7, v5;
	v6 =	vsel vm15, $0x3F800000, v10  }
0x257: {  	v17 =	vadd.f32 v17, v15;
	v7 =	vnsel vm12, $0x0, v14;
	v18 =	vsel vm15, $0x186A1, v18;
	[tilespmem:s31+$0xC800] =	vst v6  }
0x258: {  	s11 =	sor.u32 $0x300, s8;
	v15 =	vnsel vm11, $0x0, v8;
	v8 =	vadd.f32 v7, v5;
	v5 =	vnsel vm15, $0x0, v14;
	[tilespmem:s31+$0x8800] =	vst v18  }
0x259: {  	s9 =	simm.s32 $0x200;
	s10 =	simm.s32 $0x108C0;
	v7 =	vimm.f32 $0.0e+00;
	v6 =	vadd.f32 v5, v17;
	v5 =	vimm.f32 $0.0e+00;
	v17 =	vld [tilespmem:s11+$0x4000]  }
.LBB2_5:
0x25a: {  	_ =	sdelay $0x2  }
0x25b: {  	v18 =	vld [tilespmem:s11+$0x0]  }
0x25c: {  	v7 =	vadd.f32 v11, v7;
	v11 =	vmul.f32 v17, v21;
	_ =	sdelay $0x1  }
0x25d: {  	vm0 =	vlt.f32 v11, $1.000000000e+00  }
0x25e: {  	v11 =	vsel vm0, $0x3F800000, v10  }
0x25f: {  	[tilespmem:s11+$0xC800] =	vst v11;
	v11 =	vsel vm0, $0x186A1, v18  }
0x260: {  	s8 =	sor.u32 $0x380, s8;
	[tilespmem:s11+$0x8800] =	vst v11  }
0x261: {  	v7 =	vadd.f32 v13, v7;
	v11 =	vld [tilespmem:s8+$0x4000];
	_ =	sdelay $0x1  }
0x262: {  	v7 =	vadd.f32 v16, v7  }
0x263: {  	v13 =	vnsel vm0, $0x0, v14  }
0x264: {  	v7 =	vadd.f32 v13, v7;
	v13 =	vld [tilespmem:s8+$0x0]  }
0x265: {  	v5 =	vadd.f32 v9, v5;
	v9 =	vmul.f32 v11, v21  }
0x266: {  	p0 =	por !p0, !p0;
	s11 =	rddreg [dreg:$0x7]  }
0x267: {  	s11 =	simm.s32 @!p0 $0x0;
	vm13 =	vlt.f32 v9, $1.000000000e+00  }
0x268: {  	s12 =	smov.u32 s9;
	v5 =	vadd.f32 v12, v5;
	s11 =	sshll.u32 s11, $0x6;
	v9 =	vsel vm13, $0x3F800000, v10  }
0x269: {  	s12 =	sadd.s32 s11, s12;
	v11 =	vsel vm13, $0x186A1, v13;
	[tilespmem:s8+$0xC800] =	vst v9  }
0x26a: {  	v5 =	vadd.f32 v15, v5;
	s14 =	sor.u32 $0x200, s12;
	[tilespmem:s8+$0x8800] =	vst v11  }
0x26b: {  	v12 =	vnsel vm13, $0x0, v14;
	v9 =	vld [tilespmem:s14+$0x4000]  }
0x26c: {  	v5 =	vadd.f32 v12, v5;
	v12 =	vld [tilespmem:s10+$0x0];
	_ =	sdelay $0x3  }
0x26d: {  	v11 =	vld [tilespmem:s14+$0x0]  }
0x26e: {  	v9 =	vmul.f32 v9, v12;
	_ =	sdelay $0x1  }
0x26f: {  	vm14 =	vlt.f32 v9, $1.000000000e+00  }
0x270: {  	s6 =	sadd.s32 $0x40, s6;
	v9 =	vsel vm14, $0x3F800000, v10  }
0x271: {  	v13 =	vld [tilespmem:s6+$0x0];
	v11 =	vsel vm14, $0x186A1, v11;
	[tilespmem:s14+$0xC800] =	vst v9  }
0x272: {  	s15 =	sor.u32 $0x280, s12;
	[tilespmem:s14+$0x8800] =	vst v11  }
0x273: {  	v9 =	vld [tilespmem:s15+$0x4000];
	_ =	sdelay $0x3  }
0x274: {  	v11 =	vld [tilespmem:s15+$0x0]  }
0x275: {  	v9 =	vmul.f32 v9, v12;
	_ =	sdelay $0x1  }
0x276: {  	vm15 =	vlt.f32 v9, $1.000000000e+00  }
0x277: {  	v9 =	vsel vm15, $0x3F800000, v10  }
0x278: {  	v11 =	vsel vm15, $0x186A1, v11;
	[tilespmem:s15+$0xC800] =	vst v9  }
0x279: {  	s21 =	sor.u32 $0x300, s12;
	[tilespmem:s15+$0x8800] =	vst v11  }
0x27a: {  	v9 =	vld [tilespmem:s21+$0x4000];
	_ =	sdelay $0x3  }
0x27b: {  	v11 =	vld [tilespmem:s21+$0x0]  }
0x27c: {  	v9 =	vmul.f32 v9, v12;
	_ =	sdelay $0x1  }
0x27d: {  	vm4 =	vlt.f32 v9, $1.000000000e+00  }
0x27e: {  	v9 =	vsel vm4, $0x3F800000, v10  }
0x27f: {  	s13 =	sadd.s32 $0x10, s12;
	v14 =	vsel vm4, $0x186A1, v11;
	[tilespmem:s21+$0xC800] =	vst v9  }
0x280: {  	s11 =	sadd.s32 $0x20, s12;
	s8 =	sadd.s32 $0x30, s12;
	s12 =	sor.u32 $0x380, s12;
	[tilespmem:s21+$0x8800] =	vst v14  }
0x281: {  	v9 =	vld [tilespmem:s12+$0x4000];
	_ =	sdelay $0x3  }
0x282: {  	v14 =	vld [tilespmem:s12+$0x0]  }
0x283: {  	v9 =	vmul.f32 v9, v12;
	_ =	sdelay $0x1  }
0x284: {  	vm5 =	vlt.f32 v9, $1.000000000e+00  }
0x285: {  	v12 =	vsel vm5, $0x3F800000, v10  }
0x286: {  	s7 =	sadd.s32 $0x40, s7;
	v14 =	vsel vm5, $0x186A1, v14;
	[tilespmem:s12+$0xC800] =	vst v12  }
0x287: {  	s22 =	sand.u32 $0x7C0, s7;
	[tilespmem:s12+$0x8800] =	vst v14  }
0x288: {  	s23 =	sor.u32 $0x200, s13;
	v18 =	vnsel vm14, $0x0, v13;
	v12 =	vld [tilespmem:s22+$0x10890]  }
0x289: {  	v17 =	vnsel vm15, $0x0, v13;
	v11 =	vnsel vm4, $0x0, v13;
	v9 =	vnsel vm5, $0x0, v13;
	v13 =	vld [tilespmem:s23+$0x4000];
	_ =	sdelay $0x3  }
0x28a: {  	v15 =	vld [tilespmem:s23+$0x0]  }
0x28b: {  	v13 =	vmul.f32 v13, v12;
	_ =	sdelay $0x1  }
0x28c: {  	vm6 =	vlt.f32 v13, $1.000000000e+00  }
0x28d: {  	v13 =	vsel vm6, $0x3F800000, v10  }
0x28e: {  	v14 =	vld [tilespmem:s22+$0x8010];
	v15 =	vsel vm6, $0x186A1, v15;
	[tilespmem:s23+$0xC800] =	vst v13  }
0x28f: {  	s24 =	sor.u32 $0x280, s13;
	[tilespmem:s23+$0x8800] =	vst v15  }
0x290: {  	v13 =	vld [tilespmem:s24+$0x4000];
	_ =	sdelay $0x3  }
0x291: {  	v15 =	vld [tilespmem:s24+$0x0]  }
0x292: {  	v13 =	vmul.f32 v13, v12;
	_ =	sdelay $0x1  }
0x293: {  	vm7 =	vlt.f32 v13, $1.000000000e+00  }
0x294: {  	v13 =	vsel vm7, $0x3F800000, v10  }
0x295: {  	v15 =	vsel vm7, $0x186A1, v15;
	[tilespmem:s24+$0xC800] =	vst v13  }
0x296: {  	s25 =	sor.u32 $0x300, s13;
	[tilespmem:s24+$0x8800] =	vst v15  }
0x297: {  	v13 =	vld [tilespmem:s25+$0x4000];
	_ =	sdelay $0x3  }
0x298: {  	v15 =	vld [tilespmem:s25+$0x0]  }
0x299: {  	v13 =	vmul.f32 v13, v12;
	_ =	sdelay $0x1  }
0x29a: {  	vm8 =	vlt.f32 v13, $1.000000000e+00  }
0x29b: {  	v16 =	vsel vm8, $0x3F800000, v10  }
0x29c: {  	v15 =	vsel vm8, $0x186A1, v15;
	[tilespmem:s25+$0xC800] =	vst v16  }
0x29d: {  	s13 =	sor.u32 $0x380, s13;
	[tilespmem:s25+$0x8800] =	vst v15  }
0x29e: {  	v15 =	vld [tilespmem:s13+$0x4000];
	_ =	sdelay $0x3  }
0x29f: {  	v16 =	vld [tilespmem:s13+$0x0]  }
0x2a0: {  	v12 =	vmul.f32 v15, v12;
	_ =	sdelay $0x1  }
0x2a1: {  	vm9 =	vlt.f32 v12, $1.000000000e+00  }
0x2a2: {  	v15 =	vsel vm9, $0x3F800000, v10  }
0x2a3: {  	v16 =	vsel vm9, $0x186A1, v16;
	[tilespmem:s13+$0xC800] =	vst v15  }
0x2a4: {  	v20 =	vnsel vm6, $0x0, v14;
	[tilespmem:s13+$0x8800] =	vst v16  }
0x2a5: {  	s26 =	sor.u32 $0x200, s11;
	v19 =	vnsel vm7, $0x0, v14;
	v13 =	vnsel vm8, $0x0, v14;
	v12 =	vnsel vm9, $0x0, v14;
	v14 =	vld [tilespmem:s22+$0x108A0]  }
0x2a6: {  	v15 =	vld [tilespmem:s26+$0x4000];
	_ =	sdelay $0x3  }
0x2a7: {  	v16 =	vld [tilespmem:s26+$0x0]  }
0x2a8: {  	v15 =	vmul.f32 v15, v14;
	_ =	sdelay $0x1  }
0x2a9: {  	vm10 =	vlt.f32 v15, $1.000000000e+00  }
0x2aa: {  	v21 =	vsel vm10, $0x3F800000, v10  }
0x2ab: {  	v15 =	vld [tilespmem:s22+$0x8020];
	v16 =	vsel vm10, $0x186A1, v16;
	[tilespmem:s26+$0xC800] =	vst v21  }
0x2ac: {  	s28 =	sor.u32 $0x280, s11;
	[tilespmem:s26+$0x8800] =	vst v16  }
0x2ad: {  	v16 =	vld [tilespmem:s28+$0x4000];
	_ =	sdelay $0x3  }
0x2ae: {  	v21 =	vld [tilespmem:s28+$0x0]  }
0x2af: {  	v16 =	vmul.f32 v16, v14;
	_ =	sdelay $0x1  }
0x2b0: {  	vm11 =	vlt.f32 v16, $1.000000000e+00  }
0x2b1: {  	v16 =	vsel vm11, $0x3F800000, v10  }
0x2b2: {  	v21 =	vsel vm11, $0x186A1, v21;
	[tilespmem:s28+$0xC800] =	vst v16  }
0x2b3: {  	s29 =	sor.u32 $0x300, s11;
	[tilespmem:s28+$0x8800] =	vst v21  }
0x2b4: {  	v16 =	vld [tilespmem:s29+$0x4000];
	_ =	sdelay $0x3  }
0x2b5: {  	v21 =	vld [tilespmem:s29+$0x0]  }
0x2b6: {  	v16 =	vmul.f32 v16, v14;
	_ =	sdelay $0x1  }
0x2b7: {  	vm12 =	vlt.f32 v16, $1.000000000e+00  }
0x2b8: {  	v24 =	vsel vm12, $0x3F800000, v10  }
0x2b9: {  	v21 =	vsel vm12, $0x186A1, v21;
	[tilespmem:s29+$0xC800] =	vst v24  }
0x2ba: {  	s11 =	sor.u32 $0x380, s11;
	[tilespmem:s29+$0x8800] =	vst v21  }
0x2bb: {  	v21 =	vld [tilespmem:s11+$0x4000];
	_ =	sdelay $0x3  }
0x2bc: {  	v24 =	vld [tilespmem:s11+$0x0]  }
0x2bd: {  	v14 =	vmul.f32 v21, v14;
	_ =	sdelay $0x1  }
0x2be: {  	vm13 =	vlt.f32 v14, $1.000000000e+00  }
0x2bf: {  	v14 =	vsel vm13, $0x3F800000, v10  }
0x2c0: {  	v21 =	vsel vm13, $0x186A1, v24;
	[tilespmem:s11+$0xC800] =	vst v14  }
0x2c1: {  	[tilespmem:s11+$0x8800] =	vst v21  }
0x2c2: {  	s30 =	sor.u32 $0x200, s8;
	v21 =	vld [tilespmem:s22+$0x108B0]  }
0x2c3: {  	v63 =	vld [tilespmem:s30+$0x4000];
	_ =	sdelay $0x3  }
0x2c4: {  	v25 =	vld [tilespmem:s30+$0x0]  }
0x2c5: {  	v8 =	vadd.f32 v18, v8;
	v18 =	vmul.f32 v63, v21;
	_ =	sdelay $0x1  }
0x2c6: {  	vm14 =	vlt.f32 v18, $1.000000000e+00  }
0x2c7: {  	v18 =	vsel vm14, $0x3F800000, v10  }
0x2c8: {  	v8 =	vadd.f32 v20, v8;
	v14 =	vld [tilespmem:s22+$0x8030];
	v20 =	vsel vm14, $0x186A1, v25;
	[tilespmem:s30+$0xC800] =	vst v18  }
0x2c9: {  	s31 =	sor.u32 $0x280, s8;
	[tilespmem:s30+$0x8800] =	vst v20  }
0x2ca: {  	v18 =	vld [tilespmem:s31+$0x4000];
	_ =	sdelay $0x3  }
0x2cb: {  	v20 =	vld [tilespmem:s31+$0x0]  }
0x2cc: {  	v6 =	vadd.f32 v17, v6;
	v17 =	vmul.f32 v18, v21  }
0x2cd: {  	p1 =	sne.s32 s9, $0x3E00  }
.Ltmp2:
0x2ce: {  	v6 =	vadd.f32 v19, v6;
	vm15 =	vlt.f32 v17, $1.000000000e+00;
	(pc) =	sbr.rel @p1 .LBB2_5-.Ltmp2, $4  }
0x2cf: {  	v22 =	vnsel vm10, $0x0, v15;
	v23 =	vnsel vm11, $0x0, v15;
	v17 =	vsel vm15, $0x3F800000, v10  }
0x2d0: {  	v8 =	vadd.f32 v22, v8;
	v6 =	vadd.f32 v23, v6;
	v18 =	vsel vm15, $0x186A1, v20;
	[tilespmem:s31+$0xC800] =	vst v17  }
0x2d1: {  	v16 =	vnsel vm12, $0x0, v15;
	s11 =	sor.u32 $0x300, s8;
	v22 =	vnsel vm14, $0x0, v14;
	v19 =	vnsel vm15, $0x0, v14;
	[tilespmem:s31+$0x8800] =	vst v18  }
0x2d2: {  	s9 =	sadd.s32 $0x200, s9;
	s10 =	sadd.s32 $0x40, s10;
	v15 =	vnsel vm13, $0x0, v15;
	v8 =	vadd.f32 v22, v8;
	v6 =	vadd.f32 v19, v6;
	v17 =	vld [tilespmem:s11+$0x4000]  }
0x2d3: {  	_ =	sdelay $0x2  }
0x2d4: {  	v18 =	vld [tilespmem:s11+$0x0]  }
0x2d5: {  	v17 =	vmul.f32 v17, v21;
	_ =	sdelay $0x1  }
0x2d6: {  	vm1 =	vlt.f32 v17, $1.000000000e+00  }
0x2d7: {  	v17 =	vsel vm1, $0x3F800000, v10  }
0x2d8: {  	v48 =	vsel vm1, $0x186A1, v18;
	[tilespmem:s11+$0xC800] =	vst v17  }
0x2d9: {  	s6 =	sor.u32 $0x380, s8;
	[tilespmem:s11+$0x8800] =	vst v48  }
0x2da: {  	v17 =	vld [tilespmem:s6+$0x4000];
	_ =	sdelay $0x3  }
0x2db: {  	v49 =	vld [tilespmem:s6+$0x0]  }
0x2dc: {  	v17 =	vmul.f32 v17, v21;
	_ =	sdelay $0x1  }
0x2dd: {  	vm0 =	vlt.f32 v17, $1.000000000e+00  }
0x2de: {  	v50 =	vsel vm0, $0x3F800000, v10  }
0x2df: {  	v17 =	vsel vm0, $0x186A1, v49;
	[tilespmem:s6+$0xC800] =	vst v50  }
0x2e0: {  	s7 =	simm.s32 $0x8A00;
	[tilespmem:s6+$0x8800] =	vst v17;
	s6 =	sadd.s32 s4, s5;
	s4 =	simm.s32 $0x0  }
0x2e1: {  	[hbm4b:s6+s4] =	stream.linear.scatter [tilespmem:s7], [sflag:$0x3], $0x200, $0x38;
	[tilespmem:$0x11080] =	vst v63  }
0x2e2: {  	s29 =	simm.s32 $0x8E00;
	s28 =	sadd.s32 $0x80, s6  }
0x2e3: {  	[hbm4b:s28+s4] =	stream.linear.scatter [tilespmem:s29], [sflag:$0x3], $0x200, $0x38;
	[tilespmem:$0x11080] =	vst v63  }
0x2e4: {  	s31 =	simm.s32 $0x9200;
	s30 =	sadd.s32 $0x100, s6  }
0x2e5: {  	[hbm4b:s30+s4] =	stream.linear.scatter [tilespmem:s31], [sflag:$0x3], $0x200, $0x38;
	[tilespmem:$0x11080] =	vst v63  }
0x2e6: {  	s10 =	simm.s32 $0x9600;
	s9 =	sadd.s32 $0x180, s6  }
0x2e7: {  	[hbm4b:s9+s4] =	stream.linear.scatter [tilespmem:s10], [sflag:$0x3], $0x200, $0x38;
	[tilespmem:$0x11080] =	vst v63  }
0x2e8: {  	s12 =	simm.s32 $0x9A00;
	s11 =	sadd.s32 $0x200, s6  }
0x2e9: {  	[hbm4b:s11+s4] =	stream.linear.scatter [tilespmem:s12], [sflag:$0x3], $0x200, $0x38;
	[tilespmem:$0x11080] =	vst v63  }
0x2ea: {  	s14 =	simm.s32 $0x9E00;
	s13 =	sadd.s32 $0x280, s6  }
0x2eb: {  	[hbm4b:s13+s4] =	stream.linear.scatter [tilespmem:s14], [sflag:$0x3], $0x200, $0x38;
	[tilespmem:$0x11080] =	vst v63  }
0x2ec: {  	s16 =	simm.s32 $0xA200;
	s15 =	sadd.s32 $0x300, s6  }
0x2ed: {  	[hbm4b:s15+s4] =	stream.linear.scatter [tilespmem:s16], [sflag:$0x3], $0x200, $0x38;
	[tilespmem:$0x11080] =	vst v63  }
0x2ee: {  	s18 =	simm.s32 $0xA600;
	s17 =	sadd.s32 $0x380, s6  }
0x2ef: {  	[hbm4b:s17+s4] =	stream.linear.scatter [tilespmem:s18], [sflag:$0x3], $0x200, $0x38;
	[tilespmem:$0x11080] =	vst v63  }
0x2f0: {  	s20 =	simm.s32 $0xAA00;
	s19 =	sadd.s32 $0x400, s6  }
0x2f1: {  	[hbm4b:s19+s4] =	stream.linear.scatter [tilespmem:s20], [sflag:$0x3], $0x200, $0x38;
	[tilespmem:$0x11080] =	vst v63  }
0x2f2: {  	s22 =	simm.s32 $0xAE00;
	s21 =	sadd.s32 $0x480, s6  }
0x2f3: {  	[hbm4b:s21+s4] =	stream.linear.scatter [tilespmem:s22], [sflag:$0x3], $0x200, $0x38;
	[tilespmem:$0x11080] =	vst v63  }
0x2f4: {  	s24 =	simm.s32 $0xB200;
	s23 =	sadd.s32 $0x500, s6  }
0x2f5: {  	[hbm4b:s23+s4] =	stream.linear.scatter [tilespmem:s24], [sflag:$0x3], $0x200, $0x38;
	[tilespmem:$0x11080] =	vst v63  }
0x2f6: {  	s26 =	simm.s32 $0xB600;
	s25 =	sadd.s32 $0x580, s6  }
0x2f7: {  	[hbm4b:s25+s4] =	stream.linear.scatter [tilespmem:s26], [sflag:$0x3], $0x200, $0x38;
	[tilespmem:$0x11080] =	vst v63  }
0x2f8: {  	s28 =	sadd.s32 $0x600, s6;
	s29 =	simm.s32 $0xBA00  }
0x2f9: {  	[hbm4b:s28+s4] =	stream.linear.scatter [tilespmem:s29], [sflag:$0x3], $0x200, $0x38;
	[tilespmem:$0x11080] =	vst v63  }
0x2fa: {  	s30 =	sadd.s32 $0x680, s6;
	s31 =	simm.s32 $0xBE00  }
0x2fb: {  	(v2sf) =	vpush v1, $0x0;
	[hbm4b:s30+s4] =	stream.linear.scatter [tilespmem:s31], [sflag:$0x3], $0x200, $0x38;
	[tilespmem:$0x11080] =	vst v63  }
0x2fc: {  	s9 =	sadd.s32 $0x700, s6;
	s10 =	simm.s32 $0xC200  }
0x2fd: {  	(v2sf) =	vpush v1, $0x1;
	[hbm4b:s9+s4] =	stream.linear.scatter [tilespmem:s10], [sflag:$0x3], $0x200, $0x38;
	[tilespmem:$0x11080] =	vst v63  }
0x2fe: {  	s6 =	sadd.s32 $0x780, s6;
	s11 =	simm.s32 $0xC600  }
0x2ff: {  	(v2sf) =	vpush v1, $0x2;
	[hbm4b:s6+s4] =	stream.linear.scatter [tilespmem:s11], [sflag:$0x3], $0x200, $0x38;
	[tilespmem:$0x11080] =	vst v63  }
0x300: {  	s3 =	sadd.s32 s3, s5;
	s12 =	simm.s32 $0xCA00  }
0x301: {  	(v2sf) =	vpush v1, $0x3;
	[hbm4b:s3+s4] =	stream.linear.scatter [tilespmem:s12], [sflag:$0x3], $0x200, $0x38;
	[tilespmem:$0x11080] =	vst v63  }
0x302: {  	s13 =	sadd.s32 $0x80, s3;
	s14 =	simm.s32 $0xCE00  }
0x303: {  	(v2sf) =	vpush v1, $0x4;
	[hbm4b:s13+s4] =	stream.linear.scatter [tilespmem:s14], [sflag:$0x3], $0x200, $0x38;
	[tilespmem:$0x11080] =	vst v63  }
0x304: {  	s15 =	sadd.s32 $0x100, s3;
	s16 =	simm.s32 $0xD200  }
0x305: {  	(v2sf) =	vpush v1, $0x5;
	[hbm4b:s15+s4] =	stream.linear.scatter [tilespmem:s16], [sflag:$0x3], $0x200, $0x38;
	[tilespmem:$0x11080] =	vst v63  }
0x306: {  	s8 =	sadd.s32 $0x580, s3;
	s17 =	sadd.s32 $0x180, s3;
	s18 =	simm.s32 $0xD600  }
0x307: {  	(v2sf) =	vpush v1, $0x6;
	[hbm4b:s17+s4] =	stream.linear.scatter [tilespmem:s18], [sflag:$0x3], $0x200, $0x38;
	[tilespmem:$0x11080] =	vst v63  }
0x308: {  	s7 =	simm.s32 $0xF200;
	s19 =	sadd.s32 $0x200, s3;
	s20 =	simm.s32 $0xDA00  }
0x309: {  	(v2sf) =	vpush v1, $0x7;
	[hbm4b:s19+s4] =	stream.linear.scatter [tilespmem:s20], [sflag:$0x3], $0x200, $0x38;
	[tilespmem:$0x11080] =	vst v63  }
0x30a: {  	(v2sf) =	vpush v1, $0x8;
	s21 =	sadd.s32 $0x280, s3;
	s22 =	simm.s32 $0xDE00;
	s16 =	spop (v2sf)  }
0x30b: {  	[hbm4b:s21+s4] =	stream.linear.scatter [tilespmem:s22], [sflag:$0x3], $0x200, $0x38;
	[tilespmem:$0x11080] =	vst v63  }
0x30c: {  	(v2sf) =	vpush v1, $0x9;
	s23 =	sadd.s32 $0x300, s3;
	s24 =	simm.s32 $0xE200;
	s17 =	spop (v2sf)  }
0x30d: {  	v51 =	vlaneseq.u32;
	(v2sf) =	vpush v1, $0xA;
	[hbm4b:s23+s4] =	stream.linear.scatter [tilespmem:s24], [sflag:$0x3], $0x200, $0x38;
	[tilespmem:$0x11080] =	vst v63  }
0x30e: {  	v10 =	vmul.u32 $0xFFFFFFFF, v51;
	s25 =	sadd.s32 $0x380, s3;
	s26 =	simm.s32 $0xE600;
	s18 =	spop (v2sf)  }
0x30f: {  	(v2sf) =	vpush v1, $0xB;
	[hbm4b:s25+s4] =	stream.linear.scatter [tilespmem:s26], [sflag:$0x3], $0x200, $0x38;
	[tilespmem:$0x11080] =	vst v63  }
0x310: {  	(v2sf) =	vpush v1, $0xC;
	v10 =	vadd.s32 $0xF, v10;
	s28 =	sadd.s32 $0x400, s3;
	s29 =	simm.s32 $0xEA00;
	s19 =	spop (v2sf)  }
0x311: {  	v52 =	vperm.xlane v4, v10;
	[hbm4b:s28+s4] =	stream.linear.scatter [tilespmem:s29], [sflag:$0x3], $0x200, $0x38;
	[tilespmem:$0x11080] =	vst v63  }
0x312: {  	(v2sf) =	vpush v1, $0xD;
	s30 =	sadd.s32 $0x480, s3;
	s31 =	simm.s32 $0xEE00;
	s20 =	spop (v2sf)  }
0x313: {  	(v2sf) =	vpush v1, $0xE;
	v4 =	vadd.f32 v52, v4;
	[hbm4b:s30+s4] =	stream.linear.scatter [tilespmem:s31], [sflag:$0x3], $0x200, $0x38;
	[tilespmem:$0x11080] =	vst v63  }
0x314: {  	s6 =	sadd.s32 $0x500, s3;
	(v2sf) =	vpush v1, $0xF;
	s5 =	sadd.f32 s17, s16;
	s21 =	spop (v2sf)  }
0x315: {  	(v2sf) =	vpush v4, $0x0;
	[hbm4b:s6+s4] =	stream.linear.scatter [tilespmem:s7], [sflag:$0x3], $0x200, $0x38;
	[tilespmem:$0x11080] =	vst v63  }
0x316: {  	s9 =	simm.s32 $0xF600;
	(v2sf) =	vpush v4, $0x1;
	s5 =	sadd.f32 s5, s18;
	s22 =	spop (v2sf)  }
0x317: {  	(v2sf) =	vpush v4, $0x2;
	[hbm4b:s8+s4] =	stream.linear.scatter [tilespmem:s9], [sflag:$0x3], $0x200, $0x38;
	[tilespmem:$0x11080] =	vst v63  }
0x318: {  	s10 =	sadd.s32 $0x600, s3;
	(v2sf) =	vpush v4, $0x3;
	s9 =	spop (v2sf)  }
0x319: {  	v53 =	vperm.xlane v3, v10;
	s11 =	simm.s32 $0xFA00;
	(v2sf) =	vpush v4, $0x4;
	s5 =	sadd.f32 s5, s19;
	s23 =	spop (v2sf)  }
0x31a: {  	(v2sf) =	vpush v4, $0x5;
	[hbm4b:s10+s4] =	stream.linear.scatter [tilespmem:s11], [sflag:$0x3], $0x200, $0x38;
	[tilespmem:$0x11080] =	vst v63  }
0x31b: {  	s12 =	sadd.s32 $0x680, s3;
	v1 =	vadd.f32 v53, v3;
	(v2sf) =	vpush v4, $0x6;
	s10 =	spop (v2sf)  }
0x31c: {  	s13 =	simm.s32 $0xFE00;
	s5 =	sadd.f32 s5, s20;
	(v2sf) =	vpush v4, $0x7;
	s24 =	spop (v2sf)  }
0x31d: {  	(v2sf) =	vpush v1, $0x0;
	[hbm4b:s12+s4] =	stream.linear.scatter [tilespmem:s13], [sflag:$0x3], $0x200, $0x38;
	[tilespmem:$0x11080] =	vst v63  }
0x31e: {  	s14 =	sadd.s32 $0x700, s3;
	(v2sf) =	vpush v1, $0x1;
	s25 =	spop (v2sf)  }
0x31f: {  	s15 =	simm.s32 $0x10200;
	s5 =	sadd.f32 s5, s21;
	(v2sf) =	vpush v1, $0x2;
	s26 =	spop (v2sf)  }
0x320: {  	(v2sf) =	vpush v1, $0x3;
	[hbm4b:s14+s4] =	stream.linear.scatter [tilespmem:s15], [sflag:$0x3], $0x200, $0x38;
	[tilespmem:$0x11080] =	vst v63  }
0x321: {  	v54 =	vperm.xlane v2, v10;
	s12 =	spop (v2sf);
	(v2sf) =	vpush v1, $0x4  }
0x322: {  	s5 =	sadd.f32 s5, s22;
	s28 =	spop (v2sf);
	(v2sf) =	vpush v1, $0x5  }
0x323: {  	v2 =	vadd.f32 v54, v2;
	s13 =	spop (v2sf);
	(v2sf) =	vpush v1, $0x6  }
0x324: {  	s5 =	sadd.f32 s5, s9;
	s14 =	spop (v2sf);
	(v2sf) =	vpush v1, $0x7  }
0x325: {  	s15 =	spop (v2sf);
	(v2sf) =	vpush v2, $0x0  }
0x326: {  	s5 =	sadd.f32 s5, s23;
	s29 =	spop (v2sf);
	(v2sf) =	vpush v2, $0x1  }
0x327: {  	s16 =	spop (v2sf);
	(v2sf) =	vpush v2, $0x2  }
0x328: {  	s5 =	sadd.f32 s5, s10;
	s30 =	spop (v2sf);
	(v2sf) =	vpush v2, $0x3  }
0x329: {  	v55 =	vperm.xlane v0, v10;
	s17 =	spop (v2sf);
	(v2sf) =	vpush v2, $0x4  }
0x32a: {  	s5 =	sadd.f32 s5, s24;
	s11 =	spop (v2sf);
	(v2sf) =	vpush v2, $0x5  }
0x32b: {  	v0 =	vadd.f32 v55, v0;
	s6 =	spop (v2sf);
	(v2sf) =	vpush v2, $0x6  }
0x32c: {  	s5 =	sadd.f32 s5, s25;
	s31 =	spop (v2sf);
	(v2sf) =	vpush v2, $0x7  }
0x32d: {  	s18 =	spop (v2sf);
	(v2sf) =	vpush v0, $0x0  }
0x32e: {  	s5 =	sadd.f32 s5, s26;
	s21 =	spop (v2sf);
	(v2sf) =	vpush v0, $0x1  }
0x32f: {  	s14 =	sadd.f32 s15, s14;
	s19 =	spop (v2sf);
	(v2sf) =	vpush v0, $0x2  }
0x330: {  	s5 =	sadd.f32 s5, s12;
	s22 =	spop (v2sf);
	(v2sf) =	vpush v0, $0x3  }
0x331: {  	v56 =	vperm.xlane v8, v10;
	s10 =	sadd.f32 s14, s29;
	s20 =	spop (v2sf);
	(v2sf) =	vpush v0, $0x4  }
0x332: {  	s5 =	sadd.f32 s5, s28;
	s23 =	spop (v2sf);
	(v2sf) =	vpush v0, $0x5  }
0x333: {  	v1 =	vadd.f32 v56, v8;
	s10 =	sadd.f32 s10, s16;
	s24 =	spop (v2sf);
	(v2sf) =	vpush v0, $0x6  }
0x334: {  	s7 =	sadd.f32 s18, s31;
	s25 =	spop (v2sf);
	(v2sf) =	vpush v0, $0x7  }
0x335: {  	s8 =	sadd.f32 s10, s30;
	s26 =	spop (v2sf);
	(v2sf) =	vpush v1, $0x0  }
0x336: {  	s7 =	sadd.f32 s7, s21;
	s28 =	spop (v2sf);
	(v2sf) =	vpush v1, $0x1  }
0x337: {  	s17 =	sadd.f32 s8, s17;
	s29 =	spop (v2sf);
	(v2sf) =	vpush v1, $0x2  }
0x338: {  	s7 =	sadd.f32 s7, s19;
	s19 =	spop (v2sf);
	(v2sf) =	vpush v1, $0x3  }
0x339: {  	v58 =	vperm.xlane v6, v10;
	s5 =	sadd.f32 s5, s13;
	s10 =	spop (v2sf);
	(v2sf) =	vpush v1, $0x4  }
0x33a: {  	v57 =	vadd.f32 v11, v7;
	s11 =	sadd.f32 s17, s11;
	s9 =	spop (v2sf);
	(v2sf) =	vpush v1, $0x5  }
0x33b: {  	v2 =	vadd.f32 v58, v6;
	s7 =	sadd.f32 s7, s22;
	s8 =	spop (v2sf);
	(v2sf) =	vpush v1, $0x6  }
0x33c: {  	s6 =	sadd.f32 s11, s6;
	v0 =	vadd.f32 v13, v57;
	s30 =	spop (v2sf);
	(v2sf) =	vpush v1, $0x7  }
0x33d: {  	s7 =	sadd.f32 s7, s20;
	s31 =	spop (v2sf);
	(v2sf) =	vpush v2, $0x0  }
0x33e: {  	v0 =	vadd.f32 v16, v0;
	s14 =	sadd.f32 s26, s25;
	s21 =	spop (v2sf);
	(v2sf) =	vpush v2, $0x1  }
0x33f: {  	v59 =	vnsel vm1, $0x0, v14;
	s7 =	sadd.f32 s7, s23;
	s22 =	spop (v2sf);
	(v2sf) =	vpush v2, $0x2  }
0x340: {  	v0 =	vadd.f32 v59, v0;
	s12 =	sadd.f32 s14, s28;
	s23 =	spop (v2sf);
	(v2sf) =	vpush v2, $0x3  }
0x341: {  	v60 =	vadd.f32 v9, v5;
	s7 =	sadd.f32 s7, s24;
	s24 =	spop (v2sf);
	(v2sf) =	vpush v2, $0x4  }
0x342: {  	s6 =	ssub.f32 s6, s5;
	v61 =	vperm.xlane v0, v10;
	s25 =	spop (v2sf)  }
0x343: {  	s12 =	sadd.f32 s12, s29;
	v1 =	vadd.f32 v12, v60;
	(v2sf) =	vpush v2, $0x5;
	s26 =	spop (v2sf)  }
0x344: {  	v0 =	vadd.f32 v61, v0;
	s17 =	sadd.f32 s31, s30;
	(v2sf) =	vpush v2, $0x6;
	s28 =	spop (v2sf)  }
0x345: {  	s12 =	sadd.f32 s12, s19;
	(v2sf) =	vpush v2, $0x7;
	s29 =	spop (v2sf)  }
0x346: {  	v1 =	vadd.f32 v15, v1;
	s13 =	sadd.f32 s17, s21;
	(v2sf) =	vpush v0, $0x0;
	s30 =	spop (v2sf)  }
0x347: {  	v62 =	vnsel vm0, $0x0, v14;
	s7 =	ssub.f32 s7, s5;
	(v2sf) =	vpush v0, $0x1;
	s31 =	spop (v2sf)  }
0x348: {  	v1 =	vadd.f32 v62, v1;
	s11 =	sadd.f32 s13, s22;
	(v2sf) =	vpush v0, $0x2;
	s21 =	spop (v2sf)  }
0x349: {  	s10 =	sadd.f32 s12, s10;
	(v2sf) =	vpush v0, $0x3;
	s12 =	spop (v2sf)  }
0x34a: {  	s11 =	sadd.f32 s11, s23;
	v2 =	vperm.xlane v1, v10;
	(v2sf) =	vpush v0, $0x4;
	s18 =	spop (v2sf)  }
0x34b: {  	s9 =	sadd.f32 s10, s9;
	(v2sf) =	vpush v0, $0x5;
	s10 =	spop (v2sf)  }
0x34c: {  	s11 =	sadd.f32 s11, s24;
	v1 =	vadd.f32 v2, v1;
	(v2sf) =	vpush v0, $0x6;
	s22 =	spop (v2sf)  }
0x34d: {  	s8 =	sadd.f32 s9, s8;
	(v2sf) =	vpush v0, $0x7;
	s23 =	spop (v2sf)  }
0x34e: {  	s11 =	sadd.f32 s11, s25;
	(v2sf) =	vpush v1, $0x0;
	s24 =	spop (v2sf)  }
0x34f: {  	s16 =	sadd.f32 s29, s28;
	(v2sf) =	vpush v1, $0x1;
	s25 =	spop (v2sf)  }
0x350: {  	s11 =	sadd.f32 s11, s26;
	s26 =	spop (v2sf);
	(v2sf) =	vpush v1, $0x2  }
0x351: {  	s13 =	sadd.f32 s16, s30  }
0x352: {  	s9 =	sadd.f32 s23, s22;
	s28 =	spop (v2sf)  }
0x353: {  	s13 =	sadd.f32 s13, s31;
	s29 =	spop (v2sf)  }
0x354: {  	s9 =	sadd.f32 s9, s24;
	s30 =	spop (v2sf)  }
0x355: {  	s13 =	sadd.f32 s13, s21;
	s31 =	spop (v2sf)  }
0x356: {  	s9 =	sadd.f32 s9, s25;
	s21 =	spop (v2sf)  }
0x357: {  	s8 =	ssub.f32 s8, s5;
	(v2sf) =	vpush v1, $0x3;
	s22 =	spop (v2sf)  }
0x358: {  	s9 =	sadd.f32 s9, s26;
	s23 =	spop (v2sf)  }
0x359: {  	s12 =	sadd.f32 s13, s12;
	(v2sf) =	vpush v1, $0x4;
	s24 =	spop (v2sf)  }
0x35a: {  	s9 =	sadd.f32 s9, s28;
	s25 =	spop (v2sf)  }
0x35b: {  	s12 =	sadd.f32 s12, s18;
	(v2sf) =	vpush v1, $0x5;
	s26 =	spop (v2sf)  }
0x35c: {  	s9 =	sadd.f32 s9, s29;
	s28 =	spop (v2sf)  }
0x35d: {  	(v2sf) =	vpush v1, $0x6;
	s15 =	sadd.f32 s21, s31;
	s29 =	spop (v2sf)  }
0x35e: {  	s9 =	sadd.f32 s9, s30;
	s30 =	spop (v2sf)  }
0x35f: {  	s10 =	sadd.f32 s12, s10;
	s31 =	spop (v2sf);
	(v2sf) =	vpush v1, $0x7  }
0x360: {  	s15 =	sadd.f32 s15, s22  }
0x361: {  	s10 =	ssub.f32 s10, s5  }
0x362: {  	s13 =	sadd.f32 s15, s23  }
0x363: {  	s17 =	sadd.f32 s30, s29  }
0x364: {  	s23 =	ssub.f32 s11, s5  }
0x365: {  	s17 =	sadd.f32 s17, s31  }
0x366: {  	s13 =	sadd.f32 s13, s24;
	s19 =	spop (v2sf)  }
0x367: {  	s15 =	sadd.f32 s17, s19  }
0x368: {  	s9 =	ssub.f32 s9, s5;
	s20 =	spop (v2sf)  }
0x369: {  	s15 =	sadd.f32 s15, s20  }
0x36a: {  	s13 =	sadd.f32 s13, s25;
	s21 =	spop (v2sf)  }
0x36b: {  	vm8 =	vcmask $0x300;
	v63 =	vmov s6;
	s15 =	sadd.f32 s15, s21  }
0x36c: {  	vm9 =	vcmask $0x704;
	v0 =	vnsel vm8, $0x0, v63;
	s13 =	sadd.f32 s13, s26;
	s22 =	spop (v2sf)  }
0x36d: {  	vm10 =	vcmask $0xB08;
	v0 =	vsel vm9, s7, v0;
	s14 =	sadd.f32 s15, s22  }
0x36e: {  	vm11 =	vcmask $0xF0C;
	v0 =	vsel vm10, s8, v0;
	s24 =	sadd.f32 s13, s28;
	s25 =	spop (v2sf)  }
0x36f: {  	vm12 =	vcmask $0x1310;
	v0 =	vsel vm11, s23, v0;
	s26 =	sadd.f32 s14, s25  }
0x370: {  	vm13 =	vcmask $0x1714;
	v0 =	vsel vm12, s10, v0;
	s28 =	ssub.f32 s24, s5  }
0x371: {  	vm14 =	vcmask $0x1B18;
	v0 =	vsel vm13, s9, v0;
	s5 =	ssub.f32 s26, s5  }
0x372: {  	vm15 =	vcmask $0x1F1C;
	s3 =	sadd.s32 $0x780, s3;
	s29 =	simm.s32 $0x10600;
	v0 =	vsel vm14, s28, v0  }
0x373: {  	[hbm4b:s3+s4] =	stream.linear.scatter [tilespmem:s29], [sflag:$0x3], $0x200, $0x38;
	v0 =	vsel vm15, s5, v0;
	[tilespmem:$0x11080] =	vst v63  }
0x374: {  	s2 =	sadd.s32 s2, s1;
	s30 =	simm.s32 $0x10800;
	s31 =	simm.s32 $0x3;
	[tilespmem:$0x10800] =	vst v0  }
0x375: {  	[hbm4b:s2+s4] =	stream.linear.scatter [tilespmem:s30], [sflag:$0x3], $0x8, $0x38;
	[tilespmem:$0x11080] =	vst v63  }
0x376: {  	_ =	swait.ge [sflag:s31], $0x2000  }
0x377: {  	[sflag:s31] =	ssyncset.done $0x0  }
0x378: {  	[sflag:s31] =	ssyncadd.s32 $0xFFFFE000  }
0x379: {  	_ =	swait.ge [sflag:s31], $0x2000  }
0x37a: {  	[sflag:s31] =	ssyncset.done $0x0  }
0x37b: {  	[sflag:s31] =	ssyncadd.s32 $0xFFFFE000  }
0x37c: {  	_ =	swait.ge [sflag:s31], $0x2000  }
0x37d: {  	[sflag:s31] =	ssyncset.done $0x0  }
0x37e: {  	[sflag:s31] =	ssyncadd.s32 $0xFFFFE000  }
0x37f: {  	_ =	swait.ge [sflag:s31], $0x2000  }
0x380: {  	[sflag:s31] =	ssyncset.done $0x0  }
0x381: {  	[sflag:s31] =	ssyncadd.s32 $0xFFFFE000  }
0x382: {  	_ =	swait.ge [sflag:s31], $0x8  }
0x383: {  	[sflag:s31] =	ssyncset.done $0x0  }
0x384: {  	[sflag:s31] =	ssyncadd.s32 $0xFFFFFFF8  }
0x385: {  	_ =	sfence.sel $0x180000  }
0x386: {  	[bflag:$0x0] =	sbarrier.arrive $0xFFFF  }
0x387: {  	p0 =	sne.s32 s1, $0x0;
	_ =	strace $0x90000047  }
0x388: {  	s0 =	sadd.s32 @!p0 $0x100000, s0;
	[bflag:$0x2] =	sbarrier.arrive $0xFFFF  }
0x389: {  	[sflag:s0] =	ssyncadd.tile.s32 @!p0 $0x1;
	_ =	shalt  }
.Lfunc_end2:
_tile_overlayer_lowered:
.L_overlay_start_2:
0x38a: {  	(tag) =	ssettag $0x2  }
0x38b: {  	s0 =	rddreg [dreg:$0x0];
	s2 =	stileid.u32  }
0x38c: {  	s1 =	rddreg [dreg:$0x1];
	p0 =	sne.s32 s2, $0x0  }
0x38d: {  	s3 =	rddreg [dreg:$0x2];
	[bflag:$0x3] =	sbarrier.arrive $0xFFFF;
	s2 =	simm.s32 @!p0 $0x1C04  }
0x38e: {  	[timem:s3], [sflag:s2] =	dma.local @!p0 [hbm:s0], s1  }
0x38f: {  	s0 =	simm.s32 @!p0 $0x4  }
0x390: {  	_ =	swait.ge @!p0 [sflag:s0], s1  }
0x391: {  	s1 =	ssub.s32 @!p0 $0x0, s1;
	[sflag:s0] =	ssyncset.done @!p0 $0x0  }
0x392: {  	[sflag:s0] =	ssyncadd.s32 @!p0 s1  }
0x393: {  	[bflag:$0x3] =	sbarrier.arrive $0xFFFF  }
0x394: {  	_ =	shalt  }

</sc_bundles>
